<compile_context>
chip_gen: v7x
topology: tpu7x:2x2x1
jax: 0.10.2.dev20260603
libtpu: 0.0.44.dev20260713+nightly
codegen_flags: <defaults>
</compile_context>

<pallas_src>
import jax
import jax.numpy as jnp
from jax import lax
from jax.experimental import pallas as pl
from jax.experimental.pallas import tpu as pltpu
from jax.experimental.pallas import tpu_sc as plsc

N_NODES = 10000
N_EDGES = 320000
D = 128

NUM_CORES = 2
NUM_SUBCORES = 16
NW = NUM_CORES * NUM_SUBCORES

CH = 128
NCHUNKS = 80
EPW = NCHUNKS * CH
E_PAD = EPW * NW
N_ACC = 10240
ROWS_PER_TILE = N_ACC // NUM_SUBCORES


def _conv_body(table, srcp, dstp, out, idxs_v, idxd_v, r0, r1,
               acc, sg0, sg1, si0, si1):
    c = lax.axis_index("c")
    s = lax.axis_index("s")
    wid = s * NUM_CORES + c
    rows = [r0, r1]
    sg = [sg0, sg1]
    si = [si0, si1]

    base = wid * NCHUNKS

    def _fire_idx(j, b):
        pltpu.async_copy(srcp.at[base + j], idxs_v.at[b], si[b])
        pltpu.async_copy(dstp.at[base + j], idxd_v.at[b], si[b])

    def _wait_idx(b):
        pltpu.make_async_copy(srcp.at[0], idxs_v.at[b], si[b]).wait()
        pltpu.make_async_copy(dstp.at[0], idxd_v.at[b], si[b]).wait()

    def _fire_gather(b):
        pltpu.async_copy(table.at[idxs_v.at[b]], rows[b], sg[b])

    def _wait_gather(b):
        pltpu.make_async_copy(table.at[pl.ds(0, CH)], rows[b], sg[b]).wait()

    def _scatter(b):
        pltpu.sync_copy(rows[b], acc.at[idxd_v.at[b]], add=True)

    _fire_idx(0, 0)
    _fire_idx(1, 1)
    _wait_idx(0)
    _fire_gather(0)

    def _zrow(r, _):
        for j in range(D // 16):
            r1[r, pl.ds(j * 16, 16)] = jnp.zeros((16,), jnp.float32)
        return 0
    lax.fori_loop(0, CH, _zrow, 0)
    for j in range(ROWS_PER_TILE // CH):
        pltpu.sync_copy(r1, acc.at[pl.ds(s * ROWS_PER_TILE + j * CH, CH)])
    plsc.subcore_barrier()

    def _slot(j, b):
        _wait_idx(1 - b)
        _fire_gather(1 - b)
        _wait_gather(b)
        _scatter(b)
        _fire_idx(j + 2, b)

    def _group(g, _):
        j = 2 * g
        _slot(j, 0)
        _slot(j + 1, 1)
        return 0
    lax.fori_loop(0, (NCHUNKS - 2) // 2, _group, 0)

    _wait_idx(1)
    _fire_gather(1)
    _wait_gather(0)
    _scatter(0)
    _wait_gather(1)
    _scatter(1)
    plsc.subcore_barrier()

    for j in range(ROWS_PER_TILE // CH):
        b = j % 2
        if j >= 2:
            pltpu.make_async_copy(table.at[pl.ds(0, CH)], rows[b],
                                  sg[b]).wait()
        rr = s * ROWS_PER_TILE + j * CH
        pltpu.sync_copy(acc.at[pl.ds(rr, CH)], rows[b])
        pltpu.async_copy(rows[b], out.at[c, pl.ds(rr, CH)], sg[b])
    for b in range(2):
        pltpu.make_async_copy(table.at[pl.ds(0, CH)], rows[b], sg[b]).wait()


_sc_conv = pl.kernel(
    _conv_body,
    out_type=jax.ShapeDtypeStruct((NUM_CORES, N_ACC, D), jnp.float32),
    mesh=plsc.VectorSubcoreMesh(core_axis_name="c", subcore_axis_name="s"),
    scratch_types=[
        pltpu.VMEM((2, CH), jnp.int32),
        pltpu.VMEM((2, CH), jnp.int32),
        pltpu.VMEM((CH, D), jnp.float32),
        pltpu.VMEM((CH, D), jnp.float32),
        pltpu.VMEM_SHARED((N_ACC, D), jnp.float32),
        pltpu.SemaphoreType.DMA,
        pltpu.SemaphoreType.DMA,
        pltpu.SemaphoreType.DMA,
        pltpu.SemaphoreType.DMA,
    ],
)


BLK = 2000
_PREC = lax.Precision.HIGHEST


def _lin_body(p_ref, w_ref, b_ref, o_ref):
    agg = p_ref[0] + p_ref[1]
    o_ref[...] = jnp.dot(agg, w_ref[...], preferred_element_type=jnp.float32,
                         precision=_PREC) + b_ref[...]


def _tc_linear(p, W, b):
    return pl.pallas_call(
        _lin_body,
        grid=(N_NODES // BLK,),
        in_specs=[
            pl.BlockSpec((NUM_CORES, BLK, D), lambda i: (0, i, 0)),
            pl.BlockSpec((D, D), lambda i: (0, 0)),
            pl.BlockSpec((1, D), lambda i: (0, 0)),
        ],
        out_specs=pl.BlockSpec((BLK, D), lambda i: (i, 0)),
        out_shape=jax.ShapeDtypeStruct((N_NODES, D), jnp.float32),
    )(p, W, b.reshape(1, D))


def _head_body(q_ref, w2_ref, b2_ref, wp_ref, bp_ref, ws_ref, bs_ref, o_ref):
    agg = q_ref[0] + q_ref[1]
    h2 = jnp.dot(agg, w2_ref[...], preferred_element_type=jnp.float32,
                 precision=_PREC) + b2_ref[...]
    r = jnp.maximum(h2, 0.0)
    proj = jnp.dot(r, wp_ref[...], preferred_element_type=jnp.float32,
                   precision=_PREC) + bp_ref[...]
    sol = jnp.dot(proj, ws_ref[...], preferred_element_type=jnp.float32,
                  precision=_PREC) + bs_ref[...]
    o_ref[...] = jnp.clip(sol, -4.0, 4.0)


def _tc_head(q, W2, b2, Wproj, bproj, Wsol, bsol):
    psq = Wproj.shape[1]
    return pl.pallas_call(
        _head_body,
        grid=(N_NODES // BLK,),
        in_specs=[
            pl.BlockSpec((NUM_CORES, BLK, D), lambda i: (0, i, 0)),
            pl.BlockSpec((D, D), lambda i: (0, 0)),
            pl.BlockSpec((1, D), lambda i: (0, 0)),
            pl.BlockSpec((D, psq), lambda i: (0, 0)),
            pl.BlockSpec((1, psq), lambda i: (0, 0)),
            pl.BlockSpec((psq, 1), lambda i: (0, 0)),
            pl.BlockSpec((1, 1), lambda i: (0, 0)),
        ],
        out_specs=pl.BlockSpec((BLK, 1), lambda i: (i, 0)),
        out_shape=jax.ShapeDtypeStruct((N_NODES, 1), jnp.float32),
    )(q, W2, b2.reshape(1, D), Wproj, bproj.reshape(1, psq),
      Wsol, bsol.reshape(1, 1))


def kernel(x, edge_index, W1, b1, W2, b2, Wproj, bproj, Wsol, bsol):
    n_pad = E_PAD - N_EDGES
    pad_src = (jnp.arange(n_pad, dtype=jnp.int32) * 7) % N_NODES
    pad_dst = N_NODES + (jnp.arange(n_pad, dtype=jnp.int32) % (N_ACC - N_NODES))
    srcp = jnp.concatenate([edge_index[0], pad_src]).reshape(NW * NCHUNKS, CH)
    dstp = jnp.concatenate([edge_index[1], pad_dst]).reshape(NW * NCHUNKS, CH)

    p = _sc_conv(x, srcp, dstp)
    h = _tc_linear(p, W1, b1)
    q = _sc_conv(h, srcp, dstp)
    return _tc_head(q, W2, b2, Wproj, bproj, Wsol, bsol)

# --- scband reference (transcript-rebuilt; emitter-appended) ---
"""Pipeline reference for scband-image-gnn-45801531245237 (READ-ONLY COPY).

The authoritative reference and input builder live on the scoring server;
editing this copy changes nothing except your own understanding.
"""

import jax, jax.numpy as jnp
import numpy as np

N_NODES = 10000
N_EDGES = 320000
D_FEAT = 128
HIDDEN = 128
PATCH = 8
PATCH_SQ = PATCH * PATCH  # 64


def setup_inputs(seed: int = 0) -> dict:
    key = jax.random.key(seed)
    ks = jax.random.split(key, 10)
    x = jax.random.normal(ks[0], (N_NODES, D_FEAT), dtype=jnp.float32)
    edge_index = jax.random.randint(ks[1], (2, N_EDGES), 0, N_NODES, dtype=jnp.int32)
    # learned parameters for the single-scale (patch=8) block:
    # two graph conv layers (h_size=[128,128]), a projection to patch**2=64, a solution head to 1
    W1 = jax.random.normal(ks[2], (D_FEAT, HIDDEN), dtype=jnp.float32) * 0.05
    b1 = jnp.zeros((HIDDEN,), dtype=jnp.float32)
    W2 = jax.random.normal(ks[3], (HIDDEN, HIDDEN), dtype=jnp.float32) * 0.05
    b2 = jnp.zeros((HIDDEN,), dtype=jnp.float32)
    Wproj = jax.random.normal(ks[4], (HIDDEN, PATCH_SQ), dtype=jnp.float32) * 0.05
    bproj = jnp.zeros((PATCH_SQ,), dtype=jnp.float32)
    Wsol = jax.random.normal(ks[5], (PATCH_SQ, 1), dtype=jnp.float32) * 0.05
    bsol = jnp.zeros((1,), dtype=jnp.float32)
    return {"x": x, "edge_index": edge_index, "W1": W1, "b1": b1, "W2": W2, "b2": b2,
            "Wproj": Wproj, "bproj": bproj, "Wsol": Wsol, "bsol": bsol}


def _gcn_conv(x, src, dst, W, b):
    # GCN-style message passing: gather source features, scatter-add into dst, then linear
    msgs = jnp.take(x, src, axis=0)
    agg = jax.ops.segment_sum(msgs, dst, num_segments=N_NODES)
    return agg @ W + b


def reference(x, edge_index, W1, b1, W2, b2, Wproj, bproj, Wsol, bsol):
    src = edge_index[0]
    dst = edge_index[1]
    # conv_block: sequential graph convs, relu at the end
    h = _gcn_conv(x, src, dst, W1, b1)
    h = _gcn_conv(h, src, dst, W2, b2)
    h = jax.nn.relu(h)
    # projection to patch**2 features (new batch.x)
    proj = h @ Wproj + bproj
    # solution head with clamp(-4, 4)
    sol = jnp.clip(proj @ Wsol + bsol, -4.0, 4.0)
    return sol

if __name__ == "__main__":
    import jax
    _d = setup_inputs()
    print(jax.jit(kernel)(*tuple(_d.values())))

</pallas_src>

<mosaic_0001>
#map = affine_map<(d0, d1) -> (0, 0)>
#map1 = affine_map<(d0, d1) -> (0, 0, 0)>
module attributes {stable_mosaic.version = 14 : i64} {
  func.func @_conv_body(%arg0: i32, %arg1: i32, %arg2: memref<10000x128xf32, #tpu.memory_space<hbm>>, %arg3: memref<2560x128xi32, #tpu.memory_space<hbm>>, %arg4: memref<2560x128xi32, #tpu.memory_space<hbm>>, %arg5: memref<2x10240x128xf32, #tpu.memory_space<hbm>>, %arg6: memref<2x128xi32, #tpu.memory_space<vmem>>, %arg7: memref<2x128xi32, #tpu.memory_space<vmem>>, %arg8: memref<128x128xf32, #tpu.memory_space<vmem>>, %arg9: memref<128x128xf32, #tpu.memory_space<vmem>>, %arg10: memref<10240x128xf32, #tpu.memory_space<vmem_shared>>, %arg11: memref<!tpu.dma_semaphore, #tpu.memory_space<semaphore_mem>>, %arg12: memref<!tpu.dma_semaphore, #tpu.memory_space<semaphore_mem>>, %arg13: memref<!tpu.dma_semaphore, #tpu.memory_space<semaphore_mem>>, %arg14: memref<!tpu.dma_semaphore, #tpu.memory_space<semaphore_mem>>) attributes {dimension_semantics = [#tpu.dimension_semantics<core_parallel>, #tpu.dimension_semantics<subcore_parallel>], iteration_bounds = array<i64: 2, 16>, scalar_prefetch = 0 : i64, scratch_operands = 9 : i64, tpu.core_type = #tpu.core_type<sc_vector_subcore>, window_params = [{transform_indices = #map}, {transform_indices = #map}, {transform_indices = #map}, {transform_indices = #map1}]} {
    %mul3A = arith.constant 2 : i32
    %mul3A_0 = arith.muli %arg1, %mul3A : i32
    %add3A = arith.addi %mul3A_0, %arg0 : i32
    %mul3A_1 = arith.constant 80 : i32
    %mul3A_2 = arith.muli %add3A, %mul3A_1 : i32
    %add3A_3 = arith.constant 0 : i32
    %add3A_4 = arith.addi %mul3A_2, %add3A_3 : i32
    %dma_start3A = arith.constant 0 : i32
    %dma_start3A_5 = arith.constant 0 : i32
    %dma_start3A_6 = tpu.memref_slice %arg6[%dma_start3A, %dma_start3A_5] : memref<2x128xi32, #tpu.memory_space<vmem>> -> memref<1x128xi32, #tpu.memory_space<vmem>>
    %dma_start3A_7 = tpu.memref_squeeze %dma_start3A_6 : memref<1x128xi32, #tpu.memory_space<vmem>> -> memref<128xi32, #tpu.memory_space<vmem>>
    %dma_start3A_8 = arith.constant 0 : i32
    %dma_start3A_9 = tpu.memref_slice %arg3[%add3A_4, %dma_start3A_8] : memref<2560x128xi32, #tpu.memory_space<hbm>> -> memref<1x128xi32, #tpu.memory_space<hbm>>
    %dma_start3A_10 = tpu.memref_squeeze %dma_start3A_9 : memref<1x128xi32, #tpu.memory_space<hbm>> -> memref<128xi32, #tpu.memory_space<hbm>>
    %dma_start3A_11 = arith.constant 0 : i32
    %dma_start3A_12 = tpu.memref_slice %arg6[%dma_start3A, %dma_start3A_11] : memref<2x128xi32, #tpu.memory_space<vmem>> -> memref<1x128xi32, #tpu.memory_space<vmem>>
    %dma_start3A_13 = tpu.memref_squeeze %dma_start3A_12 : memref<1x128xi32, #tpu.memory_space<vmem>> -> memref<128xi32, #tpu.memory_space<vmem>>
    %dma_start3A_14 = arith.constant 0 : i32
    %dma_start3A_15 = tpu.memref_slice %arg3[%add3A_4, %dma_start3A_14] : memref<2560x128xi32, #tpu.memory_space<hbm>> -> memref<1x128xi32, #tpu.memory_space<hbm>>
    %dma_start3A_16 = tpu.memref_squeeze %dma_start3A_15 : memref<1x128xi32, #tpu.memory_space<hbm>> -> memref<128xi32, #tpu.memory_space<hbm>>
    tpu.enqueue_dma source(%dma_start3A_16 : memref<128xi32, #tpu.memory_space<hbm>>) target(%dma_start3A_13 : memref<128xi32, #tpu.memory_space<vmem>>) target_semaphore(%arg13 : memref<!tpu.dma_semaphore, #tpu.memory_space<semaphore_mem>>)
    %add3A_17 = arith.constant 0 : i32
    %add3A_18 = arith.addi %mul3A_2, %add3A_17 : i32
    %dma_start3A_19 = arith.constant 0 : i32
    %dma_start3A_20 = arith.constant 0 : i32
    %dma_start3A_21 = tpu.memref_slice %arg7[%dma_start3A_19, %dma_start3A_20] : memref<2x128xi32, #tpu.memory_space<vmem>> -> memref<1x128xi32, #tpu.memory_space<vmem>>
    %dma_start3A_22 = tpu.memref_squeeze %dma_start3A_21 : memref<1x128xi32, #tpu.memory_space<vmem>> -> memref<128xi32, #tpu.memory_space<vmem>>
    %dma_start3A_23 = arith.constant 0 : i32
    %dma_start3A_24 = tpu.memref_slice %arg4[%add3A_18, %dma_start3A_23] : memref<2560x128xi32, #tpu.memory_space<hbm>> -> memref<1x128xi32, #tpu.memory_space<hbm>>
    %dma_start3A_25 = tpu.memref_squeeze %dma_start3A_24 : memref<1x128xi32, #tpu.memory_space<hbm>> -> memref<128xi32, #tpu.memory_space<hbm>>
    %dma_start3A_26 = arith.constant 0 : i32
    %dma_start3A_27 = tpu.memref_slice %arg7[%dma_start3A_19, %dma_start3A_26] : memref<2x128xi32, #tpu.memory_space<vmem>> -> memref<1x128xi32, #tpu.memory_space<vmem>>
    %dma_start3A_28 = tpu.memref_squeeze %dma_start3A_27 : memref<1x128xi32, #tpu.memory_space<vmem>> -> memref<128xi32, #tpu.memory_space<vmem>>
    %dma_start3A_29 = arith.constant 0 : i32
    %dma_start3A_30 = tpu.memref_slice %arg4[%add3A_18, %dma_start3A_29] : memref<2560x128xi32, #tpu.memory_space<hbm>> -> memref<1x128xi32, #tpu.memory_space<hbm>>
    %dma_start3A_31 = tpu.memref_squeeze %dma_start3A_30 : memref<1x128xi32, #tpu.memory_space<hbm>> -> memref<128xi32, #tpu.memory_space<hbm>>
    tpu.enqueue_dma source(%dma_start3A_31 : memref<128xi32, #tpu.memory_space<hbm>>) target(%dma_start3A_28 : memref<128xi32, #tpu.memory_space<vmem>>) target_semaphore(%arg13 : memref<!tpu.dma_semaphore, #tpu.memory_space<semaphore_mem>>)
    %add3A_32 = arith.constant 1 : i32
    %add3A_33 = arith.addi %mul3A_2, %add3A_32 : i32
    %dma_start3A_34 = arith.constant 1 : i32
    %dma_start3A_35 = arith.constant 0 : i32
    %dma_start3A_36 = tpu.memref_slice %arg6[%dma_start3A_34, %dma_start3A_35] : memref<2x128xi32, #tpu.memory_space<vmem>> -> memref<1x128xi32, #tpu.memory_space<vmem>>
    %dma_start3A_37 = tpu.memref_squeeze %dma_start3A_36 : memref<1x128xi32, #tpu.memory_space<vmem>> -> memref<128xi32, #tpu.memory_space<vmem>>
    %dma_start3A_38 = arith.constant 0 : i32
    %dma_start3A_39 = tpu.memref_slice %arg3[%add3A_33, %dma_start3A_38] : memref<2560x128xi32, #tpu.memory_space<hbm>> -> memref<1x128xi32, #tpu.memory_space<hbm>>
    %dma_start3A_40 = tpu.memref_squeeze %dma_start3A_39 : memref<1x128xi32, #tpu.memory_space<hbm>> -> memref<128xi32, #tpu.memory_space<hbm>>
    %dma_start3A_41 = arith.constant 0 : i32
    %dma_start3A_42 = tpu.memref_slice %arg6[%dma_start3A_34, %dma_start3A_41] : memref<2x128xi32, #tpu.memory_space<vmem>> -> memref<1x128xi32, #tpu.memory_space<vmem>>
    %dma_start3A_43 = tpu.memref_squeeze %dma_start3A_42 : memref<1x128xi32, #tpu.memory_space<vmem>> -> memref<128xi32, #tpu.memory_space<vmem>>
    %dma_start3A_44 = arith.constant 0 : i32
    %dma_start3A_45 = tpu.memref_slice %arg3[%add3A_33, %dma_start3A_44] : memref<2560x128xi32, #tpu.memory_space<hbm>> -> memref<1x128xi32, #tpu.memory_space<hbm>>
    %dma_start3A_46 = tpu.memref_squeeze %dma_start3A_45 : memref<1x128xi32, #tpu.memory_space<hbm>> -> memref<128xi32, #tpu.memory_space<hbm>>
    tpu.enqueue_dma source(%dma_start3A_46 : memref<128xi32, #tpu.memory_space<hbm>>) target(%dma_start3A_43 : memref<128xi32, #tpu.memory_space<vmem>>) target_semaphore(%arg14 : memref<!tpu.dma_semaphore, #tpu.memory_space<semaphore_mem>>)
    %add3A_47 = arith.constant 1 : i32
    %add3A_48 = arith.addi %mul3A_2, %add3A_47 : i32
    %dma_start3A_49 = arith.constant 1 : i32
    %dma_start3A_50 = arith.constant 0 : i32
    %dma_start3A_51 = tpu.memref_slice %arg7[%dma_start3A_49, %dma_start3A_50] : memref<2x128xi32, #tpu.memory_space<vmem>> -> memref<1x128xi32, #tpu.memory_space<vmem>>
    %dma_start3A_52 = tpu.memref_squeeze %dma_start3A_51 : memref<1x128xi32, #tpu.memory_space<vmem>> -> memref<128xi32, #tpu.memory_space<vmem>>
    %dma_start3A_53 = arith.constant 0 : i32
    %dma_start3A_54 = tpu.memref_slice %arg4[%add3A_48, %dma_start3A_53] : memref<2560x128xi32, #tpu.memory_space<hbm>> -> memref<1x128xi32, #tpu.memory_space<hbm>>
    %dma_start3A_55 = tpu.memref_squeeze %dma_start3A_54 : memref<1x128xi32, #tpu.memory_space<hbm>> -> memref<128xi32, #tpu.memory_space<hbm>>
    %dma_start3A_56 = arith.constant 0 : i32
    %dma_start3A_57 = tpu.memref_slice %arg7[%dma_start3A_49, %dma_start3A_56] : memref<2x128xi32, #tpu.memory_space<vmem>> -> memref<1x128xi32, #tpu.memory_space<vmem>>
    %dma_start3A_58 = tpu.memref_squeeze %dma_start3A_57 : memref<1x128xi32, #tpu.memory_space<vmem>> -> memref<128xi32, #tpu.memory_space<vmem>>
    %dma_start3A_59 = arith.constant 0 : i32
    %dma_start3A_60 = tpu.memref_slice %arg4[%add3A_48, %dma_start3A_59] : memref<2560x128xi32, #tpu.memory_space<hbm>> -> memref<1x128xi32, #tpu.memory_space<hbm>>
    %dma_start3A_61 = tpu.memref_squeeze %dma_start3A_60 : memref<1x128xi32, #tpu.memory_space<hbm>> -> memref<128xi32, #tpu.memory_space<hbm>>
    tpu.enqueue_dma source(%dma_start3A_61 : memref<128xi32, #tpu.memory_space<hbm>>) target(%dma_start3A_58 : memref<128xi32, #tpu.memory_space<vmem>>) target_semaphore(%arg14 : memref<!tpu.dma_semaphore, #tpu.memory_space<semaphore_mem>>)
    %dma_wait3A = arith.constant 0 : i32
    %dma_wait3A_62 = arith.constant 0 : i32
    %dma_wait3A_63 = arith.constant 0 : i32
    %dma_wait3A_64 = tpu.memref_slice %arg6[%dma_wait3A_62, %dma_wait3A_63] : memref<2x128xi32, #tpu.memory_space<vmem>> -> memref<1x128xi32, #tpu.memory_space<vmem>>
    %dma_wait3A_65 = tpu.memref_squeeze %dma_wait3A_64 : memref<1x128xi32, #tpu.memory_space<vmem>> -> memref<128xi32, #tpu.memory_space<vmem>>
    %dma_wait3A_66 = arith.constant 0 : i32
    %dma_wait3A_67 = tpu.memref_slice %arg3[%dma_wait3A, %dma_wait3A_66] : memref<2560x128xi32, #tpu.memory_space<hbm>> -> memref<1x128xi32, #tpu.memory_space<hbm>>
    %dma_wait3A_68 = tpu.memref_squeeze %dma_wait3A_67 : memref<1x128xi32, #tpu.memory_space<hbm>> -> memref<128xi32, #tpu.memory_space<hbm>>
    %dma_wait3A_69 = arith.constant 0 : i32
    %dma_wait3A_70 = tpu.memref_slice %arg6[%dma_wait3A_62, %dma_wait3A_69] : memref<2x128xi32, #tpu.memory_space<vmem>> -> memref<1x128xi32, #tpu.memory_space<vmem>>
    %dma_wait3A_71 = tpu.memref_squeeze %dma_wait3A_70 : memref<1x128xi32, #tpu.memory_space<vmem>> -> memref<128xi32, #tpu.memory_space<vmem>>
    %dma_wait3A_72 = arith.constant 0 : i32
    %dma_wait3A_73 = tpu.memref_slice %arg3[%dma_wait3A, %dma_wait3A_72] : memref<2560x128xi32, #tpu.memory_space<hbm>> -> memref<1x128xi32, #tpu.memory_space<hbm>>
    %dma_wait3A_74 = tpu.memref_squeeze %dma_wait3A_73 : memref<1x128xi32, #tpu.memory_space<hbm>> -> memref<128xi32, #tpu.memory_space<hbm>>
    tpu.wait_dma2 semaphore(%arg13 : memref<!tpu.dma_semaphore, #tpu.memory_space<semaphore_mem>>) src(%dma_wait3A_74 : memref<128xi32, #tpu.memory_space<hbm>>) dst(%dma_wait3A_71 : memref<128xi32, #tpu.memory_space<vmem>>)
    %dma_wait3A_75 = arith.constant 0 : i32
    %dma_wait3A_76 = arith.constant 0 : i32
    %dma_wait3A_77 = arith.constant 0 : i32
    %dma_wait3A_78 = tpu.memref_slice %arg7[%dma_wait3A_76, %dma_wait3A_77] : memref<2x128xi32, #tpu.memory_space<vmem>> -> memref<1x128xi32, #tpu.memory_space<vmem>>
    %dma_wait3A_79 = tpu.memref_squeeze %dma_wait3A_78 : memref<1x128xi32, #tpu.memory_space<vmem>> -> memref<128xi32, #tpu.memory_space<vmem>>
    %dma_wait3A_80 = arith.constant 0 : i32
    %dma_wait3A_81 = tpu.memref_slice %arg4[%dma_wait3A_75, %dma_wait3A_80] : memref<2560x128xi32, #tpu.memory_space<hbm>> -> memref<1x128xi32, #tpu.memory_space<hbm>>
    %dma_wait3A_82 = tpu.memref_squeeze %dma_wait3A_81 : memref<1x128xi32, #tpu.memory_space<hbm>> -> memref<128xi32, #tpu.memory_space<hbm>>
    %dma_wait3A_83 = arith.constant 0 : i32
    %dma_wait3A_84 = tpu.memref_slice %arg7[%dma_wait3A_76, %dma_wait3A_83] : memref<2x128xi32, #tpu.memory_space<vmem>> -> memref<1x128xi32, #tpu.memory_space<vmem>>
    %dma_wait3A_85 = tpu.memref_squeeze %dma_wait3A_84 : memref<1x128xi32, #tpu.memory_space<vmem>> -> memref<128xi32, #tpu.memory_space<vmem>>
    %dma_wait3A_86 = arith.constant 0 : i32
    %dma_wait3A_87 = tpu.memref_slice %arg4[%dma_wait3A_75, %dma_wait3A_86] : memref<2560x128xi32, #tpu.memory_space<hbm>> -> memref<1x128xi32, #tpu.memory_space<hbm>>
    %dma_wait3A_88 = tpu.memref_squeeze %dma_wait3A_87 : memref<1x128xi32, #tpu.memory_space<hbm>> -> memref<128xi32, #tpu.memory_space<hbm>>
    tpu.wait_dma2 semaphore(%arg13 : memref<!tpu.dma_semaphore, #tpu.memory_space<semaphore_mem>>) src(%dma_wait3A_88 : memref<128xi32, #tpu.memory_space<hbm>>) dst(%dma_wait3A_85 : memref<128xi32, #tpu.memory_space<vmem>>)
    %dma_start3A_89 = arith.constant 0 : i32
    %dma_start3A_90 = arith.constant 0 : i32
    %dma_start3A_91 = tpu.memref_slice %arg6[%dma_start3A_89, %dma_start3A_90] : memref<2x128xi32, #tpu.memory_space<vmem>> -> memref<1x128xi32, #tpu.memory_space<vmem>>
    %dma_start3A_92 = tpu.memref_squeeze %dma_start3A_91 : memref<1x128xi32, #tpu.memory_space<vmem>> -> memref<128xi32, #tpu.memory_space<vmem>>
    %dma_start3A_93 = arith.constant 0 : i32
    %dma_start3A_94 = arith.constant 0 : i32
    %dma_start3A_95 = tpu.memref_slice %arg2[%dma_start3A_93, %dma_start3A_94] : memref<10000x128xf32, #tpu.memory_space<hbm>> -> memref<10000x128xf32, #tpu.memory_space<hbm>>
    tpu.enqueue_indirect_dma source(%dma_start3A_95 : memref<10000x128xf32, #tpu.memory_space<hbm>>) target(%arg8 : memref<128x128xf32, #tpu.memory_space<vmem>>) offsets(%dma_start3A_92 : memref<128xi32, #tpu.memory_space<vmem>>) semaphore(%arg11 : memref<!tpu.dma_semaphore, #tpu.memory_space<semaphore_mem>>)
    %scan3A = arith.constant 0 : i32
    %scan3A_96 = arith.constant 0 : i32
    %scan3A_97 = arith.constant 128 : i32
    %scan3A_98 = arith.addi %scan3A_96, %scan3A_97 : i32
    %scan3A_99 = arith.constant 1 : i32
    %scan3A_100 = scf.for %scan3A_258 = %scan3A_96 to %scan3A_98 step %scan3A_99 iter_args(%scan3A_259 = %scan3A) -> (i32)  : i32 {
      %broadcast_in_dim3A = arith.constant 0.000000e+00 : f32
      %broadcast_in_dim3A_260 = vector.broadcast %broadcast_in_dim3A : f32 to vector<16xf32>
      %swap3A = arith.index_cast %scan3A_258 : i32 to index
      %swap3A_261 = arith.constant 0 : index
      %swap3A_262 = tpu.vector_load %arg9[%swap3A, %swap3A_261] {strides = array<i32>} : memref<128x128xf32, #tpu.memory_space<vmem>>, vector<1x16xf32>,
      %swap3A_263 = vector.shape_cast %swap3A_262 : vector<1x16xf32> to vector<16xf32>
      %swap3A_264 = vector.shape_cast %broadcast_in_dim3A_260 : vector<16xf32> to vector<1x16xf32>
      tpu.vector_store %arg9[%swap3A, %swap3A_261], %swap3A_264 {strides = array<i32>} : memref<128x128xf32, #tpu.memory_space<vmem>>, vector<1x16xf32>,
      %broadcast_in_dim3A_265 = arith.constant 0.000000e+00 : f32
      %broadcast_in_dim3A_266 = vector.broadcast %broadcast_in_dim3A_265 : f32 to vector<16xf32>
      %swap3A_267 = arith.index_cast %scan3A_258 : i32 to index
      %swap3A_268 = arith.constant 16 : index
      %swap3A_269 = tpu.vector_load %arg9[%swap3A_267, %swap3A_268] {strides = array<i32>} : memref<128x128xf32, #tpu.memory_space<vmem>>, vector<1x16xf32>,
      %swap3A_270 = vector.shape_cast %swap3A_269 : vector<1x16xf32> to vector<16xf32>
      %swap3A_271 = vector.shape_cast %broadcast_in_dim3A_266 : vector<16xf32> to vector<1x16xf32>
      tpu.vector_store %arg9[%swap3A_267, %swap3A_268], %swap3A_271 {strides = array<i32>} : memref<128x128xf32, #tpu.memory_space<vmem>>, vector<1x16xf32>,
      %broadcast_in_dim3A_272 = arith.constant 0.000000e+00 : f32
      %broadcast_in_dim3A_273 = vector.broadcast %broadcast_in_dim3A_272 : f32 to vector<16xf32>
      %swap3A_274 = arith.index_cast %scan3A_258 : i32 to index
      %swap3A_275 = arith.constant 32 : index
      %swap3A_276 = tpu.vector_load %arg9[%swap3A_274, %swap3A_275] {strides = array<i32>} : memref<128x128xf32, #tpu.memory_space<vmem>>, vector<1x16xf32>,
      %swap3A_277 = vector.shape_cast %swap3A_276 : vector<1x16xf32> to vector<16xf32>
      %swap3A_278 = vector.shape_cast %broadcast_in_dim3A_273 : vector<16xf32> to vector<1x16xf32>
      tpu.vector_store %arg9[%swap3A_274, %swap3A_275], %swap3A_278 {strides = array<i32>} : memref<128x128xf32, #tpu.memory_space<vmem>>, vector<1x16xf32>,
      %broadcast_in_dim3A_279 = arith.constant 0.000000e+00 : f32
      %broadcast_in_dim3A_280 = vector.broadcast %broadcast_in_dim3A_279 : f32 to vector<16xf32>
      %swap3A_281 = arith.index_cast %scan3A_258 : i32 to index
      %swap3A_282 = arith.constant 48 : index
      %swap3A_283 = tpu.vector_load %arg9[%swap3A_281, %swap3A_282] {strides = array<i32>} : memref<128x128xf32, #tpu.memory_space<vmem>>, vector<1x16xf32>,
      %swap3A_284 = vector.shape_cast %swap3A_283 : vector<1x16xf32> to vector<16xf32>
      %swap3A_285 = vector.shape_cast %broadcast_in_dim3A_280 : vector<16xf32> to vector<1x16xf32>
      tpu.vector_store %arg9[%swap3A_281, %swap3A_282], %swap3A_285 {strides = array<i32>} : memref<128x128xf32, #tpu.memory_space<vmem>>, vector<1x16xf32>,
      %broadcast_in_dim3A_286 = arith.constant 0.000000e+00 : f32
      %broadcast_in_dim3A_287 = vector.broadcast %broadcast_in_dim3A_286 : f32 to vector<16xf32>
      %swap3A_288 = arith.index_cast %scan3A_258 : i32 to index
      %swap3A_289 = arith.constant 64 : index
      %swap3A_290 = tpu.vector_load %arg9[%swap3A_288, %swap3A_289] {strides = array<i32>} : memref<128x128xf32, #tpu.memory_space<vmem>>, vector<1x16xf32>,
      %swap3A_291 = vector.shape_cast %swap3A_290 : vector<1x16xf32> to vector<16xf32>
      %swap3A_292 = vector.shape_cast %broadcast_in_dim3A_287 : vector<16xf32> to vector<1x16xf32>
      tpu.vector_store %arg9[%swap3A_288, %swap3A_289], %swap3A_292 {strides = array<i32>} : memref<128x128xf32, #tpu.memory_space<vmem>>, vector<1x16xf32>,
      %broadcast_in_dim3A_293 = arith.constant 0.000000e+00 : f32
      %broadcast_in_dim3A_294 = vector.broadcast %broadcast_in_dim3A_293 : f32 to vector<16xf32>
      %swap3A_295 = arith.index_cast %scan3A_258 : i32 to index
      %swap3A_296 = arith.constant 80 : index
      %swap3A_297 = tpu.vector_load %arg9[%swap3A_295, %swap3A_296] {strides = array<i32>} : memref<128x128xf32, #tpu.memory_space<vmem>>, vector<1x16xf32>,
      %swap3A_298 = vector.shape_cast %swap3A_297 : vector<1x16xf32> to vector<16xf32>
      %swap3A_299 = vector.shape_cast %broadcast_in_dim3A_294 : vector<16xf32> to vector<1x16xf32>
      tpu.vector_store %arg9[%swap3A_295, %swap3A_296], %swap3A_299 {strides = array<i32>} : memref<128x128xf32, #tpu.memory_space<vmem>>, vector<1x16xf32>,
      %broadcast_in_dim3A_300 = arith.constant 0.000000e+00 : f32
      %broadcast_in_dim3A_301 = vector.broadcast %broadcast_in_dim3A_300 : f32 to vector<16xf32>
      %swap3A_302 = arith.index_cast %scan3A_258 : i32 to index
      %swap3A_303 = arith.constant 96 : index
      %swap3A_304 = tpu.vector_load %arg9[%swap3A_302, %swap3A_303] {strides = array<i32>} : memref<128x128xf32, #tpu.memory_space<vmem>>, vector<1x16xf32>,
      %swap3A_305 = vector.shape_cast %swap3A_304 : vector<1x16xf32> to vector<16xf32>
      %swap3A_306 = vector.shape_cast %broadcast_in_dim3A_301 : vector<16xf32> to vector<1x16xf32>
      tpu.vector_store %arg9[%swap3A_302, %swap3A_303], %swap3A_306 {strides = array<i32>} : memref<128x128xf32, #tpu.memory_space<vmem>>, vector<1x16xf32>,
      %broadcast_in_dim3A_307 = arith.constant 0.000000e+00 : f32
      %broadcast_in_dim3A_308 = vector.broadcast %broadcast_in_dim3A_307 : f32 to vector<16xf32>
      %swap3A_309 = arith.index_cast %scan3A_258 : i32 to index
      %swap3A_310 = arith.constant 112 : index
      %swap3A_311 = tpu.vector_load %arg9[%swap3A_309, %swap3A_310] {strides = array<i32>} : memref<128x128xf32, #tpu.memory_space<vmem>>, vector<1x16xf32>,
      %swap3A_312 = vector.shape_cast %swap3A_311 : vector<1x16xf32> to vector<16xf32>
      %swap3A_313 = vector.shape_cast %broadcast_in_dim3A_308 : vector<16xf32> to vector<1x16xf32>
      tpu.vector_store %arg9[%swap3A_309, %swap3A_310], %swap3A_313 {strides = array<i32>} : memref<128x128xf32, #tpu.memory_space<vmem>>, vector<1x16xf32>,
      %scan3A_314 = arith.constant 0 : i32
      scf.yield %scan3A_314 : i32
    }
    %scan3A_101 = arith.constant 128 : i32
    %mul3A_102 = arith.constant 640 : i32
    %mul3A_103 = arith.muli %arg1, %mul3A_102 : i32
    %add3A_104 = arith.constant 0 : i32
    %add3A_105 = arith.addi %mul3A_103, %add3A_104 : i32
    "tpu.region"() ({
      %run_scoped3A_258 = tpu.sem_alloc : memref<!tpu.dma_semaphore, #tpu.memory_space<semaphore_mem>>
      %dma_start3A_259 = arith.constant 0 : i32
      %dma_start3A_260 = tpu.memref_slice %arg10[%add3A_105, %dma_start3A_259] : memref<10240x128xf32, #tpu.memory_space<vmem_shared>> -> memref<128x128xf32, #tpu.memory_space<vmem_shared>>
      %dma_start3A_261 = arith.constant 0 : i32
      %dma_start3A_262 = tpu.memref_slice %arg10[%add3A_105, %dma_start3A_261] : memref<10240x128xf32, #tpu.memory_space<vmem_shared>> -> memref<128x128xf32, #tpu.memory_space<vmem_shared>>
      tpu.enqueue_dma source(%arg9 : memref<128x128xf32, #tpu.memory_space<vmem>>) target(%dma_start3A_262 : memref<128x128xf32, #tpu.memory_space<vmem_shared>>) target_semaphore(%run_scoped3A_258 : memref<!tpu.dma_semaphore, #tpu.memory_space<semaphore_mem>>)
      %dma_wait3A_263 = arith.constant 0 : i32
      %dma_wait3A_264 = tpu.memref_slice %arg10[%add3A_105, %dma_wait3A_263] : memref<10240x128xf32, #tpu.memory_space<vmem_shared>> -> memref<128x128xf32, #tpu.memory_space<vmem_shared>>
      %dma_wait3A_265 = arith.constant 0 : i32
      %dma_wait3A_266 = tpu.memref_slice %arg10[%add3A_105, %dma_wait3A_265] : memref<10240x128xf32, #tpu.memory_space<vmem_shared>> -> memref<128x128xf32, #tpu.memory_space<vmem_shared>>
      tpu.wait_dma2 semaphore(%run_scoped3A_258 : memref<!tpu.dma_semaphore, #tpu.memory_space<semaphore_mem>>) src(%arg9 : memref<128x128xf32, #tpu.memory_space<vmem>>) dst(%dma_wait3A_266 : memref<128x128xf32, #tpu.memory_space<vmem_shared>>)
      tpu.yield
    }) : () -> ()
    %mul3A_106 = arith.constant 640 : i32
    %mul3A_107 = arith.muli %arg1, %mul3A_106 : i32
    %add3A_108 = arith.constant 128 : i32
    %add3A_109 = arith.addi %mul3A_107, %add3A_108 : i32
    "tpu.region"() ({
      %run_scoped3A_258 = tpu.sem_alloc : memref<!tpu.dma_semaphore, #tpu.memory_space<semaphore_mem>>
      %dma_start3A_259 = arith.constant 0 : i32
      %dma_start3A_260 = tpu.memref_slice %arg10[%add3A_109, %dma_start3A_259] : memref<10240x128xf32, #tpu.memory_space<vmem_shared>> -> memref<128x128xf32, #tpu.memory_space<vmem_shared>>
      %dma_start3A_261 = arith.constant 0 : i32
      %dma_start3A_262 = tpu.memref_slice %arg10[%add3A_109, %dma_start3A_261] : memref<10240x128xf32, #tpu.memory_space<vmem_shared>> -> memref<128x128xf32, #tpu.memory_space<vmem_shared>>
      tpu.enqueue_dma source(%arg9 : memref<128x128xf32, #tpu.memory_space<vmem>>) target(%dma_start3A_262 : memref<128x128xf32, #tpu.memory_space<vmem_shared>>) target_semaphore(%run_scoped3A_258 : memref<!tpu.dma_semaphore, #tpu.memory_space<semaphore_mem>>)
      %dma_wait3A_263 = arith.constant 0 : i32
      %dma_wait3A_264 = tpu.memref_slice %arg10[%add3A_109, %dma_wait3A_263] : memref<10240x128xf32, #tpu.memory_space<vmem_shared>> -> memref<128x128xf32, #tpu.memory_space<vmem_shared>>
      %dma_wait3A_265 = arith.constant 0 : i32
      %dma_wait3A_266 = tpu.memref_slice %arg10[%add3A_109, %dma_wait3A_265] : memref<10240x128xf32, #tpu.memory_space<vmem_shared>> -> memref<128x128xf32, #tpu.memory_space<vmem_shared>>
      tpu.wait_dma2 semaphore(%run_scoped3A_258 : memref<!tpu.dma_semaphore, #tpu.memory_space<semaphore_mem>>) src(%arg9 : memref<128x128xf32, #tpu.memory_space<vmem>>) dst(%dma_wait3A_266 : memref<128x128xf32, #tpu.memory_space<vmem_shared>>)
      tpu.yield
    }) : () -> ()
    %mul3A_110 = arith.constant 640 : i32
    %mul3A_111 = arith.muli %arg1, %mul3A_110 : i32
    %add3A_112 = arith.constant 256 : i32
    %add3A_113 = arith.addi %mul3A_111, %add3A_112 : i32
    "tpu.region"() ({
      %run_scoped3A_258 = tpu.sem_alloc : memref<!tpu.dma_semaphore, #tpu.memory_space<semaphore_mem>>
      %dma_start3A_259 = arith.constant 0 : i32
      %dma_start3A_260 = tpu.memref_slice %arg10[%add3A_113, %dma_start3A_259] : memref<10240x128xf32, #tpu.memory_space<vmem_shared>> -> memref<128x128xf32, #tpu.memory_space<vmem_shared>>
      %dma_start3A_261 = arith.constant 0 : i32
      %dma_start3A_262 = tpu.memref_slice %arg10[%add3A_113, %dma_start3A_261] : memref<10240x128xf32, #tpu.memory_space<vmem_shared>> -> memref<128x128xf32, #tpu.memory_space<vmem_shared>>
      tpu.enqueue_dma source(%arg9 : memref<128x128xf32, #tpu.memory_space<vmem>>) target(%dma_start3A_262 : memref<128x128xf32, #tpu.memory_space<vmem_shared>>) target_semaphore(%run_scoped3A_258 : memref<!tpu.dma_semaphore, #tpu.memory_space<semaphore_mem>>)
      %dma_wait3A_263 = arith.constant 0 : i32
      %dma_wait3A_264 = tpu.memref_slice %arg10[%add3A_113, %dma_wait3A_263] : memref<10240x128xf32, #tpu.memory_space<vmem_shared>> -> memref<128x128xf32, #tpu.memory_space<vmem_shared>>
      %dma_wait3A_265 = arith.constant 0 : i32
      %dma_wait3A_266 = tpu.memref_slice %arg10[%add3A_113, %dma_wait3A_265] : memref<10240x128xf32, #tpu.memory_space<vmem_shared>> -> memref<128x128xf32, #tpu.memory_space<vmem_shared>>
      tpu.wait_dma2 semaphore(%run_scoped3A_258 : memref<!tpu.dma_semaphore, #tpu.memory_space<semaphore_mem>>) src(%arg9 : memref<128x128xf32, #tpu.memory_space<vmem>>) dst(%dma_wait3A_266 : memref<128x128xf32, #tpu.memory_space<vmem_shared>>)
      tpu.yield
    }) : () -> ()
    %mul3A_114 = arith.constant 640 : i32
    %mul3A_115 = arith.muli %arg1, %mul3A_114 : i32
    %add3A_116 = arith.constant 384 : i32
    %add3A_117 = arith.addi %mul3A_115, %add3A_116 : i32
    "tpu.region"() ({
      %run_scoped3A_258 = tpu.sem_alloc : memref<!tpu.dma_semaphore, #tpu.memory_space<semaphore_mem>>
      %dma_start3A_259 = arith.constant 0 : i32
      %dma_start3A_260 = tpu.memref_slice %arg10[%add3A_117, %dma_start3A_259] : memref<10240x128xf32, #tpu.memory_space<vmem_shared>> -> memref<128x128xf32, #tpu.memory_space<vmem_shared>>
      %dma_start3A_261 = arith.constant 0 : i32
      %dma_start3A_262 = tpu.memref_slice %arg10[%add3A_117, %dma_start3A_261] : memref<10240x128xf32, #tpu.memory_space<vmem_shared>> -> memref<128x128xf32, #tpu.memory_space<vmem_shared>>
      tpu.enqueue_dma source(%arg9 : memref<128x128xf32, #tpu.memory_space<vmem>>) target(%dma_start3A_262 : memref<128x128xf32, #tpu.memory_space<vmem_shared>>) target_semaphore(%run_scoped3A_258 : memref<!tpu.dma_semaphore, #tpu.memory_space<semaphore_mem>>)
      %dma_wait3A_263 = arith.constant 0 : i32
      %dma_wait3A_264 = tpu.memref_slice %arg10[%add3A_117, %dma_wait3A_263] : memref<10240x128xf32, #tpu.memory_space<vmem_shared>> -> memref<128x128xf32, #tpu.memory_space<vmem_shared>>
      %dma_wait3A_265 = arith.constant 0 : i32
      %dma_wait3A_266 = tpu.memref_slice %arg10[%add3A_117, %dma_wait3A_265] : memref<10240x128xf32, #tpu.memory_space<vmem_shared>> -> memref<128x128xf32, #tpu.memory_space<vmem_shared>>
      tpu.wait_dma2 semaphore(%run_scoped3A_258 : memref<!tpu.dma_semaphore, #tpu.memory_space<semaphore_mem>>) src(%arg9 : memref<128x128xf32, #tpu.memory_space<vmem>>) dst(%dma_wait3A_266 : memref<128x128xf32, #tpu.memory_space<vmem_shared>>)
      tpu.yield
    }) : () -> ()
    %mul3A_118 = arith.constant 640 : i32
    %mul3A_119 = arith.muli %arg1, %mul3A_118 : i32
    %add3A_120 = arith.constant 512 : i32
    %add3A_121 = arith.addi %mul3A_119, %add3A_120 : i32
    "tpu.region"() ({
      %run_scoped3A_258 = tpu.sem_alloc : memref<!tpu.dma_semaphore, #tpu.memory_space<semaphore_mem>>
      %dma_start3A_259 = arith.constant 0 : i32
      %dma_start3A_260 = tpu.memref_slice %arg10[%add3A_121, %dma_start3A_259] : memref<10240x128xf32, #tpu.memory_space<vmem_shared>> -> memref<128x128xf32, #tpu.memory_space<vmem_shared>>
      %dma_start3A_261 = arith.constant 0 : i32
      %dma_start3A_262 = tpu.memref_slice %arg10[%add3A_121, %dma_start3A_261] : memref<10240x128xf32, #tpu.memory_space<vmem_shared>> -> memref<128x128xf32, #tpu.memory_space<vmem_shared>>
      tpu.enqueue_dma source(%arg9 : memref<128x128xf32, #tpu.memory_space<vmem>>) target(%dma_start3A_262 : memref<128x128xf32, #tpu.memory_space<vmem_shared>>) target_semaphore(%run_scoped3A_258 : memref<!tpu.dma_semaphore, #tpu.memory_space<semaphore_mem>>)
      %dma_wait3A_263 = arith.constant 0 : i32
      %dma_wait3A_264 = tpu.memref_slice %arg10[%add3A_121, %dma_wait3A_263] : memref<10240x128xf32, #tpu.memory_space<vmem_shared>> -> memref<128x128xf32, #tpu.memory_space<vmem_shared>>
      %dma_wait3A_265 = arith.constant 0 : i32
      %dma_wait3A_266 = tpu.memref_slice %arg10[%add3A_121, %dma_wait3A_265] : memref<10240x128xf32, #tpu.memory_space<vmem_shared>> -> memref<128x128xf32, #tpu.memory_space<vmem_shared>>
      tpu.wait_dma2 semaphore(%run_scoped3A_258 : memref<!tpu.dma_semaphore, #tpu.memory_space<semaphore_mem>>) src(%arg9 : memref<128x128xf32, #tpu.memory_space<vmem>>) dst(%dma_wait3A_266 : memref<128x128xf32, #tpu.memory_space<vmem_shared>>)
      tpu.yield
    }) : () -> ()
    %barrier3A = arith.constant 0 : index
    tpu.barrier barrier_id(%barrier3A)
    %scan3A_122 = arith.constant 0 : i32
    %scan3A_123 = arith.constant 0 : i32
    %scan3A_124 = arith.constant 39 : i32
    %scan3A_125 = arith.addi %scan3A_123, %scan3A_124 : i32
    %scan3A_126 = arith.constant 1 : i32
    %scan3A_127 = scf.for %scan3A_258 = %scan3A_123 to %scan3A_125 step %scan3A_126 iter_args(%scan3A_259 = %scan3A_122) -> (i32)  : i32 {
      %mul3A_260 = arith.constant 2 : i32
      %mul3A_261 = arith.muli %mul3A_260, %scan3A_258 : i32
      %dma_wait3A_262 = arith.constant 0 : i32
      %dma_wait3A_263 = arith.constant 1 : i32
      %dma_wait3A_264 = arith.constant 0 : i32
      %dma_wait3A_265 = tpu.memref_slice %arg6[%dma_wait3A_263, %dma_wait3A_264] : memref<2x128xi32, #tpu.memory_space<vmem>> -> memref<1x128xi32, #tpu.memory_space<vmem>>
      %dma_wait3A_266 = tpu.memref_squeeze %dma_wait3A_265 : memref<1x128xi32, #tpu.memory_space<vmem>> -> memref<128xi32, #tpu.memory_space<vmem>>
      %dma_wait3A_267 = arith.constant 0 : i32
      %dma_wait3A_268 = tpu.memref_slice %arg3[%dma_wait3A_262, %dma_wait3A_267] : memref<2560x128xi32, #tpu.memory_space<hbm>> -> memref<1x128xi32, #tpu.memory_space<hbm>>
      %dma_wait3A_269 = tpu.memref_squeeze %dma_wait3A_268 : memref<1x128xi32, #tpu.memory_space<hbm>> -> memref<128xi32, #tpu.memory_space<hbm>>
      %dma_wait3A_270 = arith.constant 0 : i32
      %dma_wait3A_271 = tpu.memref_slice %arg6[%dma_wait3A_263, %dma_wait3A_270] : memref<2x128xi32, #tpu.memory_space<vmem>> -> memref<1x128xi32, #tpu.memory_space<vmem>>
      %dma_wait3A_272 = tpu.memref_squeeze %dma_wait3A_271 : memref<1x128xi32, #tpu.memory_space<vmem>> -> memref<128xi32, #tpu.memory_space<vmem>>
      %dma_wait3A_273 = arith.constant 0 : i32
      %dma_wait3A_274 = tpu.memref_slice %arg3[%dma_wait3A_262, %dma_wait3A_273] : memref<2560x128xi32, #tpu.memory_space<hbm>> -> memref<1x128xi32, #tpu.memory_space<hbm>>
      %dma_wait3A_275 = tpu.memref_squeeze %dma_wait3A_274 : memref<1x128xi32, #tpu.memory_space<hbm>> -> memref<128xi32, #tpu.memory_space<hbm>>
      tpu.wait_dma2 semaphore(%arg14 : memref<!tpu.dma_semaphore, #tpu.memory_space<semaphore_mem>>) src(%dma_wait3A_275 : memref<128xi32, #tpu.memory_space<hbm>>) dst(%dma_wait3A_272 : memref<128xi32, #tpu.memory_space<vmem>>)
      %dma_wait3A_276 = arith.constant 0 : i32
      %dma_wait3A_277 = arith.constant 1 : i32
      %dma_wait3A_278 = arith.constant 0 : i32
      %dma_wait3A_279 = tpu.memref_slice %arg7[%dma_wait3A_277, %dma_wait3A_278] : memref<2x128xi32, #tpu.memory_space<vmem>> -> memref<1x128xi32, #tpu.memory_space<vmem>>
      %dma_wait3A_280 = tpu.memref_squeeze %dma_wait3A_279 : memref<1x128xi32, #tpu.memory_space<vmem>> -> memref<128xi32, #tpu.memory_space<vmem>>
      %dma_wait3A_281 = arith.constant 0 : i32
      %dma_wait3A_282 = tpu.memref_slice %arg4[%dma_wait3A_276, %dma_wait3A_281] : memref<2560x128xi32, #tpu.memory_space<hbm>> -> memref<1x128xi32, #tpu.memory_space<hbm>>
      %dma_wait3A_283 = tpu.memref_squeeze %dma_wait3A_282 : memref<1x128xi32, #tpu.memory_space<hbm>> -> memref<128xi32, #tpu.memory_space<hbm>>
      %dma_wait3A_284 = arith.constant 0 : i32
      %dma_wait3A_285 = tpu.memref_slice %arg7[%dma_wait3A_277, %dma_wait3A_284] : memref<2x128xi32, #tpu.memory_space<vmem>> -> memref<1x128xi32, #tpu.memory_space<vmem>>
      %dma_wait3A_286 = tpu.memref_squeeze %dma_wait3A_285 : memref<1x128xi32, #tpu.memory_space<vmem>> -> memref<128xi32, #tpu.memory_space<vmem>>
      %dma_wait3A_287 = arith.constant 0 : i32
      %dma_wait3A_288 = tpu.memref_slice %arg4[%dma_wait3A_276, %dma_wait3A_287] : memref<2560x128xi32, #tpu.memory_space<hbm>> -> memref<1x128xi32, #tpu.memory_space<hbm>>
      %dma_wait3A_289 = tpu.memref_squeeze %dma_wait3A_288 : memref<1x128xi32, #tpu.memory_space<hbm>> -> memref<128xi32, #tpu.memory_space<hbm>>
      tpu.wait_dma2 semaphore(%arg14 : memref<!tpu.dma_semaphore, #tpu.memory_space<semaphore_mem>>) src(%dma_wait3A_289 : memref<128xi32, #tpu.memory_space<hbm>>) dst(%dma_wait3A_286 : memref<128xi32, #tpu.memory_space<vmem>>)
      %dma_start3A_290 = arith.constant 1 : i32
      %dma_start3A_291 = arith.constant 0 : i32
      %dma_start3A_292 = tpu.memref_slice %arg6[%dma_start3A_290, %dma_start3A_291] : memref<2x128xi32, #tpu.memory_space<vmem>> -> memref<1x128xi32, #tpu.memory_space<vmem>>
      %dma_start3A_293 = tpu.memref_squeeze %dma_start3A_292 : memref<1x128xi32, #tpu.memory_space<vmem>> -> memref<128xi32, #tpu.memory_space<vmem>>
      %dma_start3A_294 = arith.constant 0 : i32
      %dma_start3A_295 = arith.constant 0 : i32
      %dma_start3A_296 = tpu.memref_slice %arg2[%dma_start3A_294, %dma_start3A_295] : memref<10000x128xf32, #tpu.memory_space<hbm>> -> memref<10000x128xf32, #tpu.memory_space<hbm>>
      tpu.enqueue_indirect_dma source(%dma_start3A_296 : memref<10000x128xf32, #tpu.memory_space<hbm>>) target(%arg9 : memref<128x128xf32, #tpu.memory_space<vmem>>) offsets(%dma_start3A_293 : memref<128xi32, #tpu.memory_space<vmem>>) semaphore(%arg12 : memref<!tpu.dma_semaphore, #tpu.memory_space<semaphore_mem>>)
      %dma_wait3A_297 = arith.constant 0 : i32
      %dma_wait3A_298 = arith.constant 0 : i32
      %dma_wait3A_299 = tpu.memref_slice %arg2[%dma_wait3A_297, %dma_wait3A_298] : memref<10000x128xf32, #tpu.memory_space<hbm>> -> memref<128x128xf32, #tpu.memory_space<hbm>>
      %dma_wait3A_300 = arith.constant 0 : i32
      %dma_wait3A_301 = arith.constant 0 : i32
      %dma_wait3A_302 = tpu.memref_slice %arg2[%dma_wait3A_300, %dma_wait3A_301] : memref<10000x128xf32, #tpu.memory_space<hbm>> -> memref<128x128xf32, #tpu.memory_space<hbm>>
      tpu.wait_dma2 semaphore(%arg11 : memref<!tpu.dma_semaphore, #tpu.memory_space<semaphore_mem>>) src(%dma_wait3A_302 : memref<128x128xf32, #tpu.memory_space<hbm>>) dst(%arg8 : memref<128x128xf32, #tpu.memory_space<vmem>>)
      %run_scoped3A_303 = arith.constant 0 : i32
      "tpu.region"() ({
        %run_scoped3A_409 = tpu.sem_alloc : memref<!tpu.dma_semaphore, #tpu.memory_space<semaphore_mem>>
        %dma_start3A_410 = arith.constant 0 : i32
        %dma_start3A_411 = tpu.memref_slice %arg7[%run_scoped3A_303, %dma_start3A_410] : memref<2x128xi32, #tpu.memory_space<vmem>> -> memref<1x128xi32, #tpu.memory_space<vmem>>
        %dma_start3A_412 = tpu.memref_squeeze %dma_start3A_411 : memref<1x128xi32, #tpu.memory_space<vmem>> -> memref<128xi32, #tpu.memory_space<vmem>>
        %dma_start3A_413 = arith.constant 0 : i32
        %dma_start3A_414 = arith.constant 0 : i32
        %dma_start3A_415 = tpu.memref_slice %arg10[%dma_start3A_413, %dma_start3A_414] : memref<10240x128xf32, #tpu.memory_space<vmem_shared>> -> memref<10240x128xf32, #tpu.memory_space<vmem_shared>>
        tpu.enqueue_indirect_dma source(%arg8 : memref<128x128xf32, #tpu.memory_space<vmem>>) target(%dma_start3A_415 : memref<10240x128xf32, #tpu.memory_space<vmem_shared>>) offsets(%dma_start3A_412 : memref<128xi32, #tpu.memory_space<vmem>>) semaphore(%run_scoped3A_409 : memref<!tpu.dma_semaphore, #tpu.memory_space<semaphore_mem>>) {add = true}
        %dma_wait3A_416 = arith.constant 0 : i32
        %dma_wait3A_417 = tpu.memref_slice %arg7[%run_scoped3A_303, %dma_wait3A_416] : memref<2x128xi32, #tpu.memory_space<vmem>> -> memref<1x128xi32, #tpu.memory_space<vmem>>
        %dma_wait3A_418 = tpu.memref_squeeze %dma_wait3A_417 : memref<1x128xi32, #tpu.memory_space<vmem>> -> memref<128xi32, #tpu.memory_space<vmem>>
        %dma_wait3A_419 = arith.constant 0 : i32
        %dma_wait3A_420 = arith.constant 0 : i32
        %dma_wait3A_421 = tpu.memref_slice %arg10[%dma_wait3A_419, %dma_wait3A_420] : memref<10240x128xf32, #tpu.memory_space<vmem_shared>> -> memref<10240x128xf32, #tpu.memory_space<vmem_shared>>
        tpu.wait_indirect_dma semaphore(%run_scoped3A_409 : memref<!tpu.dma_semaphore, #tpu.memory_space<semaphore_mem>>) src(%arg8 : memref<128x128xf32, #tpu.memory_space<vmem>>) dst(%dma_wait3A_421 : memref<10240x128xf32, #tpu.memory_space<vmem_shared>>)
        tpu.yield
      }) : () -> ()
      %add3A_304 = arith.constant 2 : i32
      %add3A_305 = arith.addi %mul3A_261, %add3A_304 : i32
      %add3A_306 = arith.addi %mul3A_2, %add3A_305 : i32
      %dma_start3A_307 = arith.constant 0 : i32
      %dma_start3A_308 = arith.constant 0 : i32
      %dma_start3A_309 = tpu.memref_slice %arg6[%dma_start3A_307, %dma_start3A_308] : memref<2x128xi32, #tpu.memory_space<vmem>> -> memref<1x128xi32, #tpu.memory_space<vmem>>
      %dma_start3A_310 = tpu.memref_squeeze %dma_start3A_309 : memref<1x128xi32, #tpu.memory_space<vmem>> -> memref<128xi32, #tpu.memory_space<vmem>>
      %dma_start3A_311 = arith.constant 0 : i32
      %dma_start3A_312 = tpu.memref_slice %arg3[%add3A_306, %dma_start3A_311] : memref<2560x128xi32, #tpu.memory_space<hbm>> -> memref<1x128xi32, #tpu.memory_space<hbm>>
      %dma_start3A_313 = tpu.memref_squeeze %dma_start3A_312 : memref<1x128xi32, #tpu.memory_space<hbm>> -> memref<128xi32, #tpu.memory_space<hbm>>
      %dma_start3A_314 = arith.constant 0 : i32
      %dma_start3A_315 = tpu.memref_slice %arg6[%dma_start3A_307, %dma_start3A_314] : memref<2x128xi32, #tpu.memory_space<vmem>> -> memref<1x128xi32, #tpu.memory_space<vmem>>
      %dma_start3A_316 = tpu.memref_squeeze %dma_start3A_315 : memref<1x128xi32, #tpu.memory_space<vmem>> -> memref<128xi32, #tpu.memory_space<vmem>>
      %dma_start3A_317 = arith.constant 0 : i32
      %dma_start3A_318 = tpu.memref_slice %arg3[%add3A_306, %dma_start3A_317] : memref<2560x128xi32, #tpu.memory_space<hbm>> -> memref<1x128xi32, #tpu.memory_space<hbm>>
      %dma_start3A_319 = tpu.memref_squeeze %dma_start3A_318 : memref<1x128xi32, #tpu.memory_space<hbm>> -> memref<128xi32, #tpu.memory_space<hbm>>
      tpu.enqueue_dma source(%dma_start3A_319 : memref<128xi32, #tpu.memory_space<hbm>>) target(%dma_start3A_316 : memref<128xi32, #tpu.memory_space<vmem>>) target_semaphore(%arg13 : memref<!tpu.dma_semaphore, #tpu.memory_space<semaphore_mem>>)
      %add3A_320 = arith.addi %mul3A_2, %add3A_305 : i32
      %dma_start3A_321 = arith.constant 0 : i32
      %dma_start3A_322 = arith.constant 0 : i32
      %dma_start3A_323 = tpu.memref_slice %arg7[%dma_start3A_321, %dma_start3A_322] : memref<2x128xi32, #tpu.memory_space<vmem>> -> memref<1x128xi32, #tpu.memory_space<vmem>>
      %dma_start3A_324 = tpu.memref_squeeze %dma_start3A_323 : memref<1x128xi32, #tpu.memory_space<vmem>> -> memref<128xi32, #tpu.memory_space<vmem>>
      %dma_start3A_325 = arith.constant 0 : i32
      %dma_start3A_326 = tpu.memref_slice %arg4[%add3A_320, %dma_start3A_325] : memref<2560x128xi32, #tpu.memory_space<hbm>> -> memref<1x128xi32, #tpu.memory_space<hbm>>
      %dma_start3A_327 = tpu.memref_squeeze %dma_start3A_326 : memref<1x128xi32, #tpu.memory_space<hbm>> -> memref<128xi32, #tpu.memory_space<hbm>>
      %dma_start3A_328 = arith.constant 0 : i32
      %dma_start3A_329 = tpu.memref_slice %arg7[%dma_start3A_321, %dma_start3A_328] : memref<2x128xi32, #tpu.memory_space<vmem>> -> memref<1x128xi32, #tpu.memory_space<vmem>>
      %dma_start3A_330 = tpu.memref_squeeze %dma_start3A_329 : memref<1x128xi32, #tpu.memory_space<vmem>> -> memref<128xi32, #tpu.memory_space<vmem>>
      %dma_start3A_331 = arith.constant 0 : i32
      %dma_start3A_332 = tpu.memref_slice %arg4[%add3A_320, %dma_start3A_331] : memref<2560x128xi32, #tpu.memory_space<hbm>> -> memref<1x128xi32, #tpu.memory_space<hbm>>
      %dma_start3A_333 = tpu.memref_squeeze %dma_start3A_332 : memref<1x128xi32, #tpu.memory_space<hbm>> -> memref<128xi32, #tpu.memory_space<hbm>>
      tpu.enqueue_dma source(%dma_start3A_333 : memref<128xi32, #tpu.memory_space<hbm>>) target(%dma_start3A_330 : memref<128xi32, #tpu.memory_space<vmem>>) target_semaphore(%arg13 : memref<!tpu.dma_semaphore, #tpu.memory_space<semaphore_mem>>)
      %add3A_334 = arith.constant 1 : i32
      %add3A_335 = arith.addi %mul3A_261, %add3A_334 : i32
      %dma_wait3A_336 = arith.constant 0 : i32
      %dma_wait3A_337 = arith.constant 0 : i32
      %dma_wait3A_338 = arith.constant 0 : i32
      %dma_wait3A_339 = tpu.memref_slice %arg6[%dma_wait3A_337, %dma_wait3A_338] : memref<2x128xi32, #tpu.memory_space<vmem>> -> memref<1x128xi32, #tpu.memory_space<vmem>>
      %dma_wait3A_340 = tpu.memref_squeeze %dma_wait3A_339 : memref<1x128xi32, #tpu.memory_space<vmem>> -> memref<128xi32, #tpu.memory_space<vmem>>
      %dma_wait3A_341 = arith.constant 0 : i32
      %dma_wait3A_342 = tpu.memref_slice %arg3[%dma_wait3A_336, %dma_wait3A_341] : memref<2560x128xi32, #tpu.memory_space<hbm>> -> memref<1x128xi32, #tpu.memory_space<hbm>>
      %dma_wait3A_343 = tpu.memref_squeeze %dma_wait3A_342 : memref<1x128xi32, #tpu.memory_space<hbm>> -> memref<128xi32, #tpu.memory_space<hbm>>
      %dma_wait3A_344 = arith.constant 0 : i32
      %dma_wait3A_345 = tpu.memref_slice %arg6[%dma_wait3A_337, %dma_wait3A_344] : memref<2x128xi32, #tpu.memory_space<vmem>> -> memref<1x128xi32, #tpu.memory_space<vmem>>
      %dma_wait3A_346 = tpu.memref_squeeze %dma_wait3A_345 : memref<1x128xi32, #tpu.memory_space<vmem>> -> memref<128xi32, #tpu.memory_space<vmem>>
      %dma_wait3A_347 = arith.constant 0 : i32
      %dma_wait3A_348 = tpu.memref_slice %arg3[%dma_wait3A_336, %dma_wait3A_347] : memref<2560x128xi32, #tpu.memory_space<hbm>> -> memref<1x128xi32, #tpu.memory_space<hbm>>
      %dma_wait3A_349 = tpu.memref_squeeze %dma_wait3A_348 : memref<1x128xi32, #tpu.memory_space<hbm>> -> memref<128xi32, #tpu.memory_space<hbm>>
      tpu.wait_dma2 semaphore(%arg13 : memref<!tpu.dma_semaphore, #tpu.memory_space<semaphore_mem>>) src(%dma_wait3A_349 : memref<128xi32, #tpu.memory_space<hbm>>) dst(%dma_wait3A_346 : memref<128xi32, #tpu.memory_space<vmem>>)
      %dma_wait3A_350 = arith.constant 0 : i32
      %dma_wait3A_351 = arith.constant 0 : i32
      %dma_wait3A_352 = arith.constant 0 : i32
      %dma_wait3A_353 = tpu.memref_slice %arg7[%dma_wait3A_351, %dma_wait3A_352] : memref<2x128xi32, #tpu.memory_space<vmem>> -> memref<1x128xi32, #tpu.memory_space<vmem>>
      %dma_wait3A_354 = tpu.memref_squeeze %dma_wait3A_353 : memref<1x128xi32, #tpu.memory_space<vmem>> -> memref<128xi32, #tpu.memory_space<vmem>>
      %dma_wait3A_355 = arith.constant 0 : i32
      %dma_wait3A_356 = tpu.memref_slice %arg4[%dma_wait3A_350, %dma_wait3A_355] : memref<2560x128xi32, #tpu.memory_space<hbm>> -> memref<1x128xi32, #tpu.memory_space<hbm>>
      %dma_wait3A_357 = tpu.memref_squeeze %dma_wait3A_356 : memref<1x128xi32, #tpu.memory_space<hbm>> -> memref<128xi32, #tpu.memory_space<hbm>>
      %dma_wait3A_358 = arith.constant 0 : i32
      %dma_wait3A_359 = tpu.memref_slice %arg7[%dma_wait3A_351, %dma_wait3A_358] : memref<2x128xi32, #tpu.memory_space<vmem>> -> memref<1x128xi32, #tpu.memory_space<vmem>>
      %dma_wait3A_360 = tpu.memref_squeeze %dma_wait3A_359 : memref<1x128xi32, #tpu.memory_space<vmem>> -> memref<128xi32, #tpu.memory_space<vmem>>
      %dma_wait3A_361 = arith.constant 0 : i32
      %dma_wait3A_362 = tpu.memref_slice %arg4[%dma_wait3A_350, %dma_wait3A_361] : memref<2560x128xi32, #tpu.memory_space<hbm>> -> memref<1x128xi32, #tpu.memory_space<hbm>>
      %dma_wait3A_363 = tpu.memref_squeeze %dma_wait3A_362 : memref<1x128xi32, #tpu.memory_space<hbm>> -> memref<128xi32, #tpu.memory_space<hbm>>
      tpu.wait_dma2 semaphore(%arg13 : memref<!tpu.dma_semaphore, #tpu.memory_space<semaphore_mem>>) src(%dma_wait3A_363 : memref<128xi32, #tpu.memory_space<hbm>>) dst(%dma_wait3A_360 : memref<128xi32, #tpu.memory_space<vmem>>)
      %dma_start3A_364 = arith.constant 0 : i32
      %dma_start3A_365 = arith.constant 0 : i32
      %dma_start3A_366 = tpu.memref_slice %arg6[%dma_start3A_364, %dma_start3A_365] : memref<2x128xi32, #tpu.memory_space<vmem>> -> memref<1x128xi32, #tpu.memory_space<vmem>>
      %dma_start3A_367 = tpu.memref_squeeze %dma_start3A_366 : memref<1x128xi32, #tpu.memory_space<vmem>> -> memref<128xi32, #tpu.memory_space<vmem>>
      %dma_start3A_368 = arith.constant 0 : i32
      %dma_start3A_369 = arith.constant 0 : i32
      %dma_start3A_370 = tpu.memref_slice %arg2[%dma_start3A_368, %dma_start3A_369] : memref<10000x128xf32, #tpu.memory_space<hbm>> -> memref<10000x128xf32, #tpu.memory_space<hbm>>
      tpu.enqueue_indirect_dma source(%dma_start3A_370 : memref<10000x128xf32, #tpu.memory_space<hbm>>) target(%arg8 : memref<128x128xf32, #tpu.memory_space<vmem>>) offsets(%dma_start3A_367 : memref<128xi32, #tpu.memory_space<vmem>>) semaphore(%arg11 : memref<!tpu.dma_semaphore, #tpu.memory_space<semaphore_mem>>)
      %dma_wait3A_371 = arith.constant 0 : i32
      %dma_wait3A_372 = arith.constant 0 : i32
      %dma_wait3A_373 = tpu.memref_slice %arg2[%dma_wait3A_371, %dma_wait3A_372] : memref<10000x128xf32, #tpu.memory_space<hbm>> -> memref<128x128xf32, #tpu.memory_space<hbm>>
      %dma_wait3A_374 = arith.constant 0 : i32
      %dma_wait3A_375 = arith.constant 0 : i32
      %dma_wait3A_376 = tpu.memref_slice %arg2[%dma_wait3A_374, %dma_wait3A_375] : memref<10000x128xf32, #tpu.memory_space<hbm>> -> memref<128x128xf32, #tpu.memory_space<hbm>>
      tpu.wait_dma2 semaphore(%arg12 : memref<!tpu.dma_semaphore, #tpu.memory_space<semaphore_mem>>) src(%dma_wait3A_376 : memref<128x128xf32, #tpu.memory_space<hbm>>) dst(%arg9 : memref<128x128xf32, #tpu.memory_space<vmem>>)
      %run_scoped3A_377 = arith.constant 1 : i32
      "tpu.region"() ({
        %run_scoped3A_409 = tpu.sem_alloc : memref<!tpu.dma_semaphore, #tpu.memory_space<semaphore_mem>>
        %dma_start3A_410 = arith.constant 0 : i32
        %dma_start3A_411 = tpu.memref_slice %arg7[%run_scoped3A_377, %dma_start3A_410] : memref<2x128xi32, #tpu.memory_space<vmem>> -> memref<1x128xi32, #tpu.memory_space<vmem>>
        %dma_start3A_412 = tpu.memref_squeeze %dma_start3A_411 : memref<1x128xi32, #tpu.memory_space<vmem>> -> memref<128xi32, #tpu.memory_space<vmem>>
        %dma_start3A_413 = arith.constant 0 : i32
        %dma_start3A_414 = arith.constant 0 : i32
        %dma_start3A_415 = tpu.memref_slice %arg10[%dma_start3A_413, %dma_start3A_414] : memref<10240x128xf32, #tpu.memory_space<vmem_shared>> -> memref<10240x128xf32, #tpu.memory_space<vmem_shared>>
        tpu.enqueue_indirect_dma source(%arg9 : memref<128x128xf32, #tpu.memory_space<vmem>>) target(%dma_start3A_415 : memref<10240x128xf32, #tpu.memory_space<vmem_shared>>) offsets(%dma_start3A_412 : memref<128xi32, #tpu.memory_space<vmem>>) semaphore(%run_scoped3A_409 : memref<!tpu.dma_semaphore, #tpu.memory_space<semaphore_mem>>) {add = true}
        %dma_wait3A_416 = arith.constant 0 : i32
        %dma_wait3A_417 = tpu.memref_slice %arg7[%run_scoped3A_377, %dma_wait3A_416] : memref<2x128xi32, #tpu.memory_space<vmem>> -> memref<1x128xi32, #tpu.memory_space<vmem>>
        %dma_wait3A_418 = tpu.memref_squeeze %dma_wait3A_417 : memref<1x128xi32, #tpu.memory_space<vmem>> -> memref<128xi32, #tpu.memory_space<vmem>>
        %dma_wait3A_419 = arith.constant 0 : i32
        %dma_wait3A_420 = arith.constant 0 : i32
        %dma_wait3A_421 = tpu.memref_slice %arg10[%dma_wait3A_419, %dma_wait3A_420] : memref<10240x128xf32, #tpu.memory_space<vmem_shared>> -> memref<10240x128xf32, #tpu.memory_space<vmem_shared>>
        tpu.wait_indirect_dma semaphore(%run_scoped3A_409 : memref<!tpu.dma_semaphore, #tpu.memory_space<semaphore_mem>>) src(%arg9 : memref<128x128xf32, #tpu.memory_space<vmem>>) dst(%dma_wait3A_421 : memref<10240x128xf32, #tpu.memory_space<vmem_shared>>)
        tpu.yield
      }) : () -> ()
      %add3A_378 = arith.constant 2 : i32
      %add3A_379 = arith.addi %add3A_335, %add3A_378 : i32
      %add3A_380 = arith.addi %mul3A_2, %add3A_379 : i32
      %dma_start3A_381 = arith.constant 1 : i32
      %dma_start3A_382 = arith.constant 0 : i32
      %dma_start3A_383 = tpu.memref_slice %arg6[%dma_start3A_381, %dma_start3A_382] : memref<2x128xi32, #tpu.memory_space<vmem>> -> memref<1x128xi32, #tpu.memory_space<vmem>>
      %dma_start3A_384 = tpu.memref_squeeze %dma_start3A_383 : memref<1x128xi32, #tpu.memory_space<vmem>> -> memref<128xi32, #tpu.memory_space<vmem>>
      %dma_start3A_385 = arith.constant 0 : i32
      %dma_start3A_386 = tpu.memref_slice %arg3[%add3A_380, %dma_start3A_385] : memref<2560x128xi32, #tpu.memory_space<hbm>> -> memref<1x128xi32, #tpu.memory_space<hbm>>
      %dma_start3A_387 = tpu.memref_squeeze %dma_start3A_386 : memref<1x128xi32, #tpu.memory_space<hbm>> -> memref<128xi32, #tpu.memory_space<hbm>>
      %dma_start3A_388 = arith.constant 0 : i32
      %dma_start3A_389 = tpu.memref_slice %arg6[%dma_start3A_381, %dma_start3A_388] : memref<2x128xi32, #tpu.memory_space<vmem>> -> memref<1x128xi32, #tpu.memory_space<vmem>>
      %dma_start3A_390 = tpu.memref_squeeze %dma_start3A_389 : memref<1x128xi32, #tpu.memory_space<vmem>> -> memref<128xi32, #tpu.memory_space<vmem>>
      %dma_start3A_391 = arith.constant 0 : i32
      %dma_start3A_392 = tpu.memref_slice %arg3[%add3A_380, %dma_start3A_391] : memref<2560x128xi32, #tpu.memory_space<hbm>> -> memref<1x128xi32, #tpu.memory_space<hbm>>
      %dma_start3A_393 = tpu.memref_squeeze %dma_start3A_392 : memref<1x128xi32, #tpu.memory_space<hbm>> -> memref<128xi32, #tpu.memory_space<hbm>>
      tpu.enqueue_dma source(%dma_start3A_393 : memref<128xi32, #tpu.memory_space<hbm>>) target(%dma_start3A_390 : memref<128xi32, #tpu.memory_space<vmem>>) target_semaphore(%arg14 : memref<!tpu.dma_semaphore, #tpu.memory_space<semaphore_mem>>)
      %add3A_394 = arith.addi %mul3A_2, %add3A_379 : i32
      %dma_start3A_395 = arith.constant 1 : i32
      %dma_start3A_396 = arith.constant 0 : i32
      %dma_start3A_397 = tpu.memref_slice %arg7[%dma_start3A_395, %dma_start3A_396] : memref<2x128xi32, #tpu.memory_space<vmem>> -> memref<1x128xi32, #tpu.memory_space<vmem>>
      %dma_start3A_398 = tpu.memref_squeeze %dma_start3A_397 : memref<1x128xi32, #tpu.memory_space<vmem>> -> memref<128xi32, #tpu.memory_space<vmem>>
      %dma_start3A_399 = arith.constant 0 : i32
      %dma_start3A_400 = tpu.memref_slice %arg4[%add3A_394, %dma_start3A_399] : memref<2560x128xi32, #tpu.memory_space<hbm>> -> memref<1x128xi32, #tpu.memory_space<hbm>>
      %dma_start3A_401 = tpu.memref_squeeze %dma_start3A_400 : memref<1x128xi32, #tpu.memory_space<hbm>> -> memref<128xi32, #tpu.memory_space<hbm>>
      %dma_start3A_402 = arith.constant 0 : i32
      %dma_start3A_403 = tpu.memref_slice %arg7[%dma_start3A_395, %dma_start3A_402] : memref<2x128xi32, #tpu.memory_space<vmem>> -> memref<1x128xi32, #tpu.memory_space<vmem>>
      %dma_start3A_404 = tpu.memref_squeeze %dma_start3A_403 : memref<1x128xi32, #tpu.memory_space<vmem>> -> memref<128xi32, #tpu.memory_space<vmem>>
      %dma_start3A_405 = arith.constant 0 : i32
      %dma_start3A_406 = tpu.memref_slice %arg4[%add3A_394, %dma_start3A_405] : memref<2560x128xi32, #tpu.memory_space<hbm>> -> memref<1x128xi32, #tpu.memory_space<hbm>>
      %dma_start3A_407 = tpu.memref_squeeze %dma_start3A_406 : memref<1x128xi32, #tpu.memory_space<hbm>> -> memref<128xi32, #tpu.memory_space<hbm>>
      tpu.enqueue_dma source(%dma_start3A_407 : memref<128xi32, #tpu.memory_space<hbm>>) target(%dma_start3A_404 : memref<128xi32, #tpu.memory_space<vmem>>) target_semaphore(%arg14 : memref<!tpu.dma_semaphore, #tpu.memory_space<semaphore_mem>>)
      %scan3A_408 = arith.constant 0 : i32
      scf.yield %scan3A_408 : i32
    }
    %scan3A_128 = arith.constant 39 : i32
    %dma_wait3A_129 = arith.constant 0 : i32
    %dma_wait3A_130 = arith.constant 1 : i32
    %dma_wait3A_131 = arith.constant 0 : i32
    %dma_wait3A_132 = tpu.memref_slice %arg6[%dma_wait3A_130, %dma_wait3A_131] : memref<2x128xi32, #tpu.memory_space<vmem>> -> memref<1x128xi32, #tpu.memory_space<vmem>>
    %dma_wait3A_133 = tpu.memref_squeeze %dma_wait3A_132 : memref<1x128xi32, #tpu.memory_space<vmem>> -> memref<128xi32, #tpu.memory_space<vmem>>
    %dma_wait3A_134 = arith.constant 0 : i32
    %dma_wait3A_135 = tpu.memref_slice %arg3[%dma_wait3A_129, %dma_wait3A_134] : memref<2560x128xi32, #tpu.memory_space<hbm>> -> memref<1x128xi32, #tpu.memory_space<hbm>>
    %dma_wait3A_136 = tpu.memref_squeeze %dma_wait3A_135 : memref<1x128xi32, #tpu.memory_space<hbm>> -> memref<128xi32, #tpu.memory_space<hbm>>
    %dma_wait3A_137 = arith.constant 0 : i32
    %dma_wait3A_138 = tpu.memref_slice %arg6[%dma_wait3A_130, %dma_wait3A_137] : memref<2x128xi32, #tpu.memory_space<vmem>> -> memref<1x128xi32, #tpu.memory_space<vmem>>
    %dma_wait3A_139 = tpu.memref_squeeze %dma_wait3A_138 : memref<1x128xi32, #tpu.memory_space<vmem>> -> memref<128xi32, #tpu.memory_space<vmem>>
    %dma_wait3A_140 = arith.constant 0 : i32
    %dma_wait3A_141 = tpu.memref_slice %arg3[%dma_wait3A_129, %dma_wait3A_140] : memref<2560x128xi32, #tpu.memory_space<hbm>> -> memref<1x128xi32, #tpu.memory_space<hbm>>
    %dma_wait3A_142 = tpu.memref_squeeze %dma_wait3A_141 : memref<1x128xi32, #tpu.memory_space<hbm>> -> memref<128xi32, #tpu.memory_space<hbm>>
    tpu.wait_dma2 semaphore(%arg14 : memref<!tpu.dma_semaphore, #tpu.memory_space<semaphore_mem>>) src(%dma_wait3A_142 : memref<128xi32, #tpu.memory_space<hbm>>) dst(%dma_wait3A_139 : memref<128xi32, #tpu.memory_space<vmem>>)
    %dma_wait3A_143 = arith.constant 0 : i32
    %dma_wait3A_144 = arith.constant 1 : i32
    %dma_wait3A_145 = arith.constant 0 : i32
    %dma_wait3A_146 = tpu.memref_slice %arg7[%dma_wait3A_144, %dma_wait3A_145] : memref<2x128xi32, #tpu.memory_space<vmem>> -> memref<1x128xi32, #tpu.memory_space<vmem>>
    %dma_wait3A_147 = tpu.memref_squeeze %dma_wait3A_146 : memref<1x128xi32, #tpu.memory_space<vmem>> -> memref<128xi32, #tpu.memory_space<vmem>>
    %dma_wait3A_148 = arith.constant 0 : i32
    %dma_wait3A_149 = tpu.memref_slice %arg4[%dma_wait3A_143, %dma_wait3A_148] : memref<2560x128xi32, #tpu.memory_space<hbm>> -> memref<1x128xi32, #tpu.memory_space<hbm>>
    %dma_wait3A_150 = tpu.memref_squeeze %dma_wait3A_149 : memref<1x128xi32, #tpu.memory_space<hbm>> -> memref<128xi32, #tpu.memory_space<hbm>>
    %dma_wait3A_151 = arith.constant 0 : i32
    %dma_wait3A_152 = tpu.memref_slice %arg7[%dma_wait3A_144, %dma_wait3A_151] : memref<2x128xi32, #tpu.memory_space<vmem>> -> memref<1x128xi32, #tpu.memory_space<vmem>>
    %dma_wait3A_153 = tpu.memref_squeeze %dma_wait3A_152 : memref<1x128xi32, #tpu.memory_space<vmem>> -> memref<128xi32, #tpu.memory_space<vmem>>
    %dma_wait3A_154 = arith.constant 0 : i32
    %dma_wait3A_155 = tpu.memref_slice %arg4[%dma_wait3A_143, %dma_wait3A_154] : memref<2560x128xi32, #tpu.memory_space<hbm>> -> memref<1x128xi32, #tpu.memory_space<hbm>>
    %dma_wait3A_156 = tpu.memref_squeeze %dma_wait3A_155 : memref<1x128xi32, #tpu.memory_space<hbm>> -> memref<128xi32, #tpu.memory_space<hbm>>
    tpu.wait_dma2 semaphore(%arg14 : memref<!tpu.dma_semaphore, #tpu.memory_space<semaphore_mem>>) src(%dma_wait3A_156 : memref<128xi32, #tpu.memory_space<hbm>>) dst(%dma_wait3A_153 : memref<128xi32, #tpu.memory_space<vmem>>)
    %dma_start3A_157 = arith.constant 1 : i32
    %dma_start3A_158 = arith.constant 0 : i32
    %dma_start3A_159 = tpu.memref_slice %arg6[%dma_start3A_157, %dma_start3A_158] : memref<2x128xi32, #tpu.memory_space<vmem>> -> memref<1x128xi32, #tpu.memory_space<vmem>>
    %dma_start3A_160 = tpu.memref_squeeze %dma_start3A_159 : memref<1x128xi32, #tpu.memory_space<vmem>> -> memref<128xi32, #tpu.memory_space<vmem>>
    %dma_start3A_161 = arith.constant 0 : i32
    %dma_start3A_162 = arith.constant 0 : i32
    %dma_start3A_163 = tpu.memref_slice %arg2[%dma_start3A_161, %dma_start3A_162] : memref<10000x128xf32, #tpu.memory_space<hbm>> -> memref<10000x128xf32, #tpu.memory_space<hbm>>
    tpu.enqueue_indirect_dma source(%dma_start3A_163 : memref<10000x128xf32, #tpu.memory_space<hbm>>) target(%arg9 : memref<128x128xf32, #tpu.memory_space<vmem>>) offsets(%dma_start3A_160 : memref<128xi32, #tpu.memory_space<vmem>>) semaphore(%arg12 : memref<!tpu.dma_semaphore, #tpu.memory_space<semaphore_mem>>)
    %dma_wait3A_164 = arith.constant 0 : i32
    %dma_wait3A_165 = arith.constant 0 : i32
    %dma_wait3A_166 = tpu.memref_slice %arg2[%dma_wait3A_164, %dma_wait3A_165] : memref<10000x128xf32, #tpu.memory_space<hbm>> -> memref<128x128xf32, #tpu.memory_space<hbm>>
    %dma_wait3A_167 = arith.constant 0 : i32
    %dma_wait3A_168 = arith.constant 0 : i32
    %dma_wait3A_169 = tpu.memref_slice %arg2[%dma_wait3A_167, %dma_wait3A_168] : memref<10000x128xf32, #tpu.memory_space<hbm>> -> memref<128x128xf32, #tpu.memory_space<hbm>>
    tpu.wait_dma2 semaphore(%arg11 : memref<!tpu.dma_semaphore, #tpu.memory_space<semaphore_mem>>) src(%dma_wait3A_169 : memref<128x128xf32, #tpu.memory_space<hbm>>) dst(%arg8 : memref<128x128xf32, #tpu.memory_space<vmem>>)
    %run_scoped3A = arith.constant 0 : i32
    "tpu.region"() ({
      %run_scoped3A_258 = tpu.sem_alloc : memref<!tpu.dma_semaphore, #tpu.memory_space<semaphore_mem>>
      %dma_start3A_259 = arith.constant 0 : i32
      %dma_start3A_260 = tpu.memref_slice %arg7[%run_scoped3A, %dma_start3A_259] : memref<2x128xi32, #tpu.memory_space<vmem>> -> memref<1x128xi32, #tpu.memory_space<vmem>>
      %dma_start3A_261 = tpu.memref_squeeze %dma_start3A_260 : memref<1x128xi32, #tpu.memory_space<vmem>> -> memref<128xi32, #tpu.memory_space<vmem>>
      %dma_start3A_262 = arith.constant 0 : i32
      %dma_start3A_263 = arith.constant 0 : i32
      %dma_start3A_264 = tpu.memref_slice %arg10[%dma_start3A_262, %dma_start3A_263] : memref<10240x128xf32, #tpu.memory_space<vmem_shared>> -> memref<10240x128xf32, #tpu.memory_space<vmem_shared>>
      tpu.enqueue_indirect_dma source(%arg8 : memref<128x128xf32, #tpu.memory_space<vmem>>) target(%dma_start3A_264 : memref<10240x128xf32, #tpu.memory_space<vmem_shared>>) offsets(%dma_start3A_261 : memref<128xi32, #tpu.memory_space<vmem>>) semaphore(%run_scoped3A_258 : memref<!tpu.dma_semaphore, #tpu.memory_space<semaphore_mem>>) {add = true}
      %dma_wait3A_265 = arith.constant 0 : i32
      %dma_wait3A_266 = tpu.memref_slice %arg7[%run_scoped3A, %dma_wait3A_265] : memref<2x128xi32, #tpu.memory_space<vmem>> -> memref<1x128xi32, #tpu.memory_space<vmem>>
      %dma_wait3A_267 = tpu.memref_squeeze %dma_wait3A_266 : memref<1x128xi32, #tpu.memory_space<vmem>> -> memref<128xi32, #tpu.memory_space<vmem>>
      %dma_wait3A_268 = arith.constant 0 : i32
      %dma_wait3A_269 = arith.constant 0 : i32
      %dma_wait3A_270 = tpu.memref_slice %arg10[%dma_wait3A_268, %dma_wait3A_269] : memref<10240x128xf32, #tpu.memory_space<vmem_shared>> -> memref<10240x128xf32, #tpu.memory_space<vmem_shared>>
      tpu.wait_indirect_dma semaphore(%run_scoped3A_258 : memref<!tpu.dma_semaphore, #tpu.memory_space<semaphore_mem>>) src(%arg8 : memref<128x128xf32, #tpu.memory_space<vmem>>) dst(%dma_wait3A_270 : memref<10240x128xf32, #tpu.memory_space<vmem_shared>>)
      tpu.yield
    }) : () -> ()
    %dma_wait3A_170 = arith.constant 0 : i32
    %dma_wait3A_171 = arith.constant 0 : i32
    %dma_wait3A_172 = tpu.memref_slice %arg2[%dma_wait3A_170, %dma_wait3A_171] : memref<10000x128xf32, #tpu.memory_space<hbm>> -> memref<128x128xf32, #tpu.memory_space<hbm>>
    %dma_wait3A_173 = arith.constant 0 : i32
    %dma_wait3A_174 = arith.constant 0 : i32
    %dma_wait3A_175 = tpu.memref_slice %arg2[%dma_wait3A_173, %dma_wait3A_174] : memref<10000x128xf32, #tpu.memory_space<hbm>> -> memref<128x128xf32, #tpu.memory_space<hbm>>
    tpu.wait_dma2 semaphore(%arg12 : memref<!tpu.dma_semaphore, #tpu.memory_space<semaphore_mem>>) src(%dma_wait3A_175 : memref<128x128xf32, #tpu.memory_space<hbm>>) dst(%arg9 : memref<128x128xf32, #tpu.memory_space<vmem>>)
    %run_scoped3A_176 = arith.constant 1 : i32
    "tpu.region"() ({
      %run_scoped3A_258 = tpu.sem_alloc : memref<!tpu.dma_semaphore, #tpu.memory_space<semaphore_mem>>
      %dma_start3A_259 = arith.constant 0 : i32
      %dma_start3A_260 = tpu.memref_slice %arg7[%run_scoped3A_176, %dma_start3A_259] : memref<2x128xi32, #tpu.memory_space<vmem>> -> memref<1x128xi32, #tpu.memory_space<vmem>>
      %dma_start3A_261 = tpu.memref_squeeze %dma_start3A_260 : memref<1x128xi32, #tpu.memory_space<vmem>> -> memref<128xi32, #tpu.memory_space<vmem>>
      %dma_start3A_262 = arith.constant 0 : i32
      %dma_start3A_263 = arith.constant 0 : i32
      %dma_start3A_264 = tpu.memref_slice %arg10[%dma_start3A_262, %dma_start3A_263] : memref<10240x128xf32, #tpu.memory_space<vmem_shared>> -> memref<10240x128xf32, #tpu.memory_space<vmem_shared>>
      tpu.enqueue_indirect_dma source(%arg9 : memref<128x128xf32, #tpu.memory_space<vmem>>) target(%dma_start3A_264 : memref<10240x128xf32, #tpu.memory_space<vmem_shared>>) offsets(%dma_start3A_261 : memref<128xi32, #tpu.memory_space<vmem>>) semaphore(%run_scoped3A_258 : memref<!tpu.dma_semaphore, #tpu.memory_space<semaphore_mem>>) {add = true}
      %dma_wait3A_265 = arith.constant 0 : i32
      %dma_wait3A_266 = tpu.memref_slice %arg7[%run_scoped3A_176, %dma_wait3A_265] : memref<2x128xi32, #tpu.memory_space<vmem>> -> memref<1x128xi32, #tpu.memory_space<vmem>>
      %dma_wait3A_267 = tpu.memref_squeeze %dma_wait3A_266 : memref<1x128xi32, #tpu.memory_space<vmem>> -> memref<128xi32, #tpu.memory_space<vmem>>
      %dma_wait3A_268 = arith.constant 0 : i32
      %dma_wait3A_269 = arith.constant 0 : i32
      %dma_wait3A_270 = tpu.memref_slice %arg10[%dma_wait3A_268, %dma_wait3A_269] : memref<10240x128xf32, #tpu.memory_space<vmem_shared>> -> memref<10240x128xf32, #tpu.memory_space<vmem_shared>>
      tpu.wait_indirect_dma semaphore(%run_scoped3A_258 : memref<!tpu.dma_semaphore, #tpu.memory_space<semaphore_mem>>) src(%arg9 : memref<128x128xf32, #tpu.memory_space<vmem>>) dst(%dma_wait3A_270 : memref<10240x128xf32, #tpu.memory_space<vmem_shared>>)
      tpu.yield
    }) : () -> ()
    %barrier3A_177 = arith.constant 0 : index
    tpu.barrier barrier_id(%barrier3A_177)
    %mul3A_178 = arith.constant 640 : i32
    %mul3A_179 = arith.muli %arg1, %mul3A_178 : i32
    %add3A_180 = arith.constant 0 : i32
    %add3A_181 = arith.addi %mul3A_179, %add3A_180 : i32
    "tpu.region"() ({
      %run_scoped3A_258 = tpu.sem_alloc : memref<!tpu.dma_semaphore, #tpu.memory_space<semaphore_mem>>
      %dma_start3A_259 = arith.constant 0 : i32
      %dma_start3A_260 = tpu.memref_slice %arg10[%add3A_181, %dma_start3A_259] : memref<10240x128xf32, #tpu.memory_space<vmem_shared>> -> memref<128x128xf32, #tpu.memory_space<vmem_shared>>
      %dma_start3A_261 = arith.constant 0 : i32
      %dma_start3A_262 = tpu.memref_slice %arg10[%add3A_181, %dma_start3A_261] : memref<10240x128xf32, #tpu.memory_space<vmem_shared>> -> memref<128x128xf32, #tpu.memory_space<vmem_shared>>
      tpu.enqueue_dma source(%dma_start3A_262 : memref<128x128xf32, #tpu.memory_space<vmem_shared>>) target(%arg8 : memref<128x128xf32, #tpu.memory_space<vmem>>) target_semaphore(%run_scoped3A_258 : memref<!tpu.dma_semaphore, #tpu.memory_space<semaphore_mem>>)
      %dma_wait3A_263 = arith.constant 0 : i32
      %dma_wait3A_264 = tpu.memref_slice %arg10[%add3A_181, %dma_wait3A_263] : memref<10240x128xf32, #tpu.memory_space<vmem_shared>> -> memref<128x128xf32, #tpu.memory_space<vmem_shared>>
      %dma_wait3A_265 = arith.constant 0 : i32
      %dma_wait3A_266 = tpu.memref_slice %arg10[%add3A_181, %dma_wait3A_265] : memref<10240x128xf32, #tpu.memory_space<vmem_shared>> -> memref<128x128xf32, #tpu.memory_space<vmem_shared>>
      tpu.wait_dma2 semaphore(%run_scoped3A_258 : memref<!tpu.dma_semaphore, #tpu.memory_space<semaphore_mem>>) src(%dma_wait3A_266 : memref<128x128xf32, #tpu.memory_space<vmem_shared>>) dst(%arg8 : memref<128x128xf32, #tpu.memory_space<vmem>>)
      tpu.yield
    }) : () -> ()
    %dma_start3A_182 = arith.constant 0 : i32
    %dma_start3A_183 = tpu.memref_slice %arg5[%arg0, %add3A_181, %dma_start3A_182] : memref<2x10240x128xf32, #tpu.memory_space<hbm>> -> memref<1x128x128xf32, #tpu.memory_space<hbm>>
    %dma_start3A_184 = tpu.memref_squeeze %dma_start3A_183 : memref<1x128x128xf32, #tpu.memory_space<hbm>> -> memref<128x128xf32, #tpu.memory_space<hbm>>
    %dma_start3A_185 = arith.constant 0 : i32
    %dma_start3A_186 = tpu.memref_slice %arg5[%arg0, %add3A_181, %dma_start3A_185] : memref<2x10240x128xf32, #tpu.memory_space<hbm>> -> memref<1x128x128xf32, #tpu.memory_space<hbm>>
    %dma_start3A_187 = tpu.memref_squeeze %dma_start3A_186 : memref<1x128x128xf32, #tpu.memory_space<hbm>> -> memref<128x128xf32, #tpu.memory_space<hbm>>
    tpu.enqueue_dma source(%arg8 : memref<128x128xf32, #tpu.memory_space<vmem>>) target(%dma_start3A_187 : memref<128x128xf32, #tpu.memory_space<hbm>>) target_semaphore(%arg11 : memref<!tpu.dma_semaphore, #tpu.memory_space<semaphore_mem>>)
    %mul3A_188 = arith.constant 640 : i32
    %mul3A_189 = arith.muli %arg1, %mul3A_188 : i32
    %add3A_190 = arith.constant 128 : i32
    %add3A_191 = arith.addi %mul3A_189, %add3A_190 : i32
    "tpu.region"() ({
      %run_scoped3A_258 = tpu.sem_alloc : memref<!tpu.dma_semaphore, #tpu.memory_space<semaphore_mem>>
      %dma_start3A_259 = arith.constant 0 : i32
      %dma_start3A_260 = tpu.memref_slice %arg10[%add3A_191, %dma_start3A_259] : memref<10240x128xf32, #tpu.memory_space<vmem_shared>> -> memref<128x128xf32, #tpu.memory_space<vmem_shared>>
      %dma_start3A_261 = arith.constant 0 : i32
      %dma_start3A_262 = tpu.memref_slice %arg10[%add3A_191, %dma_start3A_261] : memref<10240x128xf32, #tpu.memory_space<vmem_shared>> -> memref<128x128xf32, #tpu.memory_space<vmem_shared>>
      tpu.enqueue_dma source(%dma_start3A_262 : memref<128x128xf32, #tpu.memory_space<vmem_shared>>) target(%arg9 : memref<128x128xf32, #tpu.memory_space<vmem>>) target_semaphore(%run_scoped3A_258 : memref<!tpu.dma_semaphore, #tpu.memory_space<semaphore_mem>>)
      %dma_wait3A_263 = arith.constant 0 : i32
      %dma_wait3A_264 = tpu.memref_slice %arg10[%add3A_191, %dma_wait3A_263] : memref<10240x128xf32, #tpu.memory_space<vmem_shared>> -> memref<128x128xf32, #tpu.memory_space<vmem_shared>>
      %dma_wait3A_265 = arith.constant 0 : i32
      %dma_wait3A_266 = tpu.memref_slice %arg10[%add3A_191, %dma_wait3A_265] : memref<10240x128xf32, #tpu.memory_space<vmem_shared>> -> memref<128x128xf32, #tpu.memory_space<vmem_shared>>
      tpu.wait_dma2 semaphore(%run_scoped3A_258 : memref<!tpu.dma_semaphore, #tpu.memory_space<semaphore_mem>>) src(%dma_wait3A_266 : memref<128x128xf32, #tpu.memory_space<vmem_shared>>) dst(%arg9 : memref<128x128xf32, #tpu.memory_space<vmem>>)
      tpu.yield
    }) : () -> ()
    %dma_start3A_192 = arith.constant 0 : i32
    %dma_start3A_193 = tpu.memref_slice %arg5[%arg0, %add3A_191, %dma_start3A_192] : memref<2x10240x128xf32, #tpu.memory_space<hbm>> -> memref<1x128x128xf32, #tpu.memory_space<hbm>>
    %dma_start3A_194 = tpu.memref_squeeze %dma_start3A_193 : memref<1x128x128xf32, #tpu.memory_space<hbm>> -> memref<128x128xf32, #tpu.memory_space<hbm>>
    %dma_start3A_195 = arith.constant 0 : i32
    %dma_start3A_196 = tpu.memref_slice %arg5[%arg0, %add3A_191, %dma_start3A_195] : memref<2x10240x128xf32, #tpu.memory_space<hbm>> -> memref<1x128x128xf32, #tpu.memory_space<hbm>>
    %dma_start3A_197 = tpu.memref_squeeze %dma_start3A_196 : memref<1x128x128xf32, #tpu.memory_space<hbm>> -> memref<128x128xf32, #tpu.memory_space<hbm>>
    tpu.enqueue_dma source(%arg9 : memref<128x128xf32, #tpu.memory_space<vmem>>) target(%dma_start3A_197 : memref<128x128xf32, #tpu.memory_space<hbm>>) target_semaphore(%arg12 : memref<!tpu.dma_semaphore, #tpu.memory_space<semaphore_mem>>)
    %dma_wait3A_198 = arith.constant 0 : i32
    %dma_wait3A_199 = arith.constant 0 : i32
    %dma_wait3A_200 = tpu.memref_slice %arg2[%dma_wait3A_198, %dma_wait3A_199] : memref<10000x128xf32, #tpu.memory_space<hbm>> -> memref<128x128xf32, #tpu.memory_space<hbm>>
    %dma_wait3A_201 = arith.constant 0 : i32
    %dma_wait3A_202 = arith.constant 0 : i32
    %dma_wait3A_203 = tpu.memref_slice %arg2[%dma_wait3A_201, %dma_wait3A_202] : memref<10000x128xf32, #tpu.memory_space<hbm>> -> memref<128x128xf32, #tpu.memory_space<hbm>>
    tpu.wait_dma2 semaphore(%arg11 : memref<!tpu.dma_semaphore, #tpu.memory_space<semaphore_mem>>) src(%dma_wait3A_203 : memref<128x128xf32, #tpu.memory_space<hbm>>) dst(%arg8 : memref<128x128xf32, #tpu.memory_space<vmem>>)
    %mul3A_204 = arith.constant 640 : i32
    %mul3A_205 = arith.muli %arg1, %mul3A_204 : i32
    %add3A_206 = arith.constant 256 : i32
    %add3A_207 = arith.addi %mul3A_205, %add3A_206 : i32
    "tpu.region"() ({
      %run_scoped3A_258 = tpu.sem_alloc : memref<!tpu.dma_semaphore, #tpu.memory_space<semaphore_mem>>
      %dma_start3A_259 = arith.constant 0 : i32
      %dma_start3A_260 = tpu.memref_slice %arg10[%add3A_207, %dma_start3A_259] : memref<10240x128xf32, #tpu.memory_space<vmem_shared>> -> memref<128x128xf32, #tpu.memory_space<vmem_shared>>
      %dma_start3A_261 = arith.constant 0 : i32
      %dma_start3A_262 = tpu.memref_slice %arg10[%add3A_207, %dma_start3A_261] : memref<10240x128xf32, #tpu.memory_space<vmem_shared>> -> memref<128x128xf32, #tpu.memory_space<vmem_shared>>
      tpu.enqueue_dma source(%dma_start3A_262 : memref<128x128xf32, #tpu.memory_space<vmem_shared>>) target(%arg8 : memref<128x128xf32, #tpu.memory_space<vmem>>) target_semaphore(%run_scoped3A_258 : memref<!tpu.dma_semaphore, #tpu.memory_space<semaphore_mem>>)
      %dma_wait3A_263 = arith.constant 0 : i32
      %dma_wait3A_264 = tpu.memref_slice %arg10[%add3A_207, %dma_wait3A_263] : memref<10240x128xf32, #tpu.memory_space<vmem_shared>> -> memref<128x128xf32, #tpu.memory_space<vmem_shared>>
      %dma_wait3A_265 = arith.constant 0 : i32
      %dma_wait3A_266 = tpu.memref_slice %arg10[%add3A_207, %dma_wait3A_265] : memref<10240x128xf32, #tpu.memory_space<vmem_shared>> -> memref<128x128xf32, #tpu.memory_space<vmem_shared>>
      tpu.wait_dma2 semaphore(%run_scoped3A_258 : memref<!tpu.dma_semaphore, #tpu.memory_space<semaphore_mem>>) src(%dma_wait3A_266 : memref<128x128xf32, #tpu.memory_space<vmem_shared>>) dst(%arg8 : memref<128x128xf32, #tpu.memory_space<vmem>>)
      tpu.yield
    }) : () -> ()
    %dma_start3A_208 = arith.constant 0 : i32
    %dma_start3A_209 = tpu.memref_slice %arg5[%arg0, %add3A_207, %dma_start3A_208] : memref<2x10240x128xf32, #tpu.memory_space<hbm>> -> memref<1x128x128xf32, #tpu.memory_space<hbm>>
    %dma_start3A_210 = tpu.memref_squeeze %dma_start3A_209 : memref<1x128x128xf32, #tpu.memory_space<hbm>> -> memref<128x128xf32, #tpu.memory_space<hbm>>
    %dma_start3A_211 = arith.constant 0 : i32
    %dma_start3A_212 = tpu.memref_slice %arg5[%arg0, %add3A_207, %dma_start3A_211] : memref<2x10240x128xf32, #tpu.memory_space<hbm>> -> memref<1x128x128xf32, #tpu.memory_space<hbm>>
    %dma_start3A_213 = tpu.memref_squeeze %dma_start3A_212 : memref<1x128x128xf32, #tpu.memory_space<hbm>> -> memref<128x128xf32, #tpu.memory_space<hbm>>
    tpu.enqueue_dma source(%arg8 : memref<128x128xf32, #tpu.memory_space<vmem>>) target(%dma_start3A_213 : memref<128x128xf32, #tpu.memory_space<hbm>>) target_semaphore(%arg11 : memref<!tpu.dma_semaphore, #tpu.memory_space<semaphore_mem>>)
    %dma_wait3A_214 = arith.constant 0 : i32
    %dma_wait3A_215 = arith.constant 0 : i32
    %dma_wait3A_216 = tpu.memref_slice %arg2[%dma_wait3A_214, %dma_wait3A_215] : memref<10000x128xf32, #tpu.memory_space<hbm>> -> memref<128x128xf32, #tpu.memory_space<hbm>>
    %dma_wait3A_217 = arith.constant 0 : i32
    %dma_wait3A_218 = arith.constant 0 : i32
    %dma_wait3A_219 = tpu.memref_slice %arg2[%dma_wait3A_217, %dma_wait3A_218] : memref<10000x128xf32, #tpu.memory_space<hbm>> -> memref<128x128xf32, #tpu.memory_space<hbm>>
    tpu.wait_dma2 semaphore(%arg12 : memref<!tpu.dma_semaphore, #tpu.memory_space<semaphore_mem>>) src(%dma_wait3A_219 : memref<128x128xf32, #tpu.memory_space<hbm>>) dst(%arg9 : memref<128x128xf32, #tpu.memory_space<vmem>>)
    %mul3A_220 = arith.constant 640 : i32
    %mul3A_221 = arith.muli %arg1, %mul3A_220 : i32
    %add3A_222 = arith.constant 384 : i32
    %add3A_223 = arith.addi %mul3A_221, %add3A_222 : i32
    "tpu.region"() ({
      %run_scoped3A_258 = tpu.sem_alloc : memref<!tpu.dma_semaphore, #tpu.memory_space<semaphore_mem>>
      %dma_start3A_259 = arith.constant 0 : i32
      %dma_start3A_260 = tpu.memref_slice %arg10[%add3A_223, %dma_start3A_259] : memref<10240x128xf32, #tpu.memory_space<vmem_shared>> -> memref<128x128xf32, #tpu.memory_space<vmem_shared>>
      %dma_start3A_261 = arith.constant 0 : i32
      %dma_start3A_262 = tpu.memref_slice %arg10[%add3A_223, %dma_start3A_261] : memref<10240x128xf32, #tpu.memory_space<vmem_shared>> -> memref<128x128xf32, #tpu.memory_space<vmem_shared>>
      tpu.enqueue_dma source(%dma_start3A_262 : memref<128x128xf32, #tpu.memory_space<vmem_shared>>) target(%arg9 : memref<128x128xf32, #tpu.memory_space<vmem>>) target_semaphore(%run_scoped3A_258 : memref<!tpu.dma_semaphore, #tpu.memory_space<semaphore_mem>>)
      %dma_wait3A_263 = arith.constant 0 : i32
      %dma_wait3A_264 = tpu.memref_slice %arg10[%add3A_223, %dma_wait3A_263] : memref<10240x128xf32, #tpu.memory_space<vmem_shared>> -> memref<128x128xf32, #tpu.memory_space<vmem_shared>>
      %dma_wait3A_265 = arith.constant 0 : i32
      %dma_wait3A_266 = tpu.memref_slice %arg10[%add3A_223, %dma_wait3A_265] : memref<10240x128xf32, #tpu.memory_space<vmem_shared>> -> memref<128x128xf32, #tpu.memory_space<vmem_shared>>
      tpu.wait_dma2 semaphore(%run_scoped3A_258 : memref<!tpu.dma_semaphore, #tpu.memory_space<semaphore_mem>>) src(%dma_wait3A_266 : memref<128x128xf32, #tpu.memory_space<vmem_shared>>) dst(%arg9 : memref<128x128xf32, #tpu.memory_space<vmem>>)
      tpu.yield
    }) : () -> ()
    %dma_start3A_224 = arith.constant 0 : i32
    %dma_start3A_225 = tpu.memref_slice %arg5[%arg0, %add3A_223, %dma_start3A_224] : memref<2x10240x128xf32, #tpu.memory_space<hbm>> -> memref<1x128x128xf32, #tpu.memory_space<hbm>>
    %dma_start3A_226 = tpu.memref_squeeze %dma_start3A_225 : memref<1x128x128xf32, #tpu.memory_space<hbm>> -> memref<128x128xf32, #tpu.memory_space<hbm>>
    %dma_start3A_227 = arith.constant 0 : i32
    %dma_start3A_228 = tpu.memref_slice %arg5[%arg0, %add3A_223, %dma_start3A_227] : memref<2x10240x128xf32, #tpu.memory_space<hbm>> -> memref<1x128x128xf32, #tpu.memory_space<hbm>>
    %dma_start3A_229 = tpu.memref_squeeze %dma_start3A_228 : memref<1x128x128xf32, #tpu.memory_space<hbm>> -> memref<128x128xf32, #tpu.memory_space<hbm>>
    tpu.enqueue_dma source(%arg9 : memref<128x128xf32, #tpu.memory_space<vmem>>) target(%dma_start3A_229 : memref<128x128xf32, #tpu.memory_space<hbm>>) target_semaphore(%arg12 : memref<!tpu.dma_semaphore, #tpu.memory_space<semaphore_mem>>)
    %dma_wait3A_230 = arith.constant 0 : i32
    %dma_wait3A_231 = arith.constant 0 : i32
    %dma_wait3A_232 = tpu.memref_slice %arg2[%dma_wait3A_230, %dma_wait3A_231] : memref<10000x128xf32, #tpu.memory_space<hbm>> -> memref<128x128xf32, #tpu.memory_space<hbm>>
    %dma_wait3A_233 = arith.constant 0 : i32
    %dma_wait3A_234 = arith.constant 0 : i32
    %dma_wait3A_235 = tpu.memref_slice %arg2[%dma_wait3A_233, %dma_wait3A_234] : memref<10000x128xf32, #tpu.memory_space<hbm>> -> memref<128x128xf32, #tpu.memory_space<hbm>>
    tpu.wait_dma2 semaphore(%arg11 : memref<!tpu.dma_semaphore, #tpu.memory_space<semaphore_mem>>) src(%dma_wait3A_235 : memref<128x128xf32, #tpu.memory_space<hbm>>) dst(%arg8 : memref<128x128xf32, #tpu.memory_space<vmem>>)
    %mul3A_236 = arith.constant 640 : i32
    %mul3A_237 = arith.muli %arg1, %mul3A_236 : i32
    %add3A_238 = arith.constant 512 : i32
    %add3A_239 = arith.addi %mul3A_237, %add3A_238 : i32
    "tpu.region"() ({
      %run_scoped3A_258 = tpu.sem_alloc : memref<!tpu.dma_semaphore, #tpu.memory_space<semaphore_mem>>
      %dma_start3A_259 = arith.constant 0 : i32
      %dma_start3A_260 = tpu.memref_slice %arg10[%add3A_239, %dma_start3A_259] : memref<10240x128xf32, #tpu.memory_space<vmem_shared>> -> memref<128x128xf32, #tpu.memory_space<vmem_shared>>
      %dma_start3A_261 = arith.constant 0 : i32
      %dma_start3A_262 = tpu.memref_slice %arg10[%add3A_239, %dma_start3A_261] : memref<10240x128xf32, #tpu.memory_space<vmem_shared>> -> memref<128x128xf32, #tpu.memory_space<vmem_shared>>
      tpu.enqueue_dma source(%dma_start3A_262 : memref<128x128xf32, #tpu.memory_space<vmem_shared>>) target(%arg8 : memref<128x128xf32, #tpu.memory_space<vmem>>) target_semaphore(%run_scoped3A_258 : memref<!tpu.dma_semaphore, #tpu.memory_space<semaphore_mem>>)
      %dma_wait3A_263 = arith.constant 0 : i32
      %dma_wait3A_264 = tpu.memref_slice %arg10[%add3A_239, %dma_wait3A_263] : memref<10240x128xf32, #tpu.memory_space<vmem_shared>> -> memref<128x128xf32, #tpu.memory_space<vmem_shared>>
      %dma_wait3A_265 = arith.constant 0 : i32
      %dma_wait3A_266 = tpu.memref_slice %arg10[%add3A_239, %dma_wait3A_265] : memref<10240x128xf32, #tpu.memory_space<vmem_shared>> -> memref<128x128xf32, #tpu.memory_space<vmem_shared>>
      tpu.wait_dma2 semaphore(%run_scoped3A_258 : memref<!tpu.dma_semaphore, #tpu.memory_space<semaphore_mem>>) src(%dma_wait3A_266 : memref<128x128xf32, #tpu.memory_space<vmem_shared>>) dst(%arg8 : memref<128x128xf32, #tpu.memory_space<vmem>>)
      tpu.yield
    }) : () -> ()
    %dma_start3A_240 = arith.constant 0 : i32
    %dma_start3A_241 = tpu.memref_slice %arg5[%arg0, %add3A_239, %dma_start3A_240] : memref<2x10240x128xf32, #tpu.memory_space<hbm>> -> memref<1x128x128xf32, #tpu.memory_space<hbm>>
    %dma_start3A_242 = tpu.memref_squeeze %dma_start3A_241 : memref<1x128x128xf32, #tpu.memory_space<hbm>> -> memref<128x128xf32, #tpu.memory_space<hbm>>
    %dma_start3A_243 = arith.constant 0 : i32
    %dma_start3A_244 = tpu.memref_slice %arg5[%arg0, %add3A_239, %dma_start3A_243] : memref<2x10240x128xf32, #tpu.memory_space<hbm>> -> memref<1x128x128xf32, #tpu.memory_space<hbm>>
    %dma_start3A_245 = tpu.memref_squeeze %dma_start3A_244 : memref<1x128x128xf32, #tpu.memory_space<hbm>> -> memref<128x128xf32, #tpu.memory_space<hbm>>
    tpu.enqueue_dma source(%arg8 : memref<128x128xf32, #tpu.memory_space<vmem>>) target(%dma_start3A_245 : memref<128x128xf32, #tpu.memory_space<hbm>>) target_semaphore(%arg11 : memref<!tpu.dma_semaphore, #tpu.memory_space<semaphore_mem>>)
    %dma_wait3A_246 = arith.constant 0 : i32
    %dma_wait3A_247 = arith.constant 0 : i32
    %dma_wait3A_248 = tpu.memref_slice %arg2[%dma_wait3A_246, %dma_wait3A_247] : memref<10000x128xf32, #tpu.memory_space<hbm>> -> memref<128x128xf32, #tpu.memory_space<hbm>>
    %dma_wait3A_249 = arith.constant 0 : i32
    %dma_wait3A_250 = arith.constant 0 : i32
    %dma_wait3A_251 = tpu.memref_slice %arg2[%dma_wait3A_249, %dma_wait3A_250] : memref<10000x128xf32, #tpu.memory_space<hbm>> -> memref<128x128xf32, #tpu.memory_space<hbm>>
    tpu.wait_dma2 semaphore(%arg11 : memref<!tpu.dma_semaphore, #tpu.memory_space<semaphore_mem>>) src(%dma_wait3A_251 : memref<128x128xf32, #tpu.memory_space<hbm>>) dst(%arg8 : memref<128x128xf32, #tpu.memory_space<vmem>>)
    %dma_wait3A_252 = arith.constant 0 : i32
    %dma_wait3A_253 = arith.constant 0 : i32
    %dma_wait3A_254 = tpu.memref_slice %arg2[%dma_wait3A_252, %dma_wait3A_253] : memref<10000x128xf32, #tpu.memory_space<hbm>> -> memref<128x128xf32, #tpu.memory_space<hbm>>
    %dma_wait3A_255 = arith.constant 0 : i32
    %dma_wait3A_256 = arith.constant 0 : i32
    %dma_wait3A_257 = tpu.memref_slice %arg2[%dma_wait3A_255, %dma_wait3A_256] : memref<10000x128xf32, #tpu.memory_space<hbm>> -> memref<128x128xf32, #tpu.memory_space<hbm>>
    tpu.wait_dma2 semaphore(%arg12 : memref<!tpu.dma_semaphore, #tpu.memory_space<semaphore_mem>>) src(%dma_wait3A_257 : memref<128x128xf32, #tpu.memory_space<hbm>>) dst(%arg9 : memref<128x128xf32, #tpu.memory_space<vmem>>)
    return
  }
}

#map = affine_map<(d0, d1) -> (0, 0)>
#map1 = affine_map<(d0, d1) -> (0, 0, 0)>
module attributes {stable_mosaic.version = 14 : i64} {
  func.func @_conv_body(%arg0: i32, %arg1: i32, %arg2: memref<10000x128xf32, #tpu.memory_space<hbm>>, %arg3: memref<2560x128xi32, #tpu.memory_space<hbm>>, %arg4: memref<2560x128xi32, #tpu.memory_space<hbm>>, %arg5: memref<2x10240x128xf32, #tpu.memory_space<hbm>>, %arg6: memref<2x128xi32, #tpu.memory_space<vmem>>, %arg7: memref<2x128xi32, #tpu.memory_space<vmem>>, %arg8: memref<128x128xf32, #tpu.memory_space<vmem>>, %arg9: memref<128x128xf32, #tpu.memory_space<vmem>>, %arg10: memref<10240x128xf32, #tpu.memory_space<vmem_shared>>, %arg11: memref<!tpu.dma_semaphore, #tpu.memory_space<semaphore_mem>>, %arg12: memref<!tpu.dma_semaphore, #tpu.memory_space<semaphore_mem>>, %arg13: memref<!tpu.dma_semaphore, #tpu.memory_space<semaphore_mem>>, %arg14: memref<!tpu.dma_semaphore, #tpu.memory_space<semaphore_mem>>) attributes {dimension_semantics = [#tpu.dimension_semantics<core_parallel>, #tpu.dimension_semantics<subcore_parallel>], iteration_bounds = array<i64: 2, 16>, scalar_prefetch = 0 : i64, scratch_operands = 9 : i64, tpu.core_type = #tpu.core_type<sc_vector_subcore>, window_params = [{transform_indices = #map}, {transform_indices = #map}, {transform_indices = #map}, {transform_indices = #map1}]} {
    %mul3A = arith.constant 2 : i32
    %mul3A_0 = arith.muli %arg1, %mul3A : i32
    %add3A = arith.addi %mul3A_0, %arg0 : i32
    %mul3A_1 = arith.constant 80 : i32
    %mul3A_2 = arith.muli %add3A, %mul3A_1 : i32
    %add3A_3 = arith.constant 0 : i32
    %add3A_4 = arith.addi %mul3A_2, %add3A_3 : i32
    %dma_start3A = arith.constant 0 : i32
    %dma_start3A_5 = arith.constant 0 : i32
    %dma_start3A_6 = tpu.memref_slice %arg6[%dma_start3A, %dma_start3A_5] : memref<2x128xi32, #tpu.memory_space<vmem>> -> memref<1x128xi32, #tpu.memory_space<vmem>>
    %dma_start3A_7 = tpu.memref_squeeze %dma_start3A_6 : memref<1x128xi32, #tpu.memory_space<vmem>> -> memref<128xi32, #tpu.memory_space<vmem>>
    %dma_start3A_8 = arith.constant 0 : i32
    %dma_start3A_9 = tpu.memref_slice %arg3[%add3A_4, %dma_start3A_8] : memref<2560x128xi32, #tpu.memory_space<hbm>> -> memref<1x128xi32, #tpu.memory_space<hbm>>
    %dma_start3A_10 = tpu.memref_squeeze %dma_start3A_9 : memref<1x128xi32, #tpu.memory_space<hbm>> -> memref<128xi32, #tpu.memory_space<hbm>>
    %dma_start3A_11 = arith.constant 0 : i32
    %dma_start3A_12 = tpu.memref_slice %arg6[%dma_start3A, %dma_start3A_11] : memref<2x128xi32, #tpu.memory_space<vmem>> -> memref<1x128xi32, #tpu.memory_space<vmem>>
    %dma_start3A_13 = tpu.memref_squeeze %dma_start3A_12 : memref<1x128xi32, #tpu.memory_space<vmem>> -> memref<128xi32, #tpu.memory_space<vmem>>
    %dma_start3A_14 = arith.constant 0 : i32
    %dma_start3A_15 = tpu.memref_slice %arg3[%add3A_4, %dma_start3A_14] : memref<2560x128xi32, #tpu.memory_space<hbm>> -> memref<1x128xi32, #tpu.memory_space<hbm>>
    %dma_start3A_16 = tpu.memref_squeeze %dma_start3A_15 : memref<1x128xi32, #tpu.memory_space<hbm>> -> memref<128xi32, #tpu.memory_space<hbm>>
    tpu.enqueue_dma source(%dma_start3A_16 : memref<128xi32, #tpu.memory_space<hbm>>) target(%dma_start3A_13 : memref<128xi32, #tpu.memory_space<vmem>>) target_semaphore(%arg13 : memref<!tpu.dma_semaphore, #tpu.memory_space<semaphore_mem>>)
    %add3A_17 = arith.constant 0 : i32
    %add3A_18 = arith.addi %mul3A_2, %add3A_17 : i32
    %dma_start3A_19 = arith.constant 0 : i32
    %dma_start3A_20 = arith.constant 0 : i32
    %dma_start3A_21 = tpu.memref_slice %arg7[%dma_start3A_19, %dma_start3A_20] : memref<2x128xi32, #tpu.memory_space<vmem>> -> memref<1x128xi32, #tpu.memory_space<vmem>>
    %dma_start3A_22 = tpu.memref_squeeze %dma_start3A_21 : memref<1x128xi32, #tpu.memory_space<vmem>> -> memref<128xi32, #tpu.memory_space<vmem>>
    %dma_start3A_23 = arith.constant 0 : i32
    %dma_start3A_24 = tpu.memref_slice %arg4[%add3A_18, %dma_start3A_23] : memref<2560x128xi32, #tpu.memory_space<hbm>> -> memref<1x128xi32, #tpu.memory_space<hbm>>
    %dma_start3A_25 = tpu.memref_squeeze %dma_start3A_24 : memref<1x128xi32, #tpu.memory_space<hbm>> -> memref<128xi32, #tpu.memory_space<hbm>>
    %dma_start3A_26 = arith.constant 0 : i32
    %dma_start3A_27 = tpu.memref_slice %arg7[%dma_start3A_19, %dma_start3A_26] : memref<2x128xi32, #tpu.memory_space<vmem>> -> memref<1x128xi32, #tpu.memory_space<vmem>>
    %dma_start3A_28 = tpu.memref_squeeze %dma_start3A_27 : memref<1x128xi32, #tpu.memory_space<vmem>> -> memref<128xi32, #tpu.memory_space<vmem>>
    %dma_start3A_29 = arith.constant 0 : i32
    %dma_start3A_30 = tpu.memref_slice %arg4[%add3A_18, %dma_start3A_29] : memref<2560x128xi32, #tpu.memory_space<hbm>> -> memref<1x128xi32, #tpu.memory_space<hbm>>
    %dma_start3A_31 = tpu.memref_squeeze %dma_start3A_30 : memref<1x128xi32, #tpu.memory_space<hbm>> -> memref<128xi32, #tpu.memory_space<hbm>>
    tpu.enqueue_dma source(%dma_start3A_31 : memref<128xi32, #tpu.memory_space<hbm>>) target(%dma_start3A_28 : memref<128xi32, #tpu.memory_space<vmem>>) target_semaphore(%arg13 : memref<!tpu.dma_semaphore, #tpu.memory_space<semaphore_mem>>)
    %add3A_32 = arith.constant 1 : i32
    %add3A_33 = arith.addi %mul3A_2, %add3A_32 : i32
    %dma_start3A_34 = arith.constant 1 : i32
    %dma_start3A_35 = arith.constant 0 : i32
    %dma_start3A_36 = tpu.memref_slice %arg6[%dma_start3A_34, %dma_start3A_35] : memref<2x128xi32, #tpu.memory_space<vmem>> -> memref<1x128xi32, #tpu.memory_space<vmem>>
    %dma_start3A_37 = tpu.memref_squeeze %dma_start3A_36 : memref<1x128xi32, #tpu.memory_space<vmem>> -> memref<128xi32, #tpu.memory_space<vmem>>
    %dma_start3A_38 = arith.constant 0 : i32
    %dma_start3A_39 = tpu.memref_slice %arg3[%add3A_33, %dma_start3A_38] : memref<2560x128xi32, #tpu.memory_space<hbm>> -> memref<1x128xi32, #tpu.memory_space<hbm>>
    %dma_start3A_40 = tpu.memref_squeeze %dma_start3A_39 : memref<1x128xi32, #tpu.memory_space<hbm>> -> memref<128xi32, #tpu.memory_space<hbm>>
    %dma_start3A_41 = arith.constant 0 : i32
    %dma_start3A_42 = tpu.memref_slice %arg6[%dma_start3A_34, %dma_start3A_41] : memref<2x128xi32, #tpu.memory_space<vmem>> -> memref<1x128xi32, #tpu.memory_space<vmem>>
    %dma_start3A_43 = tpu.memref_squeeze %dma_start3A_42 : memref<1x128xi32, #tpu.memory_space<vmem>> -> memref<128xi32, #tpu.memory_space<vmem>>
    %dma_start3A_44 = arith.constant 0 : i32
    %dma_start3A_45 = tpu.memref_slice %arg3[%add3A_33, %dma_start3A_44] : memref<2560x128xi32, #tpu.memory_space<hbm>> -> memref<1x128xi32, #tpu.memory_space<hbm>>
    %dma_start3A_46 = tpu.memref_squeeze %dma_start3A_45 : memref<1x128xi32, #tpu.memory_space<hbm>> -> memref<128xi32, #tpu.memory_space<hbm>>
    tpu.enqueue_dma source(%dma_start3A_46 : memref<128xi32, #tpu.memory_space<hbm>>) target(%dma_start3A_43 : memref<128xi32, #tpu.memory_space<vmem>>) target_semaphore(%arg14 : memref<!tpu.dma_semaphore, #tpu.memory_space<semaphore_mem>>)
    %add3A_47 = arith.constant 1 : i32
    %add3A_48 = arith.addi %mul3A_2, %add3A_47 : i32
    %dma_start3A_49 = arith.constant 1 : i32
    %dma_start3A_50 = arith.constant 0 : i32
    %dma_start3A_51 = tpu.memref_slice %arg7[%dma_start3A_49, %dma_start3A_50] : memref<2x128xi32, #tpu.memory_space<vmem>> -> memref<1x128xi32, #tpu.memory_space<vmem>>
    %dma_start3A_52 = tpu.memref_squeeze %dma_start3A_51 : memref<1x128xi32, #tpu.memory_space<vmem>> -> memref<128xi32, #tpu.memory_space<vmem>>
    %dma_start3A_53 = arith.constant 0 : i32
    %dma_start3A_54 = tpu.memref_slice %arg4[%add3A_48, %dma_start3A_53] : memref<2560x128xi32, #tpu.memory_space<hbm>> -> memref<1x128xi32, #tpu.memory_space<hbm>>
    %dma_start3A_55 = tpu.memref_squeeze %dma_start3A_54 : memref<1x128xi32, #tpu.memory_space<hbm>> -> memref<128xi32, #tpu.memory_space<hbm>>
    %dma_start3A_56 = arith.constant 0 : i32
    %dma_start3A_57 = tpu.memref_slice %arg7[%dma_start3A_49, %dma_start3A_56] : memref<2x128xi32, #tpu.memory_space<vmem>> -> memref<1x128xi32, #tpu.memory_space<vmem>>
    %dma_start3A_58 = tpu.memref_squeeze %dma_start3A_57 : memref<1x128xi32, #tpu.memory_space<vmem>> -> memref<128xi32, #tpu.memory_space<vmem>>
    %dma_start3A_59 = arith.constant 0 : i32
    %dma_start3A_60 = tpu.memref_slice %arg4[%add3A_48, %dma_start3A_59] : memref<2560x128xi32, #tpu.memory_space<hbm>> -> memref<1x128xi32, #tpu.memory_space<hbm>>
    %dma_start3A_61 = tpu.memref_squeeze %dma_start3A_60 : memref<1x128xi32, #tpu.memory_space<hbm>> -> memref<128xi32, #tpu.memory_space<hbm>>
    tpu.enqueue_dma source(%dma_start3A_61 : memref<128xi32, #tpu.memory_space<hbm>>) target(%dma_start3A_58 : memref<128xi32, #tpu.memory_space<vmem>>) target_semaphore(%arg14 : memref<!tpu.dma_semaphore, #tpu.memory_space<semaphore_mem>>)
    %dma_wait3A = arith.constant 0 : i32
    %dma_wait3A_62 = arith.constant 0 : i32
    %dma_wait3A_63 = arith.constant 0 : i32
    %dma_wait3A_64 = tpu.memref_slice %arg6[%dma_wait3A_62, %dma_wait3A_63] : memref<2x128xi32, #tpu.memory_space<vmem>> -> memref<1x128xi32, #tpu.memory_space<vmem>>
    %dma_wait3A_65 = tpu.memref_squeeze %dma_wait3A_64 : memref<1x128xi32, #tpu.memory_space<vmem>> -> memref<128xi32, #tpu.memory_space<vmem>>
    %dma_wait3A_66 = arith.constant 0 : i32
    %dma_wait3A_67 = tpu.memref_slice %arg3[%dma_wait3A, %dma_wait3A_66] : memref<2560x128xi32, #tpu.memory_space<hbm>> -> memref<1x128xi32, #tpu.memory_space<hbm>>
    %dma_wait3A_68 = tpu.memref_squeeze %dma_wait3A_67 : memref<1x128xi32, #tpu.memory_space<hbm>> -> memref<128xi32, #tpu.memory_space<hbm>>
    %dma_wait3A_69 = arith.constant 0 : i32
    %dma_wait3A_70 = tpu.memref_slice %arg6[%dma_wait3A_62, %dma_wait3A_69] : memref<2x128xi32, #tpu.memory_space<vmem>> -> memref<1x128xi32, #tpu.memory_space<vmem>>
    %dma_wait3A_71 = tpu.memref_squeeze %dma_wait3A_70 : memref<1x128xi32, #tpu.memory_space<vmem>> -> memref<128xi32, #tpu.memory_space<vmem>>
    %dma_wait3A_72 = arith.constant 0 : i32
    %dma_wait3A_73 = tpu.memref_slice %arg3[%dma_wait3A, %dma_wait3A_72] : memref<2560x128xi32, #tpu.memory_space<hbm>> -> memref<1x128xi32, #tpu.memory_space<hbm>>
    %dma_wait3A_74 = tpu.memref_squeeze %dma_wait3A_73 : memref<1x128xi32, #tpu.memory_space<hbm>> -> memref<128xi32, #tpu.memory_space<hbm>>
    tpu.wait_dma2 semaphore(%arg13 : memref<!tpu.dma_semaphore, #tpu.memory_space<semaphore_mem>>) src(%dma_wait3A_74 : memref<128xi32, #tpu.memory_space<hbm>>) dst(%dma_wait3A_71 : memref<128xi32, #tpu.memory_space<vmem>>)
    %dma_wait3A_75 = arith.constant 0 : i32
    %dma_wait3A_76 = arith.constant 0 : i32
    %dma_wait3A_77 = arith.constant 0 : i32
    %dma_wait3A_78 = tpu.memref_slice %arg7[%dma_wait3A_76, %dma_wait3A_77] : memref<2x128xi32, #tpu.memory_space<vmem>> -> memref<1x128xi32, #tpu.memory_space<vmem>>
    %dma_wait3A_79 = tpu.memref_squeeze %dma_wait3A_78 : memref<1x128xi32, #tpu.memory_space<vmem>> -> memref<128xi32, #tpu.memory_space<vmem>>
    %dma_wait3A_80 = arith.constant 0 : i32
    %dma_wait3A_81 = tpu.memref_slice %arg4[%dma_wait3A_75, %dma_wait3A_80] : memref<2560x128xi32, #tpu.memory_space<hbm>> -> memref<1x128xi32, #tpu.memory_space<hbm>>
    %dma_wait3A_82 = tpu.memref_squeeze %dma_wait3A_81 : memref<1x128xi32, #tpu.memory_space<hbm>> -> memref<128xi32, #tpu.memory_space<hbm>>
    %dma_wait3A_83 = arith.constant 0 : i32
    %dma_wait3A_84 = tpu.memref_slice %arg7[%dma_wait3A_76, %dma_wait3A_83] : memref<2x128xi32, #tpu.memory_space<vmem>> -> memref<1x128xi32, #tpu.memory_space<vmem>>
    %dma_wait3A_85 = tpu.memref_squeeze %dma_wait3A_84 : memref<1x128xi32, #tpu.memory_space<vmem>> -> memref<128xi32, #tpu.memory_space<vmem>>
    %dma_wait3A_86 = arith.constant 0 : i32
    %dma_wait3A_87 = tpu.memref_slice %arg4[%dma_wait3A_75, %dma_wait3A_86] : memref<2560x128xi32, #tpu.memory_space<hbm>> -> memref<1x128xi32, #tpu.memory_space<hbm>>
    %dma_wait3A_88 = tpu.memref_squeeze %dma_wait3A_87 : memref<1x128xi32, #tpu.memory_space<hbm>> -> memref<128xi32, #tpu.memory_space<hbm>>
    tpu.wait_dma2 semaphore(%arg13 : memref<!tpu.dma_semaphore, #tpu.memory_space<semaphore_mem>>) src(%dma_wait3A_88 : memref<128xi32, #tpu.memory_space<hbm>>) dst(%dma_wait3A_85 : memref<128xi32, #tpu.memory_space<vmem>>)
    %dma_start3A_89 = arith.constant 0 : i32
    %dma_start3A_90 = arith.constant 0 : i32
    %dma_start3A_91 = tpu.memref_slice %arg6[%dma_start3A_89, %dma_start3A_90] : memref<2x128xi32, #tpu.memory_space<vmem>> -> memref<1x128xi32, #tpu.memory_space<vmem>>
    %dma_start3A_92 = tpu.memref_squeeze %dma_start3A_91 : memref<1x128xi32, #tpu.memory_space<vmem>> -> memref<128xi32, #tpu.memory_space<vmem>>
    %dma_start3A_93 = arith.constant 0 : i32
    %dma_start3A_94 = arith.constant 0 : i32
    %dma_start3A_95 = tpu.memref_slice %arg2[%dma_start3A_93, %dma_start3A_94] : memref<10000x128xf32, #tpu.memory_space<hbm>> -> memref<10000x128xf32, #tpu.memory_space<hbm>>
    tpu.enqueue_indirect_dma source(%dma_start3A_95 : memref<10000x128xf32, #tpu.memory_space<hbm>>) target(%arg8 : memref<128x128xf32, #tpu.memory_space<vmem>>) offsets(%dma_start3A_92 : memref<128xi32, #tpu.memory_space<vmem>>) semaphore(%arg11 : memref<!tpu.dma_semaphore, #tpu.memory_space<semaphore_mem>>)
    %scan3A = arith.constant 0 : i32
    %scan3A_96 = arith.constant 0 : i32
    %scan3A_97 = arith.constant 128 : i32
    %scan3A_98 = arith.addi %scan3A_96, %scan3A_97 : i32
    %scan3A_99 = arith.constant 1 : i32
    %scan3A_100 = scf.for %scan3A_258 = %scan3A_96 to %scan3A_98 step %scan3A_99 iter_args(%scan3A_259 = %scan3A) -> (i32)  : i32 {
      %broadcast_in_dim3A = arith.constant 0.000000e+00 : f32
      %broadcast_in_dim3A_260 = vector.broadcast %broadcast_in_dim3A : f32 to vector<16xf32>
      %swap3A = arith.index_cast %scan3A_258 : i32 to index
      %swap3A_261 = arith.constant 0 : index
      %swap3A_262 = tpu.vector_load %arg9[%swap3A, %swap3A_261] {strides = array<i32>} : memref<128x128xf32, #tpu.memory_space<vmem>>, vector<1x16xf32>,
      %swap3A_263 = vector.shape_cast %swap3A_262 : vector<1x16xf32> to vector<16xf32>
      %swap3A_264 = vector.shape_cast %broadcast_in_dim3A_260 : vector<16xf32> to vector<1x16xf32>
      tpu.vector_store %arg9[%swap3A, %swap3A_261], %swap3A_264 {strides = array<i32>} : memref<128x128xf32, #tpu.memory_space<vmem>>, vector<1x16xf32>,
      %broadcast_in_dim3A_265 = arith.constant 0.000000e+00 : f32
      %broadcast_in_dim3A_266 = vector.broadcast %broadcast_in_dim3A_265 : f32 to vector<16xf32>
      %swap3A_267 = arith.index_cast %scan3A_258 : i32 to index
      %swap3A_268 = arith.constant 16 : index
      %swap3A_269 = tpu.vector_load %arg9[%swap3A_267, %swap3A_268] {strides = array<i32>} : memref<128x128xf32, #tpu.memory_space<vmem>>, vector<1x16xf32>,
      %swap3A_270 = vector.shape_cast %swap3A_269 : vector<1x16xf32> to vector<16xf32>
      %swap3A_271 = vector.shape_cast %broadcast_in_dim3A_266 : vector<16xf32> to vector<1x16xf32>
      tpu.vector_store %arg9[%swap3A_267, %swap3A_268], %swap3A_271 {strides = array<i32>} : memref<128x128xf32, #tpu.memory_space<vmem>>, vector<1x16xf32>,
      %broadcast_in_dim3A_272 = arith.constant 0.000000e+00 : f32
      %broadcast_in_dim3A_273 = vector.broadcast %broadcast_in_dim3A_272 : f32 to vector<16xf32>
      %swap3A_274 = arith.index_cast %scan3A_258 : i32 to index
      %swap3A_275 = arith.constant 32 : index
      %swap3A_276 = tpu.vector_load %arg9[%swap3A_274, %swap3A_275] {strides = array<i32>} : memref<128x128xf32, #tpu.memory_space<vmem>>, vector<1x16xf32>,
      %swap3A_277 = vector.shape_cast %swap3A_276 : vector<1x16xf32> to vector<16xf32>
      %swap3A_278 = vector.shape_cast %broadcast_in_dim3A_273 : vector<16xf32> to vector<1x16xf32>
      tpu.vector_store %arg9[%swap3A_274, %swap3A_275], %swap3A_278 {strides = array<i32>} : memref<128x128xf32, #tpu.memory_space<vmem>>, vector<1x16xf32>,
      %broadcast_in_dim3A_279 = arith.constant 0.000000e+00 : f32
      %broadcast_in_dim3A_280 = vector.broadcast %broadcast_in_dim3A_279 : f32 to vector<16xf32>
      %swap3A_281 = arith.index_cast %scan3A_258 : i32 to index
      %swap3A_282 = arith.constant 48 : index
      %swap3A_283 = tpu.vector_load %arg9[%swap3A_281, %swap3A_282] {strides = array<i32>} : memref<128x128xf32, #tpu.memory_space<vmem>>, vector<1x16xf32>,
      %swap3A_284 = vector.shape_cast %swap3A_283 : vector<1x16xf32> to vector<16xf32>
      %swap3A_285 = vector.shape_cast %broadcast_in_dim3A_280 : vector<16xf32> to vector<1x16xf32>
      tpu.vector_store %arg9[%swap3A_281, %swap3A_282], %swap3A_285 {strides = array<i32>} : memref<128x128xf32, #tpu.memory_space<vmem>>, vector<1x16xf32>,
      %broadcast_in_dim3A_286 = arith.constant 0.000000e+00 : f32
      %broadcast_in_dim3A_287 = vector.broadcast %broadcast_in_dim3A_286 : f32 to vector<16xf32>
      %swap3A_288 = arith.index_cast %scan3A_258 : i32 to index
      %swap3A_289 = arith.constant 64 : index
      %swap3A_290 = tpu.vector_load %arg9[%swap3A_288, %swap3A_289] {strides = array<i32>} : memref<128x128xf32, #tpu.memory_space<vmem>>, vector<1x16xf32>,
      %swap3A_291 = vector.shape_cast %swap3A_290 : vector<1x16xf32> to vector<16xf32>
      %swap3A_292 = vector.shape_cast %broadcast_in_dim3A_287 : vector<16xf32> to vector<1x16xf32>
      tpu.vector_store %arg9[%swap3A_288, %swap3A_289], %swap3A_292 {strides = array<i32>} : memref<128x128xf32, #tpu.memory_space<vmem>>, vector<1x16xf32>,
      %broadcast_in_dim3A_293 = arith.constant 0.000000e+00 : f32
      %broadcast_in_dim3A_294 = vector.broadcast %broadcast_in_dim3A_293 : f32 to vector<16xf32>
      %swap3A_295 = arith.index_cast %scan3A_258 : i32 to index
      %swap3A_296 = arith.constant 80 : index
      %swap3A_297 = tpu.vector_load %arg9[%swap3A_295, %swap3A_296] {strides = array<i32>} : memref<128x128xf32, #tpu.memory_space<vmem>>, vector<1x16xf32>,
      %swap3A_298 = vector.shape_cast %swap3A_297 : vector<1x16xf32> to vector<16xf32>
      %swap3A_299 = vector.shape_cast %broadcast_in_dim3A_294 : vector<16xf32> to vector<1x16xf32>
      tpu.vector_store %arg9[%swap3A_295, %swap3A_296], %swap3A_299 {strides = array<i32>} : memref<128x128xf32, #tpu.memory_space<vmem>>, vector<1x16xf32>,
      %broadcast_in_dim3A_300 = arith.constant 0.000000e+00 : f32
      %broadcast_in_dim3A_301 = vector.broadcast %broadcast_in_dim3A_300 : f32 to vector<16xf32>
      %swap3A_302 = arith.index_cast %scan3A_258 : i32 to index
      %swap3A_303 = arith.constant 96 : index
      %swap3A_304 = tpu.vector_load %arg9[%swap3A_302, %swap3A_303] {strides = array<i32>} : memref<128x128xf32, #tpu.memory_space<vmem>>, vector<1x16xf32>,
      %swap3A_305 = vector.shape_cast %swap3A_304 : vector<1x16xf32> to vector<16xf32>
      %swap3A_306 = vector.shape_cast %broadcast_in_dim3A_301 : vector<16xf32> to vector<1x16xf32>
      tpu.vector_store %arg9[%swap3A_302, %swap3A_303], %swap3A_306 {strides = array<i32>} : memref<128x128xf32, #tpu.memory_space<vmem>>, vector<1x16xf32>,
      %broadcast_in_dim3A_307 = arith.constant 0.000000e+00 : f32
      %broadcast_in_dim3A_308 = vector.broadcast %broadcast_in_dim3A_307 : f32 to vector<16xf32>
      %swap3A_309 = arith.index_cast %scan3A_258 : i32 to index
      %swap3A_310 = arith.constant 112 : index
      %swap3A_311 = tpu.vector_load %arg9[%swap3A_309, %swap3A_310] {strides = array<i32>} : memref<128x128xf32, #tpu.memory_space<vmem>>, vector<1x16xf32>,
      %swap3A_312 = vector.shape_cast %swap3A_311 : vector<1x16xf32> to vector<16xf32>
      %swap3A_313 = vector.shape_cast %broadcast_in_dim3A_308 : vector<16xf32> to vector<1x16xf32>
      tpu.vector_store %arg9[%swap3A_309, %swap3A_310], %swap3A_313 {strides = array<i32>} : memref<128x128xf32, #tpu.memory_space<vmem>>, vector<1x16xf32>,
      %scan3A_314 = arith.constant 0 : i32
      scf.yield %scan3A_314 : i32
    }
    %scan3A_101 = arith.constant 128 : i32
    %mul3A_102 = arith.constant 640 : i32
    %mul3A_103 = arith.muli %arg1, %mul3A_102 : i32
    %add3A_104 = arith.constant 0 : i32
    %add3A_105 = arith.addi %mul3A_103, %add3A_104 : i32
    "tpu.region"() ({
      %run_scoped3A_258 = tpu.sem_alloc : memref<!tpu.dma_semaphore, #tpu.memory_space<semaphore_mem>>
      %dma_start3A_259 = arith.constant 0 : i32
      %dma_start3A_260 = tpu.memref_slice %arg10[%add3A_105, %dma_start3A_259] : memref<10240x128xf32, #tpu.memory_space<vmem_shared>> -> memref<128x128xf32, #tpu.memory_space<vmem_shared>>
      %dma_start3A_261 = arith.constant 0 : i32
      %dma_start3A_262 = tpu.memref_slice %arg10[%add3A_105, %dma_start3A_261] : memref<10240x128xf32, #tpu.memory_space<vmem_shared>> -> memref<128x128xf32, #tpu.memory_space<vmem_shared>>
      tpu.enqueue_dma source(%arg9 : memref<128x128xf32, #tpu.memory_space<vmem>>) target(%dma_start3A_262 : memref<128x128xf32, #tpu.memory_space<vmem_shared>>) target_semaphore(%run_scoped3A_258 : memref<!tpu.dma_semaphore, #tpu.memory_space<semaphore_mem>>)
      %dma_wait3A_263 = arith.constant 0 : i32
      %dma_wait3A_264 = tpu.memref_slice %arg10[%add3A_105, %dma_wait3A_263] : memref<10240x128xf32, #tpu.memory_space<vmem_shared>> -> memref<128x128xf32, #tpu.memory_space<vmem_shared>>
      %dma_wait3A_265 = arith.constant 0 : i32
      %dma_wait3A_266 = tpu.memref_slice %arg10[%add3A_105, %dma_wait3A_265] : memref<10240x128xf32, #tpu.memory_space<vmem_shared>> -> memref<128x128xf32, #tpu.memory_space<vmem_shared>>
      tpu.wait_dma2 semaphore(%run_scoped3A_258 : memref<!tpu.dma_semaphore, #tpu.memory_space<semaphore_mem>>) src(%arg9 : memref<128x128xf32, #tpu.memory_space<vmem>>) dst(%dma_wait3A_266 : memref<128x128xf32, #tpu.memory_space<vmem_shared>>)
      tpu.yield
    }) : () -> ()
    %mul3A_106 = arith.constant 640 : i32
    %mul3A_107 = arith.muli %arg1, %mul3A_106 : i32
    %add3A_108 = arith.constant 128 : i32
    %add3A_109 = arith.addi %mul3A_107, %add3A_108 : i32
    "tpu.region"() ({
      %run_scoped3A_258 = tpu.sem_alloc : memref<!tpu.dma_semaphore, #tpu.memory_space<semaphore_mem>>
      %dma_start3A_259 = arith.constant 0 : i32
      %dma_start3A_260 = tpu.memref_slice %arg10[%add3A_109, %dma_start3A_259] : memref<10240x128xf32, #tpu.memory_space<vmem_shared>> -> memref<128x128xf32, #tpu.memory_space<vmem_shared>>
      %dma_start3A_261 = arith.constant 0 : i32
      %dma_start3A_262 = tpu.memref_slice %arg10[%add3A_109, %dma_start3A_261] : memref<10240x128xf32, #tpu.memory_space<vmem_shared>> -> memref<128x128xf32, #tpu.memory_space<vmem_shared>>
      tpu.enqueue_dma source(%arg9 : memref<128x128xf32, #tpu.memory_space<vmem>>) target(%dma_start3A_262 : memref<128x128xf32, #tpu.memory_space<vmem_shared>>) target_semaphore(%run_scoped3A_258 : memref<!tpu.dma_semaphore, #tpu.memory_space<semaphore_mem>>)
      %dma_wait3A_263 = arith.constant 0 : i32
      %dma_wait3A_264 = tpu.memref_slice %arg10[%add3A_109, %dma_wait3A_263] : memref<10240x128xf32, #tpu.memory_space<vmem_shared>> -> memref<128x128xf32, #tpu.memory_space<vmem_shared>>
      %dma_wait3A_265 = arith.constant 0 : i32
      %dma_wait3A_266 = tpu.memref_slice %arg10[%add3A_109, %dma_wait3A_265] : memref<10240x128xf32, #tpu.memory_space<vmem_shared>> -> memref<128x128xf32, #tpu.memory_space<vmem_shared>>
      tpu.wait_dma2 semaphore(%run_scoped3A_258 : memref<!tpu.dma_semaphore, #tpu.memory_space<semaphore_mem>>) src(%arg9 : memref<128x128xf32, #tpu.memory_space<vmem>>) dst(%dma_wait3A_266 : memref<128x128xf32, #tpu.memory_space<vmem_shared>>)
      tpu.yield
    }) : () -> ()
    %mul3A_110 = arith.constant 640 : i32
    %mul3A_111 = arith.muli %arg1, %mul3A_110 : i32
    %add3A_112 = arith.constant 256 : i32
    %add3A_113 = arith.addi %mul3A_111, %add3A_112 : i32
    "tpu.region"() ({
      %run_scoped3A_258 = tpu.sem_alloc : memref<!tpu.dma_semaphore, #tpu.memory_space<semaphore_mem>>
      %dma_start3A_259 = arith.constant 0 : i32
      %dma_start3A_260 = tpu.memref_slice %arg10[%add3A_113, %dma_start3A_259] : memref<10240x128xf32, #tpu.memory_space<vmem_shared>> -> memref<128x128xf32, #tpu.memory_space<vmem_shared>>
      %dma_start3A_261 = arith.constant 0 : i32
      %dma_start3A_262 = tpu.memref_slice %arg10[%add3A_113, %dma_start3A_261] : memref<10240x128xf32, #tpu.memory_space<vmem_shared>> -> memref<128x128xf32, #tpu.memory_space<vmem_shared>>
      tpu.enqueue_dma source(%arg9 : memref<128x128xf32, #tpu.memory_space<vmem>>) target(%dma_start3A_262 : memref<128x128xf32, #tpu.memory_space<vmem_shared>>) target_semaphore(%run_scoped3A_258 : memref<!tpu.dma_semaphore, #tpu.memory_space<semaphore_mem>>)
      %dma_wait3A_263 = arith.constant 0 : i32
      %dma_wait3A_264 = tpu.memref_slice %arg10[%add3A_113, %dma_wait3A_263] : memref<10240x128xf32, #tpu.memory_space<vmem_shared>> -> memref<128x128xf32, #tpu.memory_space<vmem_shared>>
      %dma_wait3A_265 = arith.constant 0 : i32
      %dma_wait3A_266 = tpu.memref_slice %arg10[%add3A_113, %dma_wait3A_265] : memref<10240x128xf32, #tpu.memory_space<vmem_shared>> -> memref<128x128xf32, #tpu.memory_space<vmem_shared>>
      tpu.wait_dma2 semaphore(%run_scoped3A_258 : memref<!tpu.dma_semaphore, #tpu.memory_space<semaphore_mem>>) src(%arg9 : memref<128x128xf32, #tpu.memory_space<vmem>>) dst(%dma_wait3A_266 : memref<128x128xf32, #tpu.memory_space<vmem_shared>>)
      tpu.yield
    }) : () -> ()
    %mul3A_114 = arith.constant 640 : i32
    %mul3A_115 = arith.muli %arg1, %mul3A_114 : i32
    %add3A_116 = arith.constant 384 : i32
    %add3A_117 = arith.addi %mul3A_115, %add3A_116 : i32
    "tpu.region"() ({
      %run_scoped3A_258 = tpu.sem_alloc : memref<!tpu.dma_semaphore, #tpu.memory_space<semaphore_mem>>
      %dma_start3A_259 = arith.constant 0 : i32
      %dma_start3A_260 = tpu.memref_slice %arg10[%add3A_117, %dma_start3A_259] : memref<10240x128xf32, #tpu.memory_space<vmem_shared>> -> memref<128x128xf32, #tpu.memory_space<vmem_shared>>
      %dma_start3A_261 = arith.constant 0 : i32
      %dma_start3A_262 = tpu.memref_slice %arg10[%add3A_117, %dma_start3A_261] : memref<10240x128xf32, #tpu.memory_space<vmem_shared>> -> memref<128x128xf32, #tpu.memory_space<vmem_shared>>
      tpu.enqueue_dma source(%arg9 : memref<128x128xf32, #tpu.memory_space<vmem>>) target(%dma_start3A_262 : memref<128x128xf32, #tpu.memory_space<vmem_shared>>) target_semaphore(%run_scoped3A_258 : memref<!tpu.dma_semaphore, #tpu.memory_space<semaphore_mem>>)
      %dma_wait3A_263 = arith.constant 0 : i32
      %dma_wait3A_264 = tpu.memref_slice %arg10[%add3A_117, %dma_wait3A_263] : memref<10240x128xf32, #tpu.memory_space<vmem_shared>> -> memref<128x128xf32, #tpu.memory_space<vmem_shared>>
      %dma_wait3A_265 = arith.constant 0 : i32
      %dma_wait3A_266 = tpu.memref_slice %arg10[%add3A_117, %dma_wait3A_265] : memref<10240x128xf32, #tpu.memory_space<vmem_shared>> -> memref<128x128xf32, #tpu.memory_space<vmem_shared>>
      tpu.wait_dma2 semaphore(%run_scoped3A_258 : memref<!tpu.dma_semaphore, #tpu.memory_space<semaphore_mem>>) src(%arg9 : memref<128x128xf32, #tpu.memory_space<vmem>>) dst(%dma_wait3A_266 : memref<128x128xf32, #tpu.memory_space<vmem_shared>>)
      tpu.yield
    }) : () -> ()
    %mul3A_118 = arith.constant 640 : i32
    %mul3A_119 = arith.muli %arg1, %mul3A_118 : i32
    %add3A_120 = arith.constant 512 : i32
    %add3A_121 = arith.addi %mul3A_119, %add3A_120 : i32
    "tpu.region"() ({
      %run_scoped3A_258 = tpu.sem_alloc : memref<!tpu.dma_semaphore, #tpu.memory_space<semaphore_mem>>
      %dma_start3A_259 = arith.constant 0 : i32
      %dma_start3A_260 = tpu.memref_slice %arg10[%add3A_121, %dma_start3A_259] : memref<10240x128xf32, #tpu.memory_space<vmem_shared>> -> memref<128x128xf32, #tpu.memory_space<vmem_shared>>
      %dma_start3A_261 = arith.constant 0 : i32
      %dma_start3A_262 = tpu.memref_slice %arg10[%add3A_121, %dma_start3A_261] : memref<10240x128xf32, #tpu.memory_space<vmem_shared>> -> memref<128x128xf32, #tpu.memory_space<vmem_shared>>
      tpu.enqueue_dma source(%arg9 : memref<128x128xf32, #tpu.memory_space<vmem>>) target(%dma_start3A_262 : memref<128x128xf32, #tpu.memory_space<vmem_shared>>) target_semaphore(%run_scoped3A_258 : memref<!tpu.dma_semaphore, #tpu.memory_space<semaphore_mem>>)
      %dma_wait3A_263 = arith.constant 0 : i32
      %dma_wait3A_264 = tpu.memref_slice %arg10[%add3A_121, %dma_wait3A_263] : memref<10240x128xf32, #tpu.memory_space<vmem_shared>> -> memref<128x128xf32, #tpu.memory_space<vmem_shared>>
      %dma_wait3A_265 = arith.constant 0 : i32
      %dma_wait3A_266 = tpu.memref_slice %arg10[%add3A_121, %dma_wait3A_265] : memref<10240x128xf32, #tpu.memory_space<vmem_shared>> -> memref<128x128xf32, #tpu.memory_space<vmem_shared>>
      tpu.wait_dma2 semaphore(%run_scoped3A_258 : memref<!tpu.dma_semaphore, #tpu.memory_space<semaphore_mem>>) src(%arg9 : memref<128x128xf32, #tpu.memory_space<vmem>>) dst(%dma_wait3A_266 : memref<128x128xf32, #tpu.memory_space<vmem_shared>>)
      tpu.yield
    }) : () -> ()
    %barrier3A = arith.constant 0 : index
    tpu.barrier barrier_id(%barrier3A)
    %scan3A_122 = arith.constant 0 : i32
    %scan3A_123 = arith.constant 0 : i32
    %scan3A_124 = arith.constant 39 : i32
    %scan3A_125 = arith.addi %scan3A_123, %scan3A_124 : i32
    %scan3A_126 = arith.constant 1 : i32
    %scan3A_127 = scf.for %scan3A_258 = %scan3A_123 to %scan3A_125 step %scan3A_126 iter_args(%scan3A_259 = %scan3A_122) -> (i32)  : i32 {
      %mul3A_260 = arith.constant 2 : i32
      %mul3A_261 = arith.muli %mul3A_260, %scan3A_258 : i32
      %dma_wait3A_262 = arith.constant 0 : i32
      %dma_wait3A_263 = arith.constant 1 : i32
      %dma_wait3A_264 = arith.constant 0 : i32
      %dma_wait3A_265 = tpu.memref_slice %arg6[%dma_wait3A_263, %dma_wait3A_264] : memref<2x128xi32, #tpu.memory_space<vmem>> -> memref<1x128xi32, #tpu.memory_space<vmem>>
      %dma_wait3A_266 = tpu.memref_squeeze %dma_wait3A_265 : memref<1x128xi32, #tpu.memory_space<vmem>> -> memref<128xi32, #tpu.memory_space<vmem>>
      %dma_wait3A_267 = arith.constant 0 : i32
      %dma_wait3A_268 = tpu.memref_slice %arg3[%dma_wait3A_262, %dma_wait3A_267] : memref<2560x128xi32, #tpu.memory_space<hbm>> -> memref<1x128xi32, #tpu.memory_space<hbm>>
      %dma_wait3A_269 = tpu.memref_squeeze %dma_wait3A_268 : memref<1x128xi32, #tpu.memory_space<hbm>> -> memref<128xi32, #tpu.memory_space<hbm>>
      %dma_wait3A_270 = arith.constant 0 : i32
      %dma_wait3A_271 = tpu.memref_slice %arg6[%dma_wait3A_263, %dma_wait3A_270] : memref<2x128xi32, #tpu.memory_space<vmem>> -> memref<1x128xi32, #tpu.memory_space<vmem>>
      %dma_wait3A_272 = tpu.memref_squeeze %dma_wait3A_271 : memref<1x128xi32, #tpu.memory_space<vmem>> -> memref<128xi32, #tpu.memory_space<vmem>>
      %dma_wait3A_273 = arith.constant 0 : i32
      %dma_wait3A_274 = tpu.memref_slice %arg3[%dma_wait3A_262, %dma_wait3A_273] : memref<2560x128xi32, #tpu.memory_space<hbm>> -> memref<1x128xi32, #tpu.memory_space<hbm>>
      %dma_wait3A_275 = tpu.memref_squeeze %dma_wait3A_274 : memref<1x128xi32, #tpu.memory_space<hbm>> -> memref<128xi32, #tpu.memory_space<hbm>>
      tpu.wait_dma2 semaphore(%arg14 : memref<!tpu.dma_semaphore, #tpu.memory_space<semaphore_mem>>) src(%dma_wait3A_275 : memref<128xi32, #tpu.memory_space<hbm>>) dst(%dma_wait3A_272 : memref<128xi32, #tpu.memory_space<vmem>>)
      %dma_wait3A_276 = arith.constant 0 : i32
      %dma_wait3A_277 = arith.constant 1 : i32
      %dma_wait3A_278 = arith.constant 0 : i32
      %dma_wait3A_279 = tpu.memref_slice %arg7[%dma_wait3A_277, %dma_wait3A_278] : memref<2x128xi32, #tpu.memory_space<vmem>> -> memref<1x128xi32, #tpu.memory_space<vmem>>
      %dma_wait3A_280 = tpu.memref_squeeze %dma_wait3A_279 : memref<1x128xi32, #tpu.memory_space<vmem>> -> memref<128xi32, #tpu.memory_space<vmem>>
      %dma_wait3A_281 = arith.constant 0 : i32
      %dma_wait3A_282 = tpu.memref_slice %arg4[%dma_wait3A_276, %dma_wait3A_281] : memref<2560x128xi32, #tpu.memory_space<hbm>> -> memref<1x128xi32, #tpu.memory_space<hbm>>
      %dma_wait3A_283 = tpu.memref_squeeze %dma_wait3A_282 : memref<1x128xi32, #tpu.memory_space<hbm>> -> memref<128xi32, #tpu.memory_space<hbm>>
      %dma_wait3A_284 = arith.constant 0 : i32
      %dma_wait3A_285 = tpu.memref_slice %arg7[%dma_wait3A_277, %dma_wait3A_284] : memref<2x128xi32, #tpu.memory_space<vmem>> -> memref<1x128xi32, #tpu.memory_space<vmem>>
      %dma_wait3A_286 = tpu.memref_squeeze %dma_wait3A_285 : memref<1x128xi32, #tpu.memory_space<vmem>> -> memref<128xi32, #tpu.memory_space<vmem>>
      %dma_wait3A_287 = arith.constant 0 : i32
      %dma_wait3A_288 = tpu.memref_slice %arg4[%dma_wait3A_276, %dma_wait3A_287] : memref<2560x128xi32, #tpu.memory_space<hbm>> -> memref<1x128xi32, #tpu.memory_space<hbm>>
      %dma_wait3A_289 = tpu.memref_squeeze %dma_wait3A_288 : memref<1x128xi32, #tpu.memory_space<hbm>> -> memref<128xi32, #tpu.memory_space<hbm>>
      tpu.wait_dma2 semaphore(%arg14 : memref<!tpu.dma_semaphore, #tpu.memory_space<semaphore_mem>>) src(%dma_wait3A_289 : memref<128xi32, #tpu.memory_space<hbm>>) dst(%dma_wait3A_286 : memref<128xi32, #tpu.memory_space<vmem>>)
      %dma_start3A_290 = arith.constant 1 : i32
      %dma_start3A_291 = arith.constant 0 : i32
      %dma_start3A_292 = tpu.memref_slice %arg6[%dma_start3A_290, %dma_start3A_291] : memref<2x128xi32, #tpu.memory_space<vmem>> -> memref<1x128xi32, #tpu.memory_space<vmem>>
      %dma_start3A_293 = tpu.memref_squeeze %dma_start3A_292 : memref<1x128xi32, #tpu.memory_space<vmem>> -> memref<128xi32, #tpu.memory_space<vmem>>
      %dma_start3A_294 = arith.constant 0 : i32
      %dma_start3A_295 = arith.constant 0 : i32
      %dma_start3A_296 = tpu.memref_slice %arg2[%dma_start3A_294, %dma_start3A_295] : memref<10000x128xf32, #tpu.memory_space<hbm>> -> memref<10000x128xf32, #tpu.memory_space<hbm>>
      tpu.enqueue_indirect_dma source(%dma_start3A_296 : memref<10000x128xf32, #tpu.memory_space<hbm>>) target(%arg9 : memref<128x128xf32, #tpu.memory_space<vmem>>) offsets(%dma_start3A_293 : memref<128xi32, #tpu.memory_space<vmem>>) semaphore(%arg12 : memref<!tpu.dma_semaphore, #tpu.memory_space<semaphore_mem>>)
      %dma_wait3A_297 = arith.constant 0 : i32
      %dma_wait3A_298 = arith.constant 0 : i32
      %dma_wait3A_299 = tpu.memref_slice %arg2[%dma_wait3A_297, %dma_wait3A_298] : memref<10000x128xf32, #tpu.memory_space<hbm>> -> memref<128x128xf32, #tpu.memory_space<hbm>>
      %dma_wait3A_300 = arith.constant 0 : i32
      %dma_wait3A_301 = arith.constant 0 : i32
      %dma_wait3A_302 = tpu.memref_slice %arg2[%dma_wait3A_300, %dma_wait3A_301] : memref<10000x128xf32, #tpu.memory_space<hbm>> -> memref<128x128xf32, #tpu.memory_space<hbm>>
      tpu.wait_dma2 semaphore(%arg11 : memref<!tpu.dma_semaphore, #tpu.memory_space<semaphore_mem>>) src(%dma_wait3A_302 : memref<128x128xf32, #tpu.memory_space<hbm>>) dst(%arg8 : memref<128x128xf32, #tpu.memory_space<vmem>>)
      %run_scoped3A_303 = arith.constant 0 : i32
      "tpu.region"() ({
        %run_scoped3A_409 = tpu.sem_alloc : memref<!tpu.dma_semaphore, #tpu.memory_space<semaphore_mem>>
        %dma_start3A_410 = arith.constant 0 : i32
        %dma_start3A_411 = tpu.memref_slice %arg7[%run_scoped3A_303, %dma_start3A_410] : memref<2x128xi32, #tpu.memory_space<vmem>> -> memref<1x128xi32, #tpu.memory_space<vmem>>
        %dma_start3A_412 = tpu.memref_squeeze %dma_start3A_411 : memref<1x128xi32, #tpu.memory_space<vmem>> -> memref<128xi32, #tpu.memory_space<vmem>>
        %dma_start3A_413 = arith.constant 0 : i32
        %dma_start3A_414 = arith.constant 0 : i32
        %dma_start3A_415 = tpu.memref_slice %arg10[%dma_start3A_413, %dma_start3A_414] : memref<10240x128xf32, #tpu.memory_space<vmem_shared>> -> memref<10240x128xf32, #tpu.memory_space<vmem_shared>>
        tpu.enqueue_indirect_dma source(%arg8 : memref<128x128xf32, #tpu.memory_space<vmem>>) target(%dma_start3A_415 : memref<10240x128xf32, #tpu.memory_space<vmem_shared>>) offsets(%dma_start3A_412 : memref<128xi32, #tpu.memory_space<vmem>>) semaphore(%run_scoped3A_409 : memref<!tpu.dma_semaphore, #tpu.memory_space<semaphore_mem>>) {add = true}
        %dma_wait3A_416 = arith.constant 0 : i32
        %dma_wait3A_417 = tpu.memref_slice %arg7[%run_scoped3A_303, %dma_wait3A_416] : memref<2x128xi32, #tpu.memory_space<vmem>> -> memref<1x128xi32, #tpu.memory_space<vmem>>
        %dma_wait3A_418 = tpu.memref_squeeze %dma_wait3A_417 : memref<1x128xi32, #tpu.memory_space<vmem>> -> memref<128xi32, #tpu.memory_space<vmem>>
        %dma_wait3A_419 = arith.constant 0 : i32
        %dma_wait3A_420 = arith.constant 0 : i32
        %dma_wait3A_421 = tpu.memref_slice %arg10[%dma_wait3A_419, %dma_wait3A_420] : memref<10240x128xf32, #tpu.memory_space<vmem_shared>> -> memref<10240x128xf32, #tpu.memory_space<vmem_shared>>
        tpu.wait_indirect_dma semaphore(%run_scoped3A_409 : memref<!tpu.dma_semaphore, #tpu.memory_space<semaphore_mem>>) src(%arg8 : memref<128x128xf32, #tpu.memory_space<vmem>>) dst(%dma_wait3A_421 : memref<10240x128xf32, #tpu.memory_space<vmem_shared>>)
        tpu.yield
      }) : () -> ()
      %add3A_304 = arith.constant 2 : i32
      %add3A_305 = arith.addi %mul3A_261, %add3A_304 : i32
      %add3A_306 = arith.addi %mul3A_2, %add3A_305 : i32
      %dma_start3A_307 = arith.constant 0 : i32
      %dma_start3A_308 = arith.constant 0 : i32
      %dma_start3A_309 = tpu.memref_slice %arg6[%dma_start3A_307, %dma_start3A_308] : memref<2x128xi32, #tpu.memory_space<vmem>> -> memref<1x128xi32, #tpu.memory_space<vmem>>
      %dma_start3A_310 = tpu.memref_squeeze %dma_start3A_309 : memref<1x128xi32, #tpu.memory_space<vmem>> -> memref<128xi32, #tpu.memory_space<vmem>>
      %dma_start3A_311 = arith.constant 0 : i32
      %dma_start3A_312 = tpu.memref_slice %arg3[%add3A_306, %dma_start3A_311] : memref<2560x128xi32, #tpu.memory_space<hbm>> -> memref<1x128xi32, #tpu.memory_space<hbm>>
      %dma_start3A_313 = tpu.memref_squeeze %dma_start3A_312 : memref<1x128xi32, #tpu.memory_space<hbm>> -> memref<128xi32, #tpu.memory_space<hbm>>
      %dma_start3A_314 = arith.constant 0 : i32
      %dma_start3A_315 = tpu.memref_slice %arg6[%dma_start3A_307, %dma_start3A_314] : memref<2x128xi32, #tpu.memory_space<vmem>> -> memref<1x128xi32, #tpu.memory_space<vmem>>
      %dma_start3A_316 = tpu.memref_squeeze %dma_start3A_315 : memref<1x128xi32, #tpu.memory_space<vmem>> -> memref<128xi32, #tpu.memory_space<vmem>>
      %dma_start3A_317 = arith.constant 0 : i32
      %dma_start3A_318 = tpu.memref_slice %arg3[%add3A_306, %dma_start3A_317] : memref<2560x128xi32, #tpu.memory_space<hbm>> -> memref<1x128xi32, #tpu.memory_space<hbm>>
      %dma_start3A_319 = tpu.memref_squeeze %dma_start3A_318 : memref<1x128xi32, #tpu.memory_space<hbm>> -> memref<128xi32, #tpu.memory_space<hbm>>
      tpu.enqueue_dma source(%dma_start3A_319 : memref<128xi32, #tpu.memory_space<hbm>>) target(%dma_start3A_316 : memref<128xi32, #tpu.memory_space<vmem>>) target_semaphore(%arg13 : memref<!tpu.dma_semaphore, #tpu.memory_space<semaphore_mem>>)
      %add3A_320 = arith.addi %mul3A_2, %add3A_305 : i32
      %dma_start3A_321 = arith.constant 0 : i32
      %dma_start3A_322 = arith.constant 0 : i32
      %dma_start3A_323 = tpu.memref_slice %arg7[%dma_start3A_321, %dma_start3A_322] : memref<2x128xi32, #tpu.memory_space<vmem>> -> memref<1x128xi32, #tpu.memory_space<vmem>>
      %dma_start3A_324 = tpu.memref_squeeze %dma_start3A_323 : memref<1x128xi32, #tpu.memory_space<vmem>> -> memref<128xi32, #tpu.memory_space<vmem>>
      %dma_start3A_325 = arith.constant 0 : i32
      %dma_start3A_326 = tpu.memref_slice %arg4[%add3A_320, %dma_start3A_325] : memref<2560x128xi32, #tpu.memory_space<hbm>> -> memref<1x128xi32, #tpu.memory_space<hbm>>
      %dma_start3A_327 = tpu.memref_squeeze %dma_start3A_326 : memref<1x128xi32, #tpu.memory_space<hbm>> -> memref<128xi32, #tpu.memory_space<hbm>>
      %dma_start3A_328 = arith.constant 0 : i32
      %dma_start3A_329 = tpu.memref_slice %arg7[%dma_start3A_321, %dma_start3A_328] : memref<2x128xi32, #tpu.memory_space<vmem>> -> memref<1x128xi32, #tpu.memory_space<vmem>>
      %dma_start3A_330 = tpu.memref_squeeze %dma_start3A_329 : memref<1x128xi32, #tpu.memory_space<vmem>> -> memref<128xi32, #tpu.memory_space<vmem>>
      %dma_start3A_331 = arith.constant 0 : i32
      %dma_start3A_332 = tpu.memref_slice %arg4[%add3A_320, %dma_start3A_331] : memref<2560x128xi32, #tpu.memory_space<hbm>> -> memref<1x128xi32, #tpu.memory_space<hbm>>
      %dma_start3A_333 = tpu.memref_squeeze %dma_start3A_332 : memref<1x128xi32, #tpu.memory_space<hbm>> -> memref<128xi32, #tpu.memory_space<hbm>>
      tpu.enqueue_dma source(%dma_start3A_333 : memref<128xi32, #tpu.memory_space<hbm>>) target(%dma_start3A_330 : memref<128xi32, #tpu.memory_space<vmem>>) target_semaphore(%arg13 : memref<!tpu.dma_semaphore, #tpu.memory_space<semaphore_mem>>)
      %add3A_334 = arith.constant 1 : i32
      %add3A_335 = arith.addi %mul3A_261, %add3A_334 : i32
      %dma_wait3A_336 = arith.constant 0 : i32
      %dma_wait3A_337 = arith.constant 0 : i32
      %dma_wait3A_338 = arith.constant 0 : i32
      %dma_wait3A_339 = tpu.memref_slice %arg6[%dma_wait3A_337, %dma_wait3A_338] : memref<2x128xi32, #tpu.memory_space<vmem>> -> memref<1x128xi32, #tpu.memory_space<vmem>>
      %dma_wait3A_340 = tpu.memref_squeeze %dma_wait3A_339 : memref<1x128xi32, #tpu.memory_space<vmem>> -> memref<128xi32, #tpu.memory_space<vmem>>
      %dma_wait3A_341 = arith.constant 0 : i32
      %dma_wait3A_342 = tpu.memref_slice %arg3[%dma_wait3A_336, %dma_wait3A_341] : memref<2560x128xi32, #tpu.memory_space<hbm>> -> memref<1x128xi32, #tpu.memory_space<hbm>>
      %dma_wait3A_343 = tpu.memref_squeeze %dma_wait3A_342 : memref<1x128xi32, #tpu.memory_space<hbm>> -> memref<128xi32, #tpu.memory_space<hbm>>
      %dma_wait3A_344 = arith.constant 0 : i32
      %dma_wait3A_345 = tpu.memref_slice %arg6[%dma_wait3A_337, %dma_wait3A_344] : memref<2x128xi32, #tpu.memory_space<vmem>> -> memref<1x128xi32, #tpu.memory_space<vmem>>
      %dma_wait3A_346 = tpu.memref_squeeze %dma_wait3A_345 : memref<1x128xi32, #tpu.memory_space<vmem>> -> memref<128xi32, #tpu.memory_space<vmem>>
      %dma_wait3A_347 = arith.constant 0 : i32
      %dma_wait3A_348 = tpu.memref_slice %arg3[%dma_wait3A_336, %dma_wait3A_347] : memref<2560x128xi32, #tpu.memory_space<hbm>> -> memref<1x128xi32, #tpu.memory_space<hbm>>
      %dma_wait3A_349 = tpu.memref_squeeze %dma_wait3A_348 : memref<1x128xi32, #tpu.memory_space<hbm>> -> memref<128xi32, #tpu.memory_space<hbm>>
      tpu.wait_dma2 semaphore(%arg13 : memref<!tpu.dma_semaphore, #tpu.memory_space<semaphore_mem>>) src(%dma_wait3A_349 : memref<128xi32, #tpu.memory_space<hbm>>) dst(%dma_wait3A_346 : memref<128xi32, #tpu.memory_space<vmem>>)
      %dma_wait3A_350 = arith.constant 0 : i32
      %dma_wait3A_351 = arith.constant 0 : i32
      %dma_wait3A_352 = arith.constant 0 : i32
      %dma_wait3A_353 = tpu.memref_slice %arg7[%dma_wait3A_351, %dma_wait3A_352] : memref<2x128xi32, #tpu.memory_space<vmem>> -> memref<1x128xi32, #tpu.memory_space<vmem>>
      %dma_wait3A_354 = tpu.memref_squeeze %dma_wait3A_353 : memref<1x128xi32, #tpu.memory_space<vmem>> -> memref<128xi32, #tpu.memory_space<vmem>>
      %dma_wait3A_355 = arith.constant 0 : i32
      %dma_wait3A_356 = tpu.memref_slice %arg4[%dma_wait3A_350, %dma_wait3A_355] : memref<2560x128xi32, #tpu.memory_space<hbm>> -> memref<1x128xi32, #tpu.memory_space<hbm>>
      %dma_wait3A_357 = tpu.memref_squeeze %dma_wait3A_356 : memref<1x128xi32, #tpu.memory_space<hbm>> -> memref<128xi32, #tpu.memory_space<hbm>>
      %dma_wait3A_358 = arith.constant 0 : i32
      %dma_wait3A_359 = tpu.memref_slice %arg7[%dma_wait3A_351, %dma_wait3A_358] : memref<2x128xi32, #tpu.memory_space<vmem>> -> memref<1x128xi32, #tpu.memory_space<vmem>>
      %dma_wait3A_360 = tpu.memref_squeeze %dma_wait3A_359 : memref<1x128xi32, #tpu.memory_space<vmem>> -> memref<128xi32, #tpu.memory_space<vmem>>
      %dma_wait3A_361 = arith.constant 0 : i32
      %dma_wait3A_362 = tpu.memref_slice %arg4[%dma_wait3A_350, %dma_wait3A_361] : memref<2560x128xi32, #tpu.memory_space<hbm>> -> memref<1x128xi32, #tpu.memory_space<hbm>>
      %dma_wait3A_363 = tpu.memref_squeeze %dma_wait3A_362 : memref<1x128xi32, #tpu.memory_space<hbm>> -> memref<128xi32, #tpu.memory_space<hbm>>
      tpu.wait_dma2 semaphore(%arg13 : memref<!tpu.dma_semaphore, #tpu.memory_space<semaphore_mem>>) src(%dma_wait3A_363 : memref<128xi32, #tpu.memory_space<hbm>>) dst(%dma_wait3A_360 : memref<128xi32, #tpu.memory_space<vmem>>)
      %dma_start3A_364 = arith.constant 0 : i32
      %dma_start3A_365 = arith.constant 0 : i32
      %dma_start3A_366 = tpu.memref_slice %arg6[%dma_start3A_364, %dma_start3A_365] : memref<2x128xi32, #tpu.memory_space<vmem>> -> memref<1x128xi32, #tpu.memory_space<vmem>>
      %dma_start3A_367 = tpu.memref_squeeze %dma_start3A_366 : memref<1x128xi32, #tpu.memory_space<vmem>> -> memref<128xi32, #tpu.memory_space<vmem>>
      %dma_start3A_368 = arith.constant 0 : i32
      %dma_start3A_369 = arith.constant 0 : i32
      %dma_start3A_370 = tpu.memref_slice %arg2[%dma_start3A_368, %dma_start3A_369] : memref<10000x128xf32, #tpu.memory_space<hbm>> -> memref<10000x128xf32, #tpu.memory_space<hbm>>
      tpu.enqueue_indirect_dma source(%dma_start3A_370 : memref<10000x128xf32, #tpu.memory_space<hbm>>) target(%arg8 : memref<128x128xf32, #tpu.memory_space<vmem>>) offsets(%dma_start3A_367 : memref<128xi32, #tpu.memory_space<vmem>>) semaphore(%arg11 : memref<!tpu.dma_semaphore, #tpu.memory_space<semaphore_mem>>)
      %dma_wait3A_371 = arith.constant 0 : i32
      %dma_wait3A_372 = arith.constant 0 : i32
      %dma_wait3A_373 = tpu.memref_slice %arg2[%dma_wait3A_371, %dma_wait3A_372] : memref<10000x128xf32, #tpu.memory_space<hbm>> -> memref<128x128xf32, #tpu.memory_space<hbm>>
      %dma_wait3A_374 = arith.constant 0 : i32
      %dma_wait3A_375 = arith.constant 0 : i32
      %dma_wait3A_376 = tpu.memref_slice %arg2[%dma_wait3A_374, %dma_wait3A_375] : memref<10000x128xf32, #tpu.memory_space<hbm>> -> memref<128x128xf32, #tpu.memory_space<hbm>>
      tpu.wait_dma2 semaphore(%arg12 : memref<!tpu.dma_semaphore, #tpu.memory_space<semaphore_mem>>) src(%dma_wait3A_376 : memref<128x128xf32, #tpu.memory_space<hbm>>) dst(%arg9 : memref<128x128xf32, #tpu.memory_space<vmem>>)
      %run_scoped3A_377 = arith.constant 1 : i32
      "tpu.region"() ({
        %run_scoped3A_409 = tpu.sem_alloc : memref<!tpu.dma_semaphore, #tpu.memory_space<semaphore_mem>>
        %dma_start3A_410 = arith.constant 0 : i32
        %dma_start3A_411 = tpu.memref_slice %arg7[%run_scoped3A_377, %dma_start3A_410] : memref<2x128xi32, #tpu.memory_space<vmem>> -> memref<1x128xi32, #tpu.memory_space<vmem>>
        %dma_start3A_412 = tpu.memref_squeeze %dma_start3A_411 : memref<1x128xi32, #tpu.memory_space<vmem>> -> memref<128xi32, #tpu.memory_space<vmem>>
        %dma_start3A_413 = arith.constant 0 : i32
        %dma_start3A_414 = arith.constant 0 : i32
        %dma_start3A_415 = tpu.memref_slice %arg10[%dma_start3A_413, %dma_start3A_414] : memref<10240x128xf32, #tpu.memory_space<vmem_shared>> -> memref<10240x128xf32, #tpu.memory_space<vmem_shared>>
        tpu.enqueue_indirect_dma source(%arg9 : memref<128x128xf32, #tpu.memory_space<vmem>>) target(%dma_start3A_415 : memref<10240x128xf32, #tpu.memory_space<vmem_shared>>) offsets(%dma_start3A_412 : memref<128xi32, #tpu.memory_space<vmem>>) semaphore(%run_scoped3A_409 : memref<!tpu.dma_semaphore, #tpu.memory_space<semaphore_mem>>) {add = true}
        %dma_wait3A_416 = arith.constant 0 : i32
        %dma_wait3A_417 = tpu.memref_slice %arg7[%run_scoped3A_377, %dma_wait3A_416] : memref<2x128xi32, #tpu.memory_space<vmem>> -> memref<1x128xi32, #tpu.memory_space<vmem>>
        %dma_wait3A_418 = tpu.memref_squeeze %dma_wait3A_417 : memref<1x128xi32, #tpu.memory_space<vmem>> -> memref<128xi32, #tpu.memory_space<vmem>>
        %dma_wait3A_419 = arith.constant 0 : i32
        %dma_wait3A_420 = arith.constant 0 : i32
        %dma_wait3A_421 = tpu.memref_slice %arg10[%dma_wait3A_419, %dma_wait3A_420] : memref<10240x128xf32, #tpu.memory_space<vmem_shared>> -> memref<10240x128xf32, #tpu.memory_space<vmem_shared>>
        tpu.wait_indirect_dma semaphore(%run_scoped3A_409 : memref<!tpu.dma_semaphore, #tpu.memory_space<semaphore_mem>>) src(%arg9 : memref<128x128xf32, #tpu.memory_space<vmem>>) dst(%dma_wait3A_421 : memref<10240x128xf32, #tpu.memory_space<vmem_shared>>)
        tpu.yield
      }) : () -> ()
      %add3A_378 = arith.constant 2 : i32
      %add3A_379 = arith.addi %add3A_335, %add3A_378 : i32
      %add3A_380 = arith.addi %mul3A_2, %add3A_379 : i32
      %dma_start3A_381 = arith.constant 1 : i32
      %dma_start3A_382 = arith.constant 0 : i32
      %dma_start3A_383 = tpu.memref_slice %arg6[%dma_start3A_381, %dma_start3A_382] : memref<2x128xi32, #tpu.memory_space<vmem>> -> memref<1x128xi32, #tpu.memory_space<vmem>>
      %dma_start3A_384 = tpu.memref_squeeze %dma_start3A_383 : memref<1x128xi32, #tpu.memory_space<vmem>> -> memref<128xi32, #tpu.memory_space<vmem>>
      %dma_start3A_385 = arith.constant 0 : i32
      %dma_start3A_386 = tpu.memref_slice %arg3[%add3A_380, %dma_start3A_385] : memref<2560x128xi32, #tpu.memory_space<hbm>> -> memref<1x128xi32, #tpu.memory_space<hbm>>
      %dma_start3A_387 = tpu.memref_squeeze %dma_start3A_386 : memref<1x128xi32, #tpu.memory_space<hbm>> -> memref<128xi32, #tpu.memory_space<hbm>>
      %dma_start3A_388 = arith.constant 0 : i32
      %dma_start3A_389 = tpu.memref_slice %arg6[%dma_start3A_381, %dma_start3A_388] : memref<2x128xi32, #tpu.memory_space<vmem>> -> memref<1x128xi32, #tpu.memory_space<vmem>>
      %dma_start3A_390 = tpu.memref_squeeze %dma_start3A_389 : memref<1x128xi32, #tpu.memory_space<vmem>> -> memref<128xi32, #tpu.memory_space<vmem>>
      %dma_start3A_391 = arith.constant 0 : i32
      %dma_start3A_392 = tpu.memref_slice %arg3[%add3A_380, %dma_start3A_391] : memref<2560x128xi32, #tpu.memory_space<hbm>> -> memref<1x128xi32, #tpu.memory_space<hbm>>
      %dma_start3A_393 = tpu.memref_squeeze %dma_start3A_392 : memref<1x128xi32, #tpu.memory_space<hbm>> -> memref<128xi32, #tpu.memory_space<hbm>>
      tpu.enqueue_dma source(%dma_start3A_393 : memref<128xi32, #tpu.memory_space<hbm>>) target(%dma_start3A_390 : memref<128xi32, #tpu.memory_space<vmem>>) target_semaphore(%arg14 : memref<!tpu.dma_semaphore, #tpu.memory_space<semaphore_mem>>)
      %add3A_394 = arith.addi %mul3A_2, %add3A_379 : i32
      %dma_start3A_395 = arith.constant 1 : i32
      %dma_start3A_396 = arith.constant 0 : i32
      %dma_start3A_397 = tpu.memref_slice %arg7[%dma_start3A_395, %dma_start3A_396] : memref<2x128xi32, #tpu.memory_space<vmem>> -> memref<1x128xi32, #tpu.memory_space<vmem>>
      %dma_start3A_398 = tpu.memref_squeeze %dma_start3A_397 : memref<1x128xi32, #tpu.memory_space<vmem>> -> memref<128xi32, #tpu.memory_space<vmem>>
      %dma_start3A_399 = arith.constant 0 : i32
      %dma_start3A_400 = tpu.memref_slice %arg4[%add3A_394, %dma_start3A_399] : memref<2560x128xi32, #tpu.memory_space<hbm>> -> memref<1x128xi32, #tpu.memory_space<hbm>>
      %dma_start3A_401 = tpu.memref_squeeze %dma_start3A_400 : memref<1x128xi32, #tpu.memory_space<hbm>> -> memref<128xi32, #tpu.memory_space<hbm>>
      %dma_start3A_402 = arith.constant 0 : i32
      %dma_start3A_403 = tpu.memref_slice %arg7[%dma_start3A_395, %dma_start3A_402] : memref<2x128xi32, #tpu.memory_space<vmem>> -> memref<1x128xi32, #tpu.memory_space<vmem>>
      %dma_start3A_404 = tpu.memref_squeeze %dma_start3A_403 : memref<1x128xi32, #tpu.memory_space<vmem>> -> memref<128xi32, #tpu.memory_space<vmem>>
      %dma_start3A_405 = arith.constant 0 : i32
      %dma_start3A_406 = tpu.memref_slice %arg4[%add3A_394, %dma_start3A_405] : memref<2560x128xi32, #tpu.memory_space<hbm>> -> memref<1x128xi32, #tpu.memory_space<hbm>>
      %dma_start3A_407 = tpu.memref_squeeze %dma_start3A_406 : memref<1x128xi32, #tpu.memory_space<hbm>> -> memref<128xi32, #tpu.memory_space<hbm>>
      tpu.enqueue_dma source(%dma_start3A_407 : memref<128xi32, #tpu.memory_space<hbm>>) target(%dma_start3A_404 : memref<128xi32, #tpu.memory_space<vmem>>) target_semaphore(%arg14 : memref<!tpu.dma_semaphore, #tpu.memory_space<semaphore_mem>>)
      %scan3A_408 = arith.constant 0 : i32
      scf.yield %scan3A_408 : i32
    }
    %scan3A_128 = arith.constant 39 : i32
    %dma_wait3A_129 = arith.constant 0 : i32
    %dma_wait3A_130 = arith.constant 1 : i32
    %dma_wait3A_131 = arith.constant 0 : i32
    %dma_wait3A_132 = tpu.memref_slice %arg6[%dma_wait3A_130, %dma_wait3A_131] : memref<2x128xi32, #tpu.memory_space<vmem>> -> memref<1x128xi32, #tpu.memory_space<vmem>>
    %dma_wait3A_133 = tpu.memref_squeeze %dma_wait3A_132 : memref<1x128xi32, #tpu.memory_space<vmem>> -> memref<128xi32, #tpu.memory_space<vmem>>
    %dma_wait3A_134 = arith.constant 0 : i32
    %dma_wait3A_135 = tpu.memref_slice %arg3[%dma_wait3A_129, %dma_wait3A_134] : memref<2560x128xi32, #tpu.memory_space<hbm>> -> memref<1x128xi32, #tpu.memory_space<hbm>>
    %dma_wait3A_136 = tpu.memref_squeeze %dma_wait3A_135 : memref<1x128xi32, #tpu.memory_space<hbm>> -> memref<128xi32, #tpu.memory_space<hbm>>
    %dma_wait3A_137 = arith.constant 0 : i32
    %dma_wait3A_138 = tpu.memref_slice %arg6[%dma_wait3A_130, %dma_wait3A_137] : memref<2x128xi32, #tpu.memory_space<vmem>> -> memref<1x128xi32, #tpu.memory_space<vmem>>
    %dma_wait3A_139 = tpu.memref_squeeze %dma_wait3A_138 : memref<1x128xi32, #tpu.memory_space<vmem>> -> memref<128xi32, #tpu.memory_space<vmem>>
    %dma_wait3A_140 = arith.constant 0 : i32
    %dma_wait3A_141 = tpu.memref_slice %arg3[%dma_wait3A_129, %dma_wait3A_140] : memref<2560x128xi32, #tpu.memory_space<hbm>> -> memref<1x128xi32, #tpu.memory_space<hbm>>
    %dma_wait3A_142 = tpu.memref_squeeze %dma_wait3A_141 : memref<1x128xi32, #tpu.memory_space<hbm>> -> memref<128xi32, #tpu.memory_space<hbm>>
    tpu.wait_dma2 semaphore(%arg14 : memref<!tpu.dma_semaphore, #tpu.memory_space<semaphore_mem>>) src(%dma_wait3A_142 : memref<128xi32, #tpu.memory_space<hbm>>) dst(%dma_wait3A_139 : memref<128xi32, #tpu.memory_space<vmem>>)
    %dma_wait3A_143 = arith.constant 0 : i32
    %dma_wait3A_144 = arith.constant 1 : i32
    %dma_wait3A_145 = arith.constant 0 : i32
    %dma_wait3A_146 = tpu.memref_slice %arg7[%dma_wait3A_144, %dma_wait3A_145] : memref<2x128xi32, #tpu.memory_space<vmem>> -> memref<1x128xi32, #tpu.memory_space<vmem>>
    %dma_wait3A_147 = tpu.memref_squeeze %dma_wait3A_146 : memref<1x128xi32, #tpu.memory_space<vmem>> -> memref<128xi32, #tpu.memory_space<vmem>>
    %dma_wait3A_148 = arith.constant 0 : i32
    %dma_wait3A_149 = tpu.memref_slice %arg4[%dma_wait3A_143, %dma_wait3A_148] : memref<2560x128xi32, #tpu.memory_space<hbm>> -> memref<1x128xi32, #tpu.memory_space<hbm>>
    %dma_wait3A_150 = tpu.memref_squeeze %dma_wait3A_149 : memref<1x128xi32, #tpu.memory_space<hbm>> -> memref<128xi32, #tpu.memory_space<hbm>>
    %dma_wait3A_151 = arith.constant 0 : i32
    %dma_wait3A_152 = tpu.memref_slice %arg7[%dma_wait3A_144, %dma_wait3A_151] : memref<2x128xi32, #tpu.memory_space<vmem>> -> memref<1x128xi32, #tpu.memory_space<vmem>>
    %dma_wait3A_153 = tpu.memref_squeeze %dma_wait3A_152 : memref<1x128xi32, #tpu.memory_space<vmem>> -> memref<128xi32, #tpu.memory_space<vmem>>
    %dma_wait3A_154 = arith.constant 0 : i32
    %dma_wait3A_155 = tpu.memref_slice %arg4[%dma_wait3A_143, %dma_wait3A_154] : memref<2560x128xi32, #tpu.memory_space<hbm>> -> memref<1x128xi32, #tpu.memory_space<hbm>>
    %dma_wait3A_156 = tpu.memref_squeeze %dma_wait3A_155 : memref<1x128xi32, #tpu.memory_space<hbm>> -> memref<128xi32, #tpu.memory_space<hbm>>
    tpu.wait_dma2 semaphore(%arg14 : memref<!tpu.dma_semaphore, #tpu.memory_space<semaphore_mem>>) src(%dma_wait3A_156 : memref<128xi32, #tpu.memory_space<hbm>>) dst(%dma_wait3A_153 : memref<128xi32, #tpu.memory_space<vmem>>)
    %dma_start3A_157 = arith.constant 1 : i32
    %dma_start3A_158 = arith.constant 0 : i32
    %dma_start3A_159 = tpu.memref_slice %arg6[%dma_start3A_157, %dma_start3A_158] : memref<2x128xi32, #tpu.memory_space<vmem>> -> memref<1x128xi32, #tpu.memory_space<vmem>>
    %dma_start3A_160 = tpu.memref_squeeze %dma_start3A_159 : memref<1x128xi32, #tpu.memory_space<vmem>> -> memref<128xi32, #tpu.memory_space<vmem>>
    %dma_start3A_161 = arith.constant 0 : i32
    %dma_start3A_162 = arith.constant 0 : i32
    %dma_start3A_163 = tpu.memref_slice %arg2[%dma_start3A_161, %dma_start3A_162] : memref<10000x128xf32, #tpu.memory_space<hbm>> -> memref<10000x128xf32, #tpu.memory_space<hbm>>
    tpu.enqueue_indirect_dma source(%dma_start3A_163 : memref<10000x128xf32, #tpu.memory_space<hbm>>) target(%arg9 : memref<128x128xf32, #tpu.memory_space<vmem>>) offsets(%dma_start3A_160 : memref<128xi32, #tpu.memory_space<vmem>>) semaphore(%arg12 : memref<!tpu.dma_semaphore, #tpu.memory_space<semaphore_mem>>)
    %dma_wait3A_164 = arith.constant 0 : i32
    %dma_wait3A_165 = arith.constant 0 : i32
    %dma_wait3A_166 = tpu.memref_slice %arg2[%dma_wait3A_164, %dma_wait3A_165] : memref<10000x128xf32, #tpu.memory_space<hbm>> -> memref<128x128xf32, #tpu.memory_space<hbm>>
    %dma_wait3A_167 = arith.constant 0 : i32
    %dma_wait3A_168 = arith.constant 0 : i32
    %dma_wait3A_169 = tpu.memref_slice %arg2[%dma_wait3A_167, %dma_wait3A_168] : memref<10000x128xf32, #tpu.memory_space<hbm>> -> memref<128x128xf32, #tpu.memory_space<hbm>>
    tpu.wait_dma2 semaphore(%arg11 : memref<!tpu.dma_semaphore, #tpu.memory_space<semaphore_mem>>) src(%dma_wait3A_169 : memref<128x128xf32, #tpu.memory_space<hbm>>) dst(%arg8 : memref<128x128xf32, #tpu.memory_space<vmem>>)
    %run_scoped3A = arith.constant 0 : i32
    "tpu.region"() ({
      %run_scoped3A_258 = tpu.sem_alloc : memref<!tpu.dma_semaphore, #tpu.memory_space<semaphore_mem>>
      %dma_start3A_259 = arith.constant 0 : i32
      %dma_start3A_260 = tpu.memref_slice %arg7[%run_scoped3A, %dma_start3A_259] : memref<2x128xi32, #tpu.memory_space<vmem>> -> memref<1x128xi32, #tpu.memory_space<vmem>>
      %dma_start3A_261 = tpu.memref_squeeze %dma_start3A_260 : memref<1x128xi32, #tpu.memory_space<vmem>> -> memref<128xi32, #tpu.memory_space<vmem>>
      %dma_start3A_262 = arith.constant 0 : i32
      %dma_start3A_263 = arith.constant 0 : i32
      %dma_start3A_264 = tpu.memref_slice %arg10[%dma_start3A_262, %dma_start3A_263] : memref<10240x128xf32, #tpu.memory_space<vmem_shared>> -> memref<10240x128xf32, #tpu.memory_space<vmem_shared>>
      tpu.enqueue_indirect_dma source(%arg8 : memref<128x128xf32, #tpu.memory_space<vmem>>) target(%dma_start3A_264 : memref<10240x128xf32, #tpu.memory_space<vmem_shared>>) offsets(%dma_start3A_261 : memref<128xi32, #tpu.memory_space<vmem>>) semaphore(%run_scoped3A_258 : memref<!tpu.dma_semaphore, #tpu.memory_space<semaphore_mem>>) {add = true}
      %dma_wait3A_265 = arith.constant 0 : i32
      %dma_wait3A_266 = tpu.memref_slice %arg7[%run_scoped3A, %dma_wait3A_265] : memref<2x128xi32, #tpu.memory_space<vmem>> -> memref<1x128xi32, #tpu.memory_space<vmem>>
      %dma_wait3A_267 = tpu.memref_squeeze %dma_wait3A_266 : memref<1x128xi32, #tpu.memory_space<vmem>> -> memref<128xi32, #tpu.memory_space<vmem>>
      %dma_wait3A_268 = arith.constant 0 : i32
      %dma_wait3A_269 = arith.constant 0 : i32
      %dma_wait3A_270 = tpu.memref_slice %arg10[%dma_wait3A_268, %dma_wait3A_269] : memref<10240x128xf32, #tpu.memory_space<vmem_shared>> -> memref<10240x128xf32, #tpu.memory_space<vmem_shared>>
      tpu.wait_indirect_dma semaphore(%run_scoped3A_258 : memref<!tpu.dma_semaphore, #tpu.memory_space<semaphore_mem>>) src(%arg8 : memref<128x128xf32, #tpu.memory_space<vmem>>) dst(%dma_wait3A_270 : memref<10240x128xf32, #tpu.memory_space<vmem_shared>>)
      tpu.yield
    }) : () -> ()
    %dma_wait3A_170 = arith.constant 0 : i32
    %dma_wait3A_171 = arith.constant 0 : i32
    %dma_wait3A_172 = tpu.memref_slice %arg2[%dma_wait3A_170, %dma_wait3A_171] : memref<10000x128xf32, #tpu.memory_space<hbm>> -> memref<128x128xf32, #tpu.memory_space<hbm>>
    %dma_wait3A_173 = arith.constant 0 : i32
    %dma_wait3A_174 = arith.constant 0 : i32
    %dma_wait3A_175 = tpu.memref_slice %arg2[%dma_wait3A_173, %dma_wait3A_174] : memref<10000x128xf32, #tpu.memory_space<hbm>> -> memref<128x128xf32, #tpu.memory_space<hbm>>
    tpu.wait_dma2 semaphore(%arg12 : memref<!tpu.dma_semaphore, #tpu.memory_space<semaphore_mem>>) src(%dma_wait3A_175 : memref<128x128xf32, #tpu.memory_space<hbm>>) dst(%arg9 : memref<128x128xf32, #tpu.memory_space<vmem>>)
    %run_scoped3A_176 = arith.constant 1 : i32
    "tpu.region"() ({
      %run_scoped3A_258 = tpu.sem_alloc : memref<!tpu.dma_semaphore, #tpu.memory_space<semaphore_mem>>
      %dma_start3A_259 = arith.constant 0 : i32
      %dma_start3A_260 = tpu.memref_slice %arg7[%run_scoped3A_176, %dma_start3A_259] : memref<2x128xi32, #tpu.memory_space<vmem>> -> memref<1x128xi32, #tpu.memory_space<vmem>>
      %dma_start3A_261 = tpu.memref_squeeze %dma_start3A_260 : memref<1x128xi32, #tpu.memory_space<vmem>> -> memref<128xi32, #tpu.memory_space<vmem>>
      %dma_start3A_262 = arith.constant 0 : i32
      %dma_start3A_263 = arith.constant 0 : i32
      %dma_start3A_264 = tpu.memref_slice %arg10[%dma_start3A_262, %dma_start3A_263] : memref<10240x128xf32, #tpu.memory_space<vmem_shared>> -> memref<10240x128xf32, #tpu.memory_space<vmem_shared>>
      tpu.enqueue_indirect_dma source(%arg9 : memref<128x128xf32, #tpu.memory_space<vmem>>) target(%dma_start3A_264 : memref<10240x128xf32, #tpu.memory_space<vmem_shared>>) offsets(%dma_start3A_261 : memref<128xi32, #tpu.memory_space<vmem>>) semaphore(%run_scoped3A_258 : memref<!tpu.dma_semaphore, #tpu.memory_space<semaphore_mem>>) {add = true}
      %dma_wait3A_265 = arith.constant 0 : i32
      %dma_wait3A_266 = tpu.memref_slice %arg7[%run_scoped3A_176, %dma_wait3A_265] : memref<2x128xi32, #tpu.memory_space<vmem>> -> memref<1x128xi32, #tpu.memory_space<vmem>>
      %dma_wait3A_267 = tpu.memref_squeeze %dma_wait3A_266 : memref<1x128xi32, #tpu.memory_space<vmem>> -> memref<128xi32, #tpu.memory_space<vmem>>
      %dma_wait3A_268 = arith.constant 0 : i32
      %dma_wait3A_269 = arith.constant 0 : i32
      %dma_wait3A_270 = tpu.memref_slice %arg10[%dma_wait3A_268, %dma_wait3A_269] : memref<10240x128xf32, #tpu.memory_space<vmem_shared>> -> memref<10240x128xf32, #tpu.memory_space<vmem_shared>>
      tpu.wait_indirect_dma semaphore(%run_scoped3A_258 : memref<!tpu.dma_semaphore, #tpu.memory_space<semaphore_mem>>) src(%arg9 : memref<128x128xf32, #tpu.memory_space<vmem>>) dst(%dma_wait3A_270 : memref<10240x128xf32, #tpu.memory_space<vmem_shared>>)
      tpu.yield
    }) : () -> ()
    %barrier3A_177 = arith.constant 0 : index
    tpu.barrier barrier_id(%barrier3A_177)
    %mul3A_178 = arith.constant 640 : i32
    %mul3A_179 = arith.muli %arg1, %mul3A_178 : i32
    %add3A_180 = arith.constant 0 : i32
    %add3A_181 = arith.addi %mul3A_179, %add3A_180 : i32
    "tpu.region"() ({
      %run_scoped3A_258 = tpu.sem_alloc : memref<!tpu.dma_semaphore, #tpu.memory_space<semaphore_mem>>
      %dma_start3A_259 = arith.constant 0 : i32
      %dma_start3A_260 = tpu.memref_slice %arg10[%add3A_181, %dma_start3A_259] : memref<10240x128xf32, #tpu.memory_space<vmem_shared>> -> memref<128x128xf32, #tpu.memory_space<vmem_shared>>
      %dma_start3A_261 = arith.constant 0 : i32
      %dma_start3A_262 = tpu.memref_slice %arg10[%add3A_181, %dma_start3A_261] : memref<10240x128xf32, #tpu.memory_space<vmem_shared>> -> memref<128x128xf32, #tpu.memory_space<vmem_shared>>
      tpu.enqueue_dma source(%dma_start3A_262 : memref<128x128xf32, #tpu.memory_space<vmem_shared>>) target(%arg8 : memref<128x128xf32, #tpu.memory_space<vmem>>) target_semaphore(%run_scoped3A_258 : memref<!tpu.dma_semaphore, #tpu.memory_space<semaphore_mem>>)
      %dma_wait3A_263 = arith.constant 0 : i32
      %dma_wait3A_264 = tpu.memref_slice %arg10[%add3A_181, %dma_wait3A_263] : memref<10240x128xf32, #tpu.memory_space<vmem_shared>> -> memref<128x128xf32, #tpu.memory_space<vmem_shared>>
      %dma_wait3A_265 = arith.constant 0 : i32
      %dma_wait3A_266 = tpu.memref_slice %arg10[%add3A_181, %dma_wait3A_265] : memref<10240x128xf32, #tpu.memory_space<vmem_shared>> -> memref<128x128xf32, #tpu.memory_space<vmem_shared>>
      tpu.wait_dma2 semaphore(%run_scoped3A_258 : memref<!tpu.dma_semaphore, #tpu.memory_space<semaphore_mem>>) src(%dma_wait3A_266 : memref<128x128xf32, #tpu.memory_space<vmem_shared>>) dst(%arg8 : memref<128x128xf32, #tpu.memory_space<vmem>>)
      tpu.yield
    }) : () -> ()
    %dma_start3A_182 = arith.constant 0 : i32
    %dma_start3A_183 = tpu.memref_slice %arg5[%arg0, %add3A_181, %dma_start3A_182] : memref<2x10240x128xf32, #tpu.memory_space<hbm>> -> memref<1x128x128xf32, #tpu.memory_space<hbm>>
    %dma_start3A_184 = tpu.memref_squeeze %dma_start3A_183 : memref<1x128x128xf32, #tpu.memory_space<hbm>> -> memref<128x128xf32, #tpu.memory_space<hbm>>
    %dma_start3A_185 = arith.constant 0 : i32
    %dma_start3A_186 = tpu.memref_slice %arg5[%arg0, %add3A_181, %dma_start3A_185] : memref<2x10240x128xf32, #tpu.memory_space<hbm>> -> memref<1x128x128xf32, #tpu.memory_space<hbm>>
    %dma_start3A_187 = tpu.memref_squeeze %dma_start3A_186 : memref<1x128x128xf32, #tpu.memory_space<hbm>> -> memref<128x128xf32, #tpu.memory_space<hbm>>
    tpu.enqueue_dma source(%arg8 : memref<128x128xf32, #tpu.memory_space<vmem>>) target(%dma_start3A_187 : memref<128x128xf32, #tpu.memory_space<hbm>>) target_semaphore(%arg11 : memref<!tpu.dma_semaphore, #tpu.memory_space<semaphore_mem>>)
    %mul3A_188 = arith.constant 640 : i32
    %mul3A_189 = arith.muli %arg1, %mul3A_188 : i32
    %add3A_190 = arith.constant 128 : i32
    %add3A_191 = arith.addi %mul3A_189, %add3A_190 : i32
    "tpu.region"() ({
      %run_scoped3A_258 = tpu.sem_alloc : memref<!tpu.dma_semaphore, #tpu.memory_space<semaphore_mem>>
      %dma_start3A_259 = arith.constant 0 : i32
      %dma_start3A_260 = tpu.memref_slice %arg10[%add3A_191, %dma_start3A_259] : memref<10240x128xf32, #tpu.memory_space<vmem_shared>> -> memref<128x128xf32, #tpu.memory_space<vmem_shared>>
      %dma_start3A_261 = arith.constant 0 : i32
      %dma_start3A_262 = tpu.memref_slice %arg10[%add3A_191, %dma_start3A_261] : memref<10240x128xf32, #tpu.memory_space<vmem_shared>> -> memref<128x128xf32, #tpu.memory_space<vmem_shared>>
      tpu.enqueue_dma source(%dma_start3A_262 : memref<128x128xf32, #tpu.memory_space<vmem_shared>>) target(%arg9 : memref<128x128xf32, #tpu.memory_space<vmem>>) target_semaphore(%run_scoped3A_258 : memref<!tpu.dma_semaphore, #tpu.memory_space<semaphore_mem>>)
      %dma_wait3A_263 = arith.constant 0 : i32
      %dma_wait3A_264 = tpu.memref_slice %arg10[%add3A_191, %dma_wait3A_263] : memref<10240x128xf32, #tpu.memory_space<vmem_shared>> -> memref<128x128xf32, #tpu.memory_space<vmem_shared>>
      %dma_wait3A_265 = arith.constant 0 : i32
      %dma_wait3A_266 = tpu.memref_slice %arg10[%add3A_191, %dma_wait3A_265] : memref<10240x128xf32, #tpu.memory_space<vmem_shared>> -> memref<128x128xf32, #tpu.memory_space<vmem_shared>>
      tpu.wait_dma2 semaphore(%run_scoped3A_258 : memref<!tpu.dma_semaphore, #tpu.memory_space<semaphore_mem>>) src(%dma_wait3A_266 : memref<128x128xf32, #tpu.memory_space<vmem_shared>>) dst(%arg9 : memref<128x128xf32, #tpu.memory_space<vmem>>)
      tpu.yield
    }) : () -> ()
    %dma_start3A_192 = arith.constant 0 : i32
    %dma_start3A_193 = tpu.memref_slice %arg5[%arg0, %add3A_191, %dma_start3A_192] : memref<2x10240x128xf32, #tpu.memory_space<hbm>> -> memref<1x128x128xf32, #tpu.memory_space<hbm>>
    %dma_start3A_194 = tpu.memref_squeeze %dma_start3A_193 : memref<1x128x128xf32, #tpu.memory_space<hbm>> -> memref<128x128xf32, #tpu.memory_space<hbm>>
    %dma_start3A_195 = arith.constant 0 : i32
    %dma_start3A_196 = tpu.memref_slice %arg5[%arg0, %add3A_191, %dma_start3A_195] : memref<2x10240x128xf32, #tpu.memory_space<hbm>> -> memref<1x128x128xf32, #tpu.memory_space<hbm>>
    %dma_start3A_197 = tpu.memref_squeeze %dma_start3A_196 : memref<1x128x128xf32, #tpu.memory_space<hbm>> -> memref<128x128xf32, #tpu.memory_space<hbm>>
    tpu.enqueue_dma source(%arg9 : memref<128x128xf32, #tpu.memory_space<vmem>>) target(%dma_start3A_197 : memref<128x128xf32, #tpu.memory_space<hbm>>) target_semaphore(%arg12 : memref<!tpu.dma_semaphore, #tpu.memory_space<semaphore_mem>>)
    %dma_wait3A_198 = arith.constant 0 : i32
    %dma_wait3A_199 = arith.constant 0 : i32
    %dma_wait3A_200 = tpu.memref_slice %arg2[%dma_wait3A_198, %dma_wait3A_199] : memref<10000x128xf32, #tpu.memory_space<hbm>> -> memref<128x128xf32, #tpu.memory_space<hbm>>
    %dma_wait3A_201 = arith.constant 0 : i32
    %dma_wait3A_202 = arith.constant 0 : i32
    %dma_wait3A_203 = tpu.memref_slice %arg2[%dma_wait3A_201, %dma_wait3A_202] : memref<10000x128xf32, #tpu.memory_space<hbm>> -> memref<128x128xf32, #tpu.memory_space<hbm>>
    tpu.wait_dma2 semaphore(%arg11 : memref<!tpu.dma_semaphore, #tpu.memory_space<semaphore_mem>>) src(%dma_wait3A_203 : memref<128x128xf32, #tpu.memory_space<hbm>>) dst(%arg8 : memref<128x128xf32, #tpu.memory_space<vmem>>)
    %mul3A_204 = arith.constant 640 : i32
    %mul3A_205 = arith.muli %arg1, %mul3A_204 : i32
    %add3A_206 = arith.constant 256 : i32
    %add3A_207 = arith.addi %mul3A_205, %add3A_206 : i32
    "tpu.region"() ({
      %run_scoped3A_258 = tpu.sem_alloc : memref<!tpu.dma_semaphore, #tpu.memory_space<semaphore_mem>>
      %dma_start3A_259 = arith.constant 0 : i32
      %dma_start3A_260 = tpu.memref_slice %arg10[%add3A_207, %dma_start3A_259] : memref<10240x128xf32, #tpu.memory_space<vmem_shared>> -> memref<128x128xf32, #tpu.memory_space<vmem_shared>>
      %dma_start3A_261 = arith.constant 0 : i32
      %dma_start3A_262 = tpu.memref_slice %arg10[%add3A_207, %dma_start3A_261] : memref<10240x128xf32, #tpu.memory_space<vmem_shared>> -> memref<128x128xf32, #tpu.memory_space<vmem_shared>>
      tpu.enqueue_dma source(%dma_start3A_262 : memref<128x128xf32, #tpu.memory_space<vmem_shared>>) target(%arg8 : memref<128x128xf32, #tpu.memory_space<vmem>>) target_semaphore(%run_scoped3A_258 : memref<!tpu.dma_semaphore, #tpu.memory_space<semaphore_mem>>)
      %dma_wait3A_263 = arith.constant 0 : i32
      %dma_wait3A_264 = tpu.memref_slice %arg10[%add3A_207, %dma_wait3A_263] : memref<10240x128xf32, #tpu.memory_space<vmem_shared>> -> memref<128x128xf32, #tpu.memory_space<vmem_shared>>
      %dma_wait3A_265 = arith.constant 0 : i32
      %dma_wait3A_266 = tpu.memref_slice %arg10[%add3A_207, %dma_wait3A_265] : memref<10240x128xf32, #tpu.memory_space<vmem_shared>> -> memref<128x128xf32, #tpu.memory_space<vmem_shared>>
      tpu.wait_dma2 semaphore(%run_scoped3A_258 : memref<!tpu.dma_semaphore, #tpu.memory_space<semaphore_mem>>) src(%dma_wait3A_266 : memref<128x128xf32, #tpu.memory_space<vmem_shared>>) dst(%arg8 : memref<128x128xf32, #tpu.memory_space<vmem>>)
      tpu.yield
    }) : () -> ()
    %dma_start3A_208 = arith.constant 0 : i32
    %dma_start3A_209 = tpu.memref_slice %arg5[%arg0, %add3A_207, %dma_start3A_208] : memref<2x10240x128xf32, #tpu.memory_space<hbm>> -> memref<1x128x128xf32, #tpu.memory_space<hbm>>
    %dma_start3A_210 = tpu.memref_squeeze %dma_start3A_209 : memref<1x128x128xf32, #tpu.memory_space<hbm>> -> memref<128x128xf32, #tpu.memory_space<hbm>>
    %dma_start3A_211 = arith.constant 0 : i32
    %dma_start3A_212 = tpu.memref_slice %arg5[%arg0, %add3A_207, %dma_start3A_211] : memref<2x10240x128xf32, #tpu.memory_space<hbm>> -> memref<1x128x128xf32, #tpu.memory_space<hbm>>
    %dma_start3A_213 = tpu.memref_squeeze %dma_start3A_212 : memref<1x128x128xf32, #tpu.memory_space<hbm>> -> memref<128x128xf32, #tpu.memory_space<hbm>>
    tpu.enqueue_dma source(%arg8 : memref<128x128xf32, #tpu.memory_space<vmem>>) target(%dma_start3A_213 : memref<128x128xf32, #tpu.memory_space<hbm>>) target_semaphore(%arg11 : memref<!tpu.dma_semaphore, #tpu.memory_space<semaphore_mem>>)
    %dma_wait3A_214 = arith.constant 0 : i32
    %dma_wait3A_215 = arith.constant 0 : i32
    %dma_wait3A_216 = tpu.memref_slice %arg2[%dma_wait3A_214, %dma_wait3A_215] : memref<10000x128xf32, #tpu.memory_space<hbm>> -> memref<128x128xf32, #tpu.memory_space<hbm>>
    %dma_wait3A_217 = arith.constant 0 : i32
    %dma_wait3A_218 = arith.constant 0 : i32
    %dma_wait3A_219 = tpu.memref_slice %arg2[%dma_wait3A_217, %dma_wait3A_218] : memref<10000x128xf32, #tpu.memory_space<hbm>> -> memref<128x128xf32, #tpu.memory_space<hbm>>
    tpu.wait_dma2 semaphore(%arg12 : memref<!tpu.dma_semaphore, #tpu.memory_space<semaphore_mem>>) src(%dma_wait3A_219 : memref<128x128xf32, #tpu.memory_space<hbm>>) dst(%arg9 : memref<128x128xf32, #tpu.memory_space<vmem>>)
    %mul3A_220 = arith.constant 640 : i32
    %mul3A_221 = arith.muli %arg1, %mul3A_220 : i32
    %add3A_222 = arith.constant 384 : i32
    %add3A_223 = arith.addi %mul3A_221, %add3A_222 : i32
    "tpu.region"() ({
      %run_scoped3A_258 = tpu.sem_alloc : memref<!tpu.dma_semaphore, #tpu.memory_space<semaphore_mem>>
      %dma_start3A_259 = arith.constant 0 : i32
      %dma_start3A_260 = tpu.memref_slice %arg10[%add3A_223, %dma_start3A_259] : memref<10240x128xf32, #tpu.memory_space<vmem_shared>> -> memref<128x128xf32, #tpu.memory_space<vmem_shared>>
      %dma_start3A_261 = arith.constant 0 : i32
      %dma_start3A_262 = tpu.memref_slice %arg10[%add3A_223, %dma_start3A_261] : memref<10240x128xf32, #tpu.memory_space<vmem_shared>> -> memref<128x128xf32, #tpu.memory_space<vmem_shared>>
      tpu.enqueue_dma source(%dma_start3A_262 : memref<128x128xf32, #tpu.memory_space<vmem_shared>>) target(%arg9 : memref<128x128xf32, #tpu.memory_space<vmem>>) target_semaphore(%run_scoped3A_258 : memref<!tpu.dma_semaphore, #tpu.memory_space<semaphore_mem>>)
      %dma_wait3A_263 = arith.constant 0 : i32
      %dma_wait3A_264 = tpu.memref_slice %arg10[%add3A_223, %dma_wait3A_263] : memref<10240x128xf32, #tpu.memory_space<vmem_shared>> -> memref<128x128xf32, #tpu.memory_space<vmem_shared>>
      %dma_wait3A_265 = arith.constant 0 : i32
      %dma_wait3A_266 = tpu.memref_slice %arg10[%add3A_223, %dma_wait3A_265] : memref<10240x128xf32, #tpu.memory_space<vmem_shared>> -> memref<128x128xf32, #tpu.memory_space<vmem_shared>>
      tpu.wait_dma2 semaphore(%run_scoped3A_258 : memref<!tpu.dma_semaphore, #tpu.memory_space<semaphore_mem>>) src(%dma_wait3A_266 : memref<128x128xf32, #tpu.memory_space<vmem_shared>>) dst(%arg9 : memref<128x128xf32, #tpu.memory_space<vmem>>)
      tpu.yield
    }) : () -> ()
    %dma_start3A_224 = arith.constant 0 : i32
    %dma_start3A_225 = tpu.memref_slice %arg5[%arg0, %add3A_223, %dma_start3A_224] : memref<2x10240x128xf32, #tpu.memory_space<hbm>> -> memref<1x128x128xf32, #tpu.memory_space<hbm>>
    %dma_start3A_226 = tpu.memref_squeeze %dma_start3A_225 : memref<1x128x128xf32, #tpu.memory_space<hbm>> -> memref<128x128xf32, #tpu.memory_space<hbm>>
    %dma_start3A_227 = arith.constant 0 : i32
    %dma_start3A_228 = tpu.memref_slice %arg5[%arg0, %add3A_223, %dma_start3A_227] : memref<2x10240x128xf32, #tpu.memory_space<hbm>> -> memref<1x128x128xf32, #tpu.memory_space<hbm>>
    %dma_start3A_229 = tpu.memref_squeeze %dma_start3A_228 : memref<1x128x128xf32, #tpu.memory_space<hbm>> -> memref<128x128xf32, #tpu.memory_space<hbm>>
    tpu.enqueue_dma source(%arg9 : memref<128x128xf32, #tpu.memory_space<vmem>>) target(%dma_start3A_229 : memref<128x128xf32, #tpu.memory_space<hbm>>) target_semaphore(%arg12 : memref<!tpu.dma_semaphore, #tpu.memory_space<semaphore_mem>>)
    %dma_wait3A_230 = arith.constant 0 : i32
    %dma_wait3A_231 = arith.constant 0 : i32
    %dma_wait3A_232 = tpu.memref_slice %arg2[%dma_wait3A_230, %dma_wait3A_231] : memref<10000x128xf32, #tpu.memory_space<hbm>> -> memref<128x128xf32, #tpu.memory_space<hbm>>
    %dma_wait3A_233 = arith.constant 0 : i32
    %dma_wait3A_234 = arith.constant 0 : i32
    %dma_wait3A_235 = tpu.memref_slice %arg2[%dma_wait3A_233, %dma_wait3A_234] : memref<10000x128xf32, #tpu.memory_space<hbm>> -> memref<128x128xf32, #tpu.memory_space<hbm>>
    tpu.wait_dma2 semaphore(%arg11 : memref<!tpu.dma_semaphore, #tpu.memory_space<semaphore_mem>>) src(%dma_wait3A_235 : memref<128x128xf32, #tpu.memory_space<hbm>>) dst(%arg8 : memref<128x128xf32, #tpu.memory_space<vmem>>)
    %mul3A_236 = arith.constant 640 : i32
    %mul3A_237 = arith.muli %arg1, %mul3A_236 : i32
    %add3A_238 = arith.constant 512 : i32
    %add3A_239 = arith.addi %mul3A_237, %add3A_238 : i32
    "tpu.region"() ({
      %run_scoped3A_258 = tpu.sem_alloc : memref<!tpu.dma_semaphore, #tpu.memory_space<semaphore_mem>>
      %dma_start3A_259 = arith.constant 0 : i32
      %dma_start3A_260 = tpu.memref_slice %arg10[%add3A_239, %dma_start3A_259] : memref<10240x128xf32, #tpu.memory_space<vmem_shared>> -> memref<128x128xf32, #tpu.memory_space<vmem_shared>>
      %dma_start3A_261 = arith.constant 0 : i32
      %dma_start3A_262 = tpu.memref_slice %arg10[%add3A_239, %dma_start3A_261] : memref<10240x128xf32, #tpu.memory_space<vmem_shared>> -> memref<128x128xf32, #tpu.memory_space<vmem_shared>>
      tpu.enqueue_dma source(%dma_start3A_262 : memref<128x128xf32, #tpu.memory_space<vmem_shared>>) target(%arg8 : memref<128x128xf32, #tpu.memory_space<vmem>>) target_semaphore(%run_scoped3A_258 : memref<!tpu.dma_semaphore, #tpu.memory_space<semaphore_mem>>)
      %dma_wait3A_263 = arith.constant 0 : i32
      %dma_wait3A_264 = tpu.memref_slice %arg10[%add3A_239, %dma_wait3A_263] : memref<10240x128xf32, #tpu.memory_space<vmem_shared>> -> memref<128x128xf32, #tpu.memory_space<vmem_shared>>
      %dma_wait3A_265 = arith.constant 0 : i32
      %dma_wait3A_266 = tpu.memref_slice %arg10[%add3A_239, %dma_wait3A_265] : memref<10240x128xf32, #tpu.memory_space<vmem_shared>> -> memref<128x128xf32, #tpu.memory_space<vmem_shared>>
      tpu.wait_dma2 semaphore(%run_scoped3A_258 : memref<!tpu.dma_semaphore, #tpu.memory_space<semaphore_mem>>) src(%dma_wait3A_266 : memref<128x128xf32, #tpu.memory_space<vmem_shared>>) dst(%arg8 : memref<128x128xf32, #tpu.memory_space<vmem>>)
      tpu.yield
    }) : () -> ()
    %dma_start3A_240 = arith.constant 0 : i32
    %dma_start3A_241 = tpu.memref_slice %arg5[%arg0, %add3A_239, %dma_start3A_240] : memref<2x10240x128xf32, #tpu.memory_space<hbm>> -> memref<1x128x128xf32, #tpu.memory_space<hbm>>
    %dma_start3A_242 = tpu.memref_squeeze %dma_start3A_241 : memref<1x128x128xf32, #tpu.memory_space<hbm>> -> memref<128x128xf32, #tpu.memory_space<hbm>>
    %dma_start3A_243 = arith.constant 0 : i32
    %dma_start3A_244 = tpu.memref_slice %arg5[%arg0, %add3A_239, %dma_start3A_243] : memref<2x10240x128xf32, #tpu.memory_space<hbm>> -> memref<1x128x128xf32, #tpu.memory_space<hbm>>
    %dma_start3A_245 = tpu.memref_squeeze %dma_start3A_244 : memref<1x128x128xf32, #tpu.memory_space<hbm>> -> memref<128x128xf32, #tpu.memory_space<hbm>>
    tpu.enqueue_dma source(%arg8 : memref<128x128xf32, #tpu.memory_space<vmem>>) target(%dma_start3A_245 : memref<128x128xf32, #tpu.memory_space<hbm>>) target_semaphore(%arg11 : memref<!tpu.dma_semaphore, #tpu.memory_space<semaphore_mem>>)
    %dma_wait3A_246 = arith.constant 0 : i32
    %dma_wait3A_247 = arith.constant 0 : i32
    %dma_wait3A_248 = tpu.memref_slice %arg2[%dma_wait3A_246, %dma_wait3A_247] : memref<10000x128xf32, #tpu.memory_space<hbm>> -> memref<128x128xf32, #tpu.memory_space<hbm>>
    %dma_wait3A_249 = arith.constant 0 : i32
    %dma_wait3A_250 = arith.constant 0 : i32
    %dma_wait3A_251 = tpu.memref_slice %arg2[%dma_wait3A_249, %dma_wait3A_250] : memref<10000x128xf32, #tpu.memory_space<hbm>> -> memref<128x128xf32, #tpu.memory_space<hbm>>
    tpu.wait_dma2 semaphore(%arg11 : memref<!tpu.dma_semaphore, #tpu.memory_space<semaphore_mem>>) src(%dma_wait3A_251 : memref<128x128xf32, #tpu.memory_space<hbm>>) dst(%arg8 : memref<128x128xf32, #tpu.memory_space<vmem>>)
    %dma_wait3A_252 = arith.constant 0 : i32
    %dma_wait3A_253 = arith.constant 0 : i32
    %dma_wait3A_254 = tpu.memref_slice %arg2[%dma_wait3A_252, %dma_wait3A_253] : memref<10000x128xf32, #tpu.memory_space<hbm>> -> memref<128x128xf32, #tpu.memory_space<hbm>>
    %dma_wait3A_255 = arith.constant 0 : i32
    %dma_wait3A_256 = arith.constant 0 : i32
    %dma_wait3A_257 = tpu.memref_slice %arg2[%dma_wait3A_255, %dma_wait3A_256] : memref<10000x128xf32, #tpu.memory_space<hbm>> -> memref<128x128xf32, #tpu.memory_space<hbm>>
    tpu.wait_dma2 semaphore(%arg12 : memref<!tpu.dma_semaphore, #tpu.memory_space<semaphore_mem>>) src(%dma_wait3A_257 : memref<128x128xf32, #tpu.memory_space<hbm>>) dst(%arg9 : memref<128x128xf32, #tpu.memory_space<vmem>>)
    return
  }
}

module attributes {stable_mosaic.version = 14 : i64} {
  func.func @_lin_body(%arg0: i32, %arg1: memref<2x2000x128xf32, #tpu.memory_space<vmem>>, %arg2: memref<128x128xf32, #tpu.memory_space<vmem>>, %arg3: memref<1x128xf32, #tpu.memory_space<vmem>>, %arg4: memref<2000x128xf32, #tpu.memory_space<vmem>>) attributes {dimension_semantics = [#tpu.dimension_semantics<arbitrary>], iteration_bounds = array<i64: 5>, scalar_prefetch = 0 : i64, scratch_operands = 0 : i64, tpu.core_type = #tpu.core_type<tc>, window_params = [{transform_indices = @transform_0, window_bounds = array<i64: 2, 2000, 128>}, {pipeline_mode = #tpu.pipeline_mode<synchronous>, transform_indices = @transform_1, window_bounds = array<i64: 128, 128>}, {pipeline_mode = #tpu.pipeline_mode<synchronous>, transform_indices = @transform_2, window_bounds = array<i64: 1, 128>}, {transform_indices = @transform_3, window_bounds = array<i64: 2000, 128>}]} {
    %get3A = arith.constant 0 : index
    %get3A_0 = arith.constant 0 : index
    %get3A_1 = arith.constant 0 : index
    %get3A_2 = vector.load %arg1[%get3A, %get3A_0, %get3A_1] : memref<2x2000x128xf32, #tpu.memory_space<vmem>>, vector<1x2000x128xf32>
    %get3A_3 = vector.shape_cast %get3A_2 : vector<1x2000x128xf32> to vector<2000x128xf32>
    %get3A_4 = arith.constant 1 : index
    %get3A_5 = arith.constant 0 : index
    %get3A_6 = arith.constant 0 : index
    %get3A_7 = vector.load %arg1[%get3A_4, %get3A_5, %get3A_6] : memref<2x2000x128xf32, #tpu.memory_space<vmem>>, vector<1x2000x128xf32>
    %get3A_8 = vector.shape_cast %get3A_7 : vector<1x2000x128xf32> to vector<2000x128xf32>
    %add3A = arith.addf %get3A_3, %get3A_8 : vector<2000x128xf32>
    %get3A_9 = arith.constant 0 : index
    %get3A_10 = arith.constant 0 : index
    %get3A_11 = vector.load %arg2[%get3A_9, %get3A_10] : memref<128x128xf32, #tpu.memory_space<vmem>>, vector<128x128xf32>
    %dot_general3A = arith.constant dense<0.000000e+00> : vector<2000x128xf32>
    %dot_general3A_12 = tpu.matmul %add3A, %get3A_11, %dot_general3A {dimension_numbers = #tpu.dot_dimension_numbers<[1], [0], [0], [1], [0, 0, 1, 1], [], []>, precision = #tpu.contract_precision<fp32>, transpose_lhs_hint = false} : vector<2000x128xf32>, vector<128x128xf32>, vector<2000x128xf32> -> vector<2000x128xf32>
    %get3A_13 = arith.constant 0 : index
    %get3A_14 = arith.constant 0 : index
    %get3A_15 = vector.load %arg3[%get3A_13, %get3A_14] : memref<1x128xf32, #tpu.memory_space<vmem>>, vector<1x128xf32>
    %add3A_16 = vector.broadcast %get3A_15 : vector<1x128xf32> to vector<2000x128xf32>
    %add3A_17 = arith.addf %dot_general3A_12, %add3A_16 : vector<2000x128xf32>
    %swap3A = arith.constant 0 : index
    %swap3A_18 = arith.constant 0 : index
    %swap3A_19 = vector.load %arg4[%swap3A, %swap3A_18] : memref<2000x128xf32, #tpu.memory_space<vmem>>, vector<2000x128xf32>
    tpu.vector_store %arg4[%swap3A, %swap3A_18], %add3A_17 {strides = array<i32>} : memref<2000x128xf32, #tpu.memory_space<vmem>>, vector<2000x128xf32>,
    return
  }
  func.func @transform_0(%arg0: i32) -> (i32, i32, i32) {
    %c0_i32 = arith.constant 0 : i32
    %c0_i32_0 = arith.constant 0 : i32
    %c0_i32_1 = arith.constant 0 : i32
    return %c0_i32, %arg0, %c0_i32_0 : i32, i32, i32
  }
  func.func @transform_1(%arg0: i32) -> (i32, i32) {
    %c0_i32 = arith.constant 0 : i32
    %c0_i32_0 = arith.constant 0 : i32
    %c0_i32_1 = arith.constant 0 : i32
    return %c0_i32, %c0_i32_0 : i32, i32
  }
  func.func @transform_2(%arg0: i32) -> (i32, i32) {
    %c0_i32 = arith.constant 0 : i32
    %c0_i32_0 = arith.constant 0 : i32
    %c0_i32_1 = arith.constant 0 : i32
    return %c0_i32, %c0_i32_0 : i32, i32
  }
  func.func @transform_3(%arg0: i32) -> (i32, i32) {
    %c0_i32 = arith.constant 0 : i32
    %c0_i32_0 = arith.constant 0 : i32
    return %arg0, %c0_i32 : i32, i32
  }
}

module attributes {stable_mosaic.version = 14 : i64} {
  func.func @_head_body(%arg0: i32, %arg1: memref<2x2000x128xf32, #tpu.memory_space<vmem>>, %arg2: memref<128x128xf32, #tpu.memory_space<vmem>>, %arg3: memref<1x128xf32, #tpu.memory_space<vmem>>, %arg4: memref<128x64xf32, #tpu.memory_space<vmem>>, %arg5: memref<1x64xf32, #tpu.memory_space<vmem>>, %arg6: memref<64x1xf32, #tpu.memory_space<vmem>>, %arg7: memref<1x1xf32, #tpu.memory_space<vmem>>, %arg8: memref<2000x1xf32, #tpu.memory_space<vmem>>) attributes {dimension_semantics = [#tpu.dimension_semantics<arbitrary>], iteration_bounds = array<i64: 5>, scalar_prefetch = 0 : i64, scratch_operands = 0 : i64, tpu.core_type = #tpu.core_type<tc>, window_params = [{transform_indices = @transform_0, window_bounds = array<i64: 2, 2000, 128>}, {pipeline_mode = #tpu.pipeline_mode<synchronous>, transform_indices = @transform_1, window_bounds = array<i64: 128, 128>}, {pipeline_mode = #tpu.pipeline_mode<synchronous>, transform_indices = @transform_2, window_bounds = array<i64: 1, 128>}, {pipeline_mode = #tpu.pipeline_mode<synchronous>, transform_indices = @transform_3, window_bounds = array<i64: 128, 64>}, {pipeline_mode = #tpu.pipeline_mode<synchronous>, transform_indices = @transform_4, window_bounds = array<i64: 1, 64>}, {pipeline_mode = #tpu.pipeline_mode<synchronous>, transform_indices = @transform_5, window_bounds = array<i64: 64, 1>}, {pipeline_mode = #tpu.pipeline_mode<synchronous>, transform_indices = @transform_6, window_bounds = array<i64: 1, 1>}, {transform_indices = @transform_7, window_bounds = array<i64: 2000, 1>}]} {
    %get3A = arith.constant 0 : index
    %get3A_0 = arith.constant 0 : index
    %get3A_1 = arith.constant 0 : index
    %get3A_2 = vector.load %arg1[%get3A, %get3A_0, %get3A_1] : memref<2x2000x128xf32, #tpu.memory_space<vmem>>, vector<1x2000x128xf32>
    %get3A_3 = vector.shape_cast %get3A_2 : vector<1x2000x128xf32> to vector<2000x128xf32>
    %get3A_4 = arith.constant 1 : index
    %get3A_5 = arith.constant 0 : index
    %get3A_6 = arith.constant 0 : index
    %get3A_7 = vector.load %arg1[%get3A_4, %get3A_5, %get3A_6] : memref<2x2000x128xf32, #tpu.memory_space<vmem>>, vector<1x2000x128xf32>
    %get3A_8 = vector.shape_cast %get3A_7 : vector<1x2000x128xf32> to vector<2000x128xf32>
    %add3A = arith.addf %get3A_3, %get3A_8 : vector<2000x128xf32>
    %get3A_9 = arith.constant 0 : index
    %get3A_10 = arith.constant 0 : index
    %get3A_11 = vector.load %arg2[%get3A_9, %get3A_10] : memref<128x128xf32, #tpu.memory_space<vmem>>, vector<128x128xf32>
    %dot_general3A = arith.constant dense<0.000000e+00> : vector<2000x128xf32>
    %dot_general3A_12 = tpu.matmul %add3A, %get3A_11, %dot_general3A {dimension_numbers = #tpu.dot_dimension_numbers<[1], [0], [0], [1], [0, 0, 1, 1], [], []>, precision = #tpu.contract_precision<fp32>, transpose_lhs_hint = false} : vector<2000x128xf32>, vector<128x128xf32>, vector<2000x128xf32> -> vector<2000x128xf32>
    %get3A_13 = arith.constant 0 : index
    %get3A_14 = arith.constant 0 : index
    %get3A_15 = vector.load %arg3[%get3A_13, %get3A_14] : memref<1x128xf32, #tpu.memory_space<vmem>>, vector<1x128xf32>
    %add3A_16 = vector.broadcast %get3A_15 : vector<1x128xf32> to vector<2000x128xf32>
    %add3A_17 = arith.addf %dot_general3A_12, %add3A_16 : vector<2000x128xf32>
    %max3A = arith.constant 0.000000e+00 : f32
    %max3A_18 = vector.broadcast %max3A : f32 to vector<2000x128xf32>
    %max3A_19 = arith.maximumf %add3A_17, %max3A_18 : vector<2000x128xf32>
    %get3A_20 = arith.constant 0 : index
    %get3A_21 = arith.constant 0 : index
    %get3A_22 = vector.load %arg4[%get3A_20, %get3A_21] : memref<128x64xf32, #tpu.memory_space<vmem>>, vector<128x64xf32>
    %dot_general3A_23 = arith.constant dense<0.000000e+00> : vector<2000x64xf32>
    %dot_general3A_24 = tpu.matmul %max3A_19, %get3A_22, %dot_general3A_23 {dimension_numbers = #tpu.dot_dimension_numbers<[1], [0], [0], [1], [0, 0, 1, 1], [], []>, precision = #tpu.contract_precision<fp32>, transpose_lhs_hint = false} : vector<2000x128xf32>, vector<128x64xf32>, vector<2000x64xf32> -> vector<2000x64xf32>
    %get3A_25 = arith.constant 0 : index
    %get3A_26 = arith.constant 0 : index
    %get3A_27 = vector.load %arg5[%get3A_25, %get3A_26] : memref<1x64xf32, #tpu.memory_space<vmem>>, vector<1x64xf32>
    %add3A_28 = vector.broadcast %get3A_27 : vector<1x64xf32> to vector<2000x64xf32>
    %add3A_29 = arith.addf %dot_general3A_24, %add3A_28 : vector<2000x64xf32>
    %get3A_30 = arith.constant 0 : index
    %get3A_31 = arith.constant 0 : index
    %get3A_32 = vector.load %arg6[%get3A_30, %get3A_31] : memref<64x1xf32, #tpu.memory_space<vmem>>, vector<64x1xf32>
    %dot_general3A_33 = arith.constant dense<0.000000e+00> : vector<2000x1xf32>
    %dot_general3A_34 = tpu.matmul %add3A_29, %get3A_32, %dot_general3A_33 {dimension_numbers = #tpu.dot_dimension_numbers<[1], [0], [0], [1], [0, 0, 1, 1], [], []>, precision = #tpu.contract_precision<fp32>, transpose_lhs_hint = false} : vector<2000x64xf32>, vector<64x1xf32>, vector<2000x1xf32> -> vector<2000x1xf32>
    %get3A_35 = arith.constant 0 : index
    %get3A_36 = arith.constant 0 : index
    %get3A_37 = vector.load %arg7[%get3A_35, %get3A_36] : memref<1x1xf32, #tpu.memory_space<vmem>>, vector<1x1xf32>
    %add3A_38 = vector.broadcast %get3A_37 : vector<1x1xf32> to vector<2000x1xf32>
    %add3A_39 = arith.addf %dot_general3A_34, %add3A_38 : vector<2000x1xf32>
    %jit3A = arith.constant -4.000000e+00 : f32
    %jit3A_40 = arith.constant 4.000000e+00 : f32
    %max3A_41 = vector.broadcast %jit3A : f32 to vector<2000x1xf32>
    %max3A_42 = arith.maximumf %max3A_41, %add3A_39 : vector<2000x1xf32>
    %min3A = vector.broadcast %jit3A_40 : f32 to vector<2000x1xf32>
    %min3A_43 = arith.minimumf %min3A, %max3A_42 : vector<2000x1xf32>
    %swap3A = arith.constant 0 : index
    %swap3A_44 = arith.constant 0 : index
    %swap3A_45 = vector.load %arg8[%swap3A, %swap3A_44] : memref<2000x1xf32, #tpu.memory_space<vmem>>, vector<2000x1xf32>
    tpu.vector_store %arg8[%swap3A, %swap3A_44], %min3A_43 {strides = array<i32>} : memref<2000x1xf32, #tpu.memory_space<vmem>>, vector<2000x1xf32>,
    return
  }
  func.func @transform_0(%arg0: i32) -> (i32, i32, i32) {
    %c0_i32 = arith.constant 0 : i32
    %c0_i32_0 = arith.constant 0 : i32
    %c0_i32_1 = arith.constant 0 : i32
    return %c0_i32, %arg0, %c0_i32_0 : i32, i32, i32
  }
  func.func @transform_1(%arg0: i32) -> (i32, i32) {
    %c0_i32 = arith.constant 0 : i32
    %c0_i32_0 = arith.constant 0 : i32
    %c0_i32_1 = arith.constant 0 : i32
    return %c0_i32, %c0_i32_0 : i32, i32
  }
  func.func @transform_2(%arg0: i32) -> (i32, i32) {
    %c0_i32 = arith.constant 0 : i32
    %c0_i32_0 = arith.constant 0 : i32
    %c0_i32_1 = arith.constant 0 : i32
    return %c0_i32, %c0_i32_0 : i32, i32
  }
  func.func @transform_3(%arg0: i32) -> (i32, i32) {
    %c0_i32 = arith.constant 0 : i32
    %c0_i32_0 = arith.constant 0 : i32
    %c0_i32_1 = arith.constant 0 : i32
    return %c0_i32, %c0_i32_0 : i32, i32
  }
  func.func @transform_4(%arg0: i32) -> (i32, i32) {
    %c0_i32 = arith.constant 0 : i32
    %c0_i32_0 = arith.constant 0 : i32
    %c0_i32_1 = arith.constant 0 : i32
    return %c0_i32, %c0_i32_0 : i32, i32
  }
  func.func @transform_5(%arg0: i32) -> (i32, i32) {
    %c0_i32 = arith.constant 0 : i32
    %c0_i32_0 = arith.constant 0 : i32
    %c0_i32_1 = arith.constant 0 : i32
    return %c0_i32, %c0_i32_0 : i32, i32
  }
  func.func @transform_6(%arg0: i32) -> (i32, i32) {
    %c0_i32 = arith.constant 0 : i32
    %c0_i32_0 = arith.constant 0 : i32
    %c0_i32_1 = arith.constant 0 : i32
    return %c0_i32, %c0_i32_0 : i32, i32
  }
  func.func @transform_7(%arg0: i32) -> (i32, i32) {
    %c0_i32 = arith.constant 0 : i32
    %c0_i32_0 = arith.constant 0 : i32
    return %arg0, %c0_i32 : i32, i32
  }
}

</mosaic_0001>

<sc_bundles>
// kernel: kernel.6.cloned.1.call-start
scs
__scs_entry_jumppad:
0x0: {  	(pc) =	sbr.rel $0x88, $3  }
0x1: {  	(tag) =	ssettag $0x0;
	lr =	simm.s32 $0x1  }
0x2: {  	[smem:$0x3F97] =	sst lr;
	_ =	strace $0xD0000000  }
0x3: {  	_ = 	snop  }
0x4: {  	_ = 	snop  }
0x5: {  	_ = 	snop  }
0x6: {  	_ = 	snop  }
0x7: {  	_ = 	snop  }
__scs_overlays_trampoline_lowered:
0x8: {  	[smem:$0x3FA6] =	sst s0  }
0x9: {  	[smem:$0x3FA7] =	sst s1  }
0xa: {  	[smem:$0x3FA8] =	sst s2  }
0xb: {  	[smem:$0x3FA9] =	sst s3  }
0xc: {  	[smem:$0x3FAA] =	sst s4  }
0xd: {  	[smem:$0x3FAB] =	sst s5  }
0xe: {  	[smem:$0x3FAC] =	sst s6  }
0xf: {  	[smem:$0x3FAD] =	sst s7  }
0x10: {  	[smem:$0x3FAE] =	sst s8  }
0x11: {  	[smem:$0x3FAF] =	sst s9;
	s0 =	simm.s32 @!p0 $0x0  }
0x12: {  	s1 =	sld [smem:$0x3F95];
	s0 =	simm.s32 @p0 $0x1  }
0x13: {  	[smem:$0x3FB0] =	sst s0;
	s0 =	simm.s32 @!p1 $0x0  }
0x14: {  	s2 =	sld [smem:$0x3F94];
	s0 =	simm.s32 @p1 $0x1  }
0x15: {  	[smem:$0x3FB1] =	sst s0;
	s0 =	simm.s32 @!p2 $0x0  }
0x16: {  	s3 =	sld [smem:$0x3FDB];
	s0 =	simm.s32 @p2 $0x1  }
0x17: {  	s4 =	simm.s32 $0x1BF5;
	[smem:$0x3FB3] =	sst s0  }
0x18: {  	s0 =	sld [smem:$0x3F96];
	_ =	swait.ge [sflag:s4], $0x0  }
0x19: {  	s7 =	sld [smem:$0x3F97]  }
0x1a: {  	s8 =	sadd.s32 $0xFFFFE003, lr  }
0x1b: {  	s9 =	sadd.s32 $0xFFFFFEF7, lr;
	s5 =	simm.s32 $0xFFFFFFFF;
	p2 =	slt.u32 s8, $0xFFFFF086  }
0x1c: {  	p1 =	slt.u32 s9, $0xF7A;
	s5 =	simm.s32 @!p2 $0x0  }
0x1d: {  	s5 =	simm.s32 @p1 $0x1;
	p0 =	seq.s32 s7, s2  }
0x1e: {  	s7 =	smul.u32 @!p0 $0xF7A, s2;
	p2 =	seq.s32 @!p0 s5, $0x0  }
0x1f: {  	s9 =	smul.u32 $0xF7A, s1;
	s8 =	simm.s32 @!p0 $0x1BF5;
	p2 =	por !p2, p0  }
0x20: {  	[sflag:s8] =	ssyncset.s32 @!p0 $0xFFFFF086;
	s6 =	sadd.s32 @!p0 s3, s7;
	s7 =	simm.s32 @!p0 $0x108  }
0x21: {  	s3 =	sadd.s32 s3, s9;
	s6 =	sadd.s32 @!p0 $0x88, s6;
	s7 =	simm.s32 @p2 $0x1082  }
0x22: {  	[simem:s7], [sflag:s8] =	dma.local @!p0 [hbm:s6], $0xF7A  }
0x23: {  	s9 =	sor.u32 $0xD0000000, s2;
	s6 =	simm.s32 $0x108;
	_ =	swait.ge @!p0 [sflag:s8], $0x0  }
0x24: {  	s3 =	sadd.s32 $0x88, s3;
	s6 =	simm.s32 @!p1 $0x1082;
	[sflag:s4] =	ssyncset.s32 $0xFFFFF086  }
0x25: {  	[simem:s6], [sflag:s4] =	dma.local [hbm:s3], $0xF7A  }
0x26: {  	[smem:$0x3F97] =	sst s1;
	(tag) =	ssettag s2;
	_ =	strace s9  }
0x27: {  	s1 =	sld [smem:$0x3FA7]  }
0x28: {  	s2 =	sld [smem:$0x3FA8]  }
0x29: {  	s4 =	sld [smem:$0x3FAA]  }
0x2a: {  	p0 =	seq.s32 s5, $0x0;
	s5 =	sld [smem:$0x3FAB]  }
0x2b: {  	s6 =	sld [smem:$0x3FAC]  }
0x2c: {  	s7 =	sld [smem:$0x3FAD]  }
0x2d: {  	s3 =	simm.s32 $0x108;
	s8 =	sld [smem:$0x3FAE]  }
0x2e: {  	s3 =	simm.s32 @!p0 $0x1082;
	s9 =	sld [smem:$0x3FAF]  }
0x2f: {  	lr =	sadd.s32 s0, s3;
	s0 =	sld [smem:$0x3FA6]  }
0x30: {  	s3 =	sld [smem:$0x3FA9]  }
0x31: {  	[smem:$0x3FB2] =	sst s10  }
0x32: {  	s10 =	sld [smem:$0x3FB0];
	_ =	sdelay $0x3  }
0x33: {  	p0 =	seq.s32 s10, $0x1;
	s10 =	sld [smem:$0x3FB2];
	_ =	sdelay $0x3  }
0x34: {  	[smem:$0x3FB2] =	sst s10  }
0x35: {  	s10 =	sld [smem:$0x3FB1];
	_ =	sdelay $0x3  }
0x36: {  	p1 =	seq.s32 s10, $0x1;
	s10 =	sld [smem:$0x3FB2];
	_ =	sdelay $0x3  }
0x37: {  	[smem:$0x3FB2] =	sst s10  }
0x38: {  	s10 =	sld [smem:$0x3FB3]  }
0x39: {  	_ = 	snop;
	(pc) =	sbr.ind lr, $3  }
0x3a: {  	_ = 	snop  }
0x3b: {  	_ = 	snop  }
0x3c: {  	p2 =	seq.s32 s10, $0x1;
	s10 =	sld [smem:$0x3FB2]  }
0x3d: {  	_ =	shalt  }
0x3e: {  	_ =	shalt  }
0x3f: {  	_ =	shalt  }
0x40: {  	_ =	shalt  }
0x41: {  	_ =	shalt  }
0x42: {  	_ =	shalt  }
0x43: {  	_ =	shalt  }
0x44: {  	_ =	shalt  }
0x45: {  	_ =	shalt  }
0x46: {  	_ =	shalt  }
0x47: {  	_ =	shalt  }
0x48: {  	_ =	shalt  }
0x49: {  	_ =	shalt  }
0x4a: {  	_ =	shalt  }
0x4b: {  	_ =	shalt  }
0x4c: {  	_ =	shalt  }
0x4d: {  	_ =	shalt  }
0x4e: {  	_ =	shalt  }
0x4f: {  	_ =	shalt  }
0x50: {  	_ =	shalt  }
0x51: {  	_ =	shalt  }
0x52: {  	_ =	shalt  }
0x53: {  	_ =	shalt  }
0x54: {  	_ =	shalt  }
0x55: {  	_ =	shalt  }
0x56: {  	_ =	shalt  }
0x57: {  	_ =	shalt  }
0x58: {  	_ =	shalt  }
0x59: {  	_ =	shalt  }
0x5a: {  	_ =	shalt  }
0x5b: {  	_ =	shalt  }
0x5c: {  	_ =	shalt  }
0x5d: {  	_ =	shalt  }
0x5e: {  	_ =	shalt  }
0x5f: {  	_ =	shalt  }
0x60: {  	_ =	shalt  }
0x61: {  	_ =	shalt  }
0x62: {  	_ =	shalt  }
0x63: {  	_ =	shalt  }
0x64: {  	_ =	shalt  }
0x65: {  	_ =	shalt  }
0x66: {  	_ =	shalt  }
0x67: {  	_ =	shalt  }
0x68: {  	_ =	shalt  }
0x69: {  	_ =	shalt  }
0x6a: {  	_ =	shalt  }
0x6b: {  	_ =	shalt  }
0x6c: {  	_ =	shalt  }
0x6d: {  	_ =	shalt  }
0x6e: {  	_ =	shalt  }
0x6f: {  	_ =	shalt  }
0x70: {  	_ =	shalt  }
0x71: {  	_ =	shalt  }
0x72: {  	_ =	shalt  }
0x73: {  	_ =	shalt  }
0x74: {  	_ =	shalt  }
0x75: {  	_ =	shalt  }
0x76: {  	_ =	shalt  }
0x77: {  	_ =	shalt  }
0x78: {  	_ =	shalt  }
0x79: {  	_ =	shalt  }
0x7a: {  	_ =	shalt  }
0x7b: {  	_ =	shalt  }
0x7c: {  	_ =	shalt  }
0x7d: {  	_ =	shalt  }
0x7e: {  	_ =	shalt  }
0x7f: {  	_ =	shalt  }
0x80: {  	_ =	shalt  }
0x81: {  	_ =	shalt  }
0x82: {  	_ =	shalt  }
0x83: {  	_ =	shalt  }
0x84: {  	_ =	shalt  }
0x85: {  	_ =	shalt  }
0x86: {  	_ =	shalt  }
0x87: {  	_ =	shalt  }
.Lfunc_end0:
.L_simem_size_0:
called_computation_lowered:
.L_overlay_start_0:
0x88: {  	s2 =	sld [smem:$0x3FD9]  }
0x89: {  	s3 =	sld [smem:$0x3FFE];
	_ =	sdelay $0x1  }
0x8a: {  	s1 =	srdreg.scid  }
0x8b: {  	s0 =	sand.u32 $0x1, s1  }
0x8c: {  	s17 =	sshll.u32 s0, $0xA;
	s2 =	sadd.s32 s3, s2  }
0x8d: {  	s2 =	sadd.s32 s2, s17  }
0x8e: {  	[smem:$0x3FBE] =	sst s2  }
0x8f: {  	_ = 	snop  }
0x90: {  	s2 =	sld [smem:$0x3FC9];
	(tm) =	ssettm $0x1  }
0x91: {  	s18 =	sld [smem:$0x3FFB];
	_ =	sdelay $0x3  }
0x92: {  	_ =	strace s18  }
0x93: {  	s3 =	sld [smem:$0x3FFC];
	_ =	sdelay $0x3  }
0x94: {  	_ =	strace s3  }
0x95: {  	s3 =	sld [smem:$0x3FFD];
	_ =	sdelay $0x3  }
0x96: {  	_ =	strace s3  }
0x97: {  	_ =	strace $0x8FFFFFFF  }
0x98: {  	s19 =	sld [smem:$0x3FDB];
	_ =	sdelay $0x1  }
0x99: {  	s4 =	simm.s32 $_scs_section_size  }
0x9a: {  	s5 =	simm.s32 $_size__tile_overlayer_lowered;
	s6 =	simm.s32 $_tile_overlayer_lowered  }
0x9b: {  	s22 =	simm.s32 $0x1BFF;
	s21 =	sshll.u32 s6, $0x1;
	s3 =	sadd.s32 s4, s19  }
0x9c: {  	s7 =	simm.s32 $0x0;
	s20 =	sshll.u32 s5, $0x1;
	s5 =	sadd.s32 s21, s3  }
0x9d: {  	[timem:s7], [sflag:s22] =	dma.local [hbm:s5], s20  }
0x9e: {  	_ =	swait.ge [sflag:s22], s20  }
0x9f: {  	s4 =	ssub.s32 $0x0, s20;
	[sflag:s22] =	ssyncset.done $0x0  }
0xa0: {  	[sflag:s22] =	ssyncadd.s32 s4;
	_ =	sdelay $0x1  }
0xa1: {  	s23 =	simm.s32 $0x1B8B  }
0xa2: {  	_ =	swait.ge [sflag:s23], $0x1  }
0xa3: {  	[sflag:s23] =	ssyncset.done $0x0  }
0xa4: {  	s25 =	simm.s32 $0x1B8E;
	s24 =	sld [smem:$0x3FFE];
	[sflag:s23] =	ssyncadd.s32 $0xFFFFFFFF  }
0xa5: {  	s26 =	simm.s32 $execute0_lowered;
	[smem:$0x3FD2] =	sst s25  }
0xa6: {  	s5 =	sshll.u32 s26, $0x1;
	_ =	strace $0x80000046;
	[dreg:$0x1] =	wrdreg $0xFFFFFFFF  }
0xa7: {  	s28 =	simm.s32 $_size_execute0_lowered;
	s3 =	sadd.s32 s3, s5;
	[dreg:$0x0] =	wrdreg $0x0  }
0xa8: {  	s5 =	sshll.u32 s28, $0x1;
	[dreg:$0x2] =	wrdreg s3  }
0xa9: {  	[dreg:$0x3] =	wrdreg s5  }
0xaa: {  	[dreg:$0x4] =	wrdreg $0xC0  }
0xab: {  	_ =	task [dreg:s7], $0x5FFFF  }
0xac: {  	[dreg:$0x1] =	wrdreg $0xFFFFFFFF  }
0xad: {  	[dreg:$0x0] =	wrdreg $0x60  }
0xae: {  	[dreg:$0x2] =	wrdreg s2  }
0xaf: {  	[dreg:$0x3] =	wrdreg s24  }
0xb0: {  	[dreg:$0x4] =	wrdreg $0x82000  }
0xb1: {  	[dreg:$0x5] =	wrdreg $0x9  }
0xb2: {  	_ =	task.clear_ibuf [dreg:s7], $0x6FFFF;
	_ =	strace $0x90000046  }
0xb3: {  	s29 =	simm.s32 $0x9;
	_ =	strace $0x80000048  }
0xb4: {  	_ =	swait.ge [sflag:s29], $0x1  }
0xb5: {  	[sflag:s29] =	ssyncadd.s32 $0xFFFFFFFF  }
0xb6: {  	_ =	strace $0x90000048  }
0xb7: {  	_ =	sfence  }
0xb8: {  	s30 =	sld [smem:$0x0];
	_ =	sdelay $0x2  }
0xb9: {  	s31 =	sshll.u32 s1, $0xD;
	s1 =	sshrl.u32 s1, $0x2  }
0xba: {  	s3 =	sand.u32 $0x4000, s31;
	s1 =	sadd.s32 s1, s30  }
0xbb: {  	s0 =	sor.u32 s3, s0;
	s1 =	sshll.u32 s1, $0x11  }
0xbc: {  	s0 =	sor.u32 s1, s0  }
0xbd: {  	s0 =	sadd.s32 $0x8F2B, s0  }
0xbe: {  	[sflag:s0] =	ssyncadd.remote.s32 $0x1  }
0xbf: {  	_ =	sfence.sel $0xFFFF  }
0xc0: {  	[dreg:$0x0] =	wrdreg $0xFFFFFFFF;
	(pc) =	sbr.abs _section_cstart, $3  }
0xc1: {  	[dreg:$0x1] =	wrdreg $0xFFFFFFFF  }
0xc2: {  	_ =	task.clear_ibuf [dreg:s7], $0x2FFFF;
	_ =	strace $0x9FFFFFFF  }
0xc3: {  	(tm) =	ssettm $0x7FFFFFFF  }
tec
execute0_lowered:
.L_overlay_start_1:
0x0: {  	(tag) =	ssettag $0x1  }
0x1: {  	s1 =	rddreg [dreg:$0x0]  }
0x2: {  	s0 =	rddreg [dreg:$0x1]  }
0x3: {  	s3 =	rddreg [dreg:$0x2]  }
0x4: {  	s4 =	simm.s32 $0x0;
	s2 =	srdreg.scid;
	s10 =	stileid.u32  }
0x5: {  	s28 =	simm.s32 $0x200;
	s29 =	simm.s32 $0x4200;
	s30 =	simm.s32 $0x5  }
0x6: {  	s31 =	simm.s32 $0x4;
	[smem:$0x7FF] =	sst s4;
	s2 =	sand.u32 $0x1, s2  }
0x7: {  	s6 =	sshll.u32 s10, $0x1;
	s5 =	sadd.s32 $0x1600, s0;
	s11 =	smul.u32 $0x50000, s10  }
0x8: {  	s16 =	smul.u32 $0x14000, s10;
	_ =	strace $0x80000047;
	s7 =	sor.u32 s2, s6  }
0x9: {  	s6 =	sadd.s32 $0xB600, s0;
	s8 =	ssub.s32 $0x2, s2;
	s0 =	sadd.s32 $0x15600, s0  }
0xa: {  	s7 =	smul.u32 $0x500, s7;
	s9 =	sshrl.u32 s8, $0x1;
	s22 =	sshrl.u32 s11, $0x2  }
0xb: {  	s23 =	sadd.s32 $0x4000, s16;
	s24 =	sadd.s32 $0x8000, s16;
	s8 =	ssub.s32 s8, s9  }
0xc: {  	s11 =	sadd.s32 s22, s3;
	s13 =	sadd.s32 s24, s3;
	s12 =	sadd.s32 s5, s7  }
0xd: {  	s19 =	sor.u32 $0x10, s7;
	s7 =	sadd.s32 s6, s7;
	[dreg:$0x4] =	wrdreg s12  }
0xe: {  	s22 =	smul.u32 $0xA00, s10;
	[dreg:$0x5] =	wrdreg s7;
	s20 =	sadd.s32 s5, s19  }
0xf: {  	s21 =	sadd.s32 s6, s19;
	s12 =	sadd.s32 s23, s3;
	[dreg:$0x6] =	wrdreg s20  }
0x10: {  	s19 =	sadd.s32 $0xC000, s16;
	[dreg:$0x7] =	wrdreg s21;
	s21 =	smul.u32 $0x140000, s2  }
0x11: {  	s20 =	sadd.s32 $0x10000, s16;
	s14 =	sadd.s32 s19, s3;
	s2 =	smul.u32 $0x500, s2  }
0x12: {  	s15 =	sadd.s32 s20, s3;
	s16 =	sadd.s32 s16, s21;
	s9 =	sadd.s32 s21, s23  }
0x13: {  	s7 =	sadd.s32 s21, s24;
	s25 =	sadd.s32 s21, s19;
	s26 =	sadd.s32 s21, s20  }
0x14: {  	s21 =	smax.u32 s8, $0x1;
	s22 =	sadd.s32 s2, s22;
	s23 =	simm.s32 $0x100  }
0x15: {  	s24 =	simm.s32 $0x80;
	s2 =	simm.s32 $0x2;
	s16 =	sshrl.u32 s16, $0x3  }
0x16: {  	s9 =	sshrl.u32 s9, $0x3;
	s7 =	sshrl.u32 s7, $0x3;
	s16 =	sadd.s32 s0, s16  }
0x17: {  	s9 =	sadd.s32 s0, s9;
	s18 =	sadd.s32 s0, s7;
	[dreg:$0x8] =	wrdreg s16  }
0x18: {  	s7 =	sshrl.u32 s25, $0x3;
	s25 =	simm.s32 $0x180;
	[dreg:$0x9] =	wrdreg s9  }
0x19: {  	s9 =	sshrl.u32 s26, $0x3;
	s19 =	sadd.s32 s0, s7;
	s26 =	simm.s32 $0x3  }
0x1a: {  	v0 =	vimm.f32 $0.0e+00;
	s7 =	simm.s32 $0x0;
	s20 =	sadd.s32 s0, s9;
	s0 =	simm.s32 $0x1  }
.LBB2_1:
0x1b: {  	s8 =	rddreg [dreg:$0x4]  }
0x1c: {  	[tilespmem:s4], [sflag:$0x3] =	stream.linear.gather [hbm4b:s8+s4], $0x80, $0x38;
	[tilespmem:$0x1C200] =	vst v63  }
0x1d: {  	s10 =	rddreg [dreg:$0x5]  }
0x1e: {  	[tilespmem:s23], [sflag:$0x3] =	stream.linear.gather [hbm4b:s10+s4], $0x80, $0x38;
	[tilespmem:$0x1C200] =	vst v63  }
0x1f: {  	s16 =	rddreg [dreg:$0x6]  }
0x20: {  	[tilespmem:s24], [sflag:$0x4] =	stream.linear.gather [hbm4b:s16+s4], $0x80, $0x38;
	[tilespmem:$0x1C200] =	vst v63  }
0x21: {  	s17 =	rddreg [dreg:$0x7]  }
0x22: {  	[tilespmem:s25], [sflag:$0x4] =	stream.linear.gather [hbm4b:s17+s4], $0x80, $0x38;
	[tilespmem:$0x1C200] =	vst v63  }
0x23: {  	_ =	swait.ge [sflag:s26], $0x80  }
0x24: {  	[sflag:s26] =	ssyncset.done $0x0  }
0x25: {  	[sflag:s26] =	ssyncadd.s32 $0xFFFFFF80  }
0x26: {  	_ =	swait.ge [sflag:s26], $0x80  }
0x27: {  	[sflag:s26] =	ssyncset.done $0x0  }
0x28: {  	s9 =	simm.s32 $0x200;
	s8 =	simm.s32 $0x0;
	[sflag:s26] =	ssyncadd.s32 $0xFFFFFF80  }
0x29: {  	[tilespmem:s28], [sflag:$0x1] =	stream.indirect.gather [hbm4b:s1+s24], $0x80, s4, s24, $0xb8;
	[tilespmem:$0x1C200] =	vst v63  }
.LBB2_2:
0x2a: {  	p0 =	sne.s32 s9, $0xFE00;
	[tilespmem:s8+$0x4270] =	vst v0  }
0x2b: {  	[tilespmem:s8+$0x4200] =	vst v0  }
0x2c: {  	[tilespmem:s8+$0x4210] =	vst v0  }
.Ltmp0:
0x2d: {  	[tilespmem:s8+$0x4220] =	vst v0;
	(pc) =	sbr.rel @p0 .LBB2_2-.Ltmp0, $4  }
0x2e: {  	[tilespmem:s8+$0x4230] =	vst v0  }
0x2f: {  	[tilespmem:s8+$0x4240] =	vst v0  }
0x30: {  	[tilespmem:s8+$0x4250] =	vst v0  }
0x31: {  	[tilespmem:s8+$0x4260] =	vst v0;
	s8 =	sshra.s32 s9, $0x2;
	s9 =	sadd.s32 $0x200, s9  }
0x32: {  	[tilespmem:s8+$0x4270] =	vst v0  }
0x33: {  	[tilespmem:s8+$0x4200] =	vst v0  }
0x34: {  	[tilespmem:s8+$0x4210] =	vst v0  }
0x35: {  	[tilespmem:s8+$0x4220] =	vst v0  }
0x36: {  	[tilespmem:s8+$0x4230] =	vst v0  }
0x37: {  	[tilespmem:s8+$0x4240] =	vst v0  }
0x38: {  	[tilespmem:s8+$0x4250] =	vst v0  }
0x39: {  	[tilespmem:s8+$0x4260] =	vst v0  }
0x3a: {  	[spmem:s11] =	stream.linear.scatter [tilespmem:s29], [sflag:$0x5], $0x4000, $0x38;
	[tilespmem:$0x1C200] =	vst v63  }
0x3b: {  	_ =	swait.ge [sflag:s30], $0x4000  }
0x3c: {  	[sflag:s30] =	ssyncset.done $0x0  }
0x3d: {  	[sflag:s30] =	ssyncadd.s32 $0xFFFFC000  }
0x3e: {  	[spmem:s12] =	stream.linear.scatter [tilespmem:s29], [sflag:$0x5], $0x4000, $0x38;
	[tilespmem:$0x1C200] =	vst v63  }
0x3f: {  	_ =	swait.ge [sflag:s30], $0x4000  }
0x40: {  	[sflag:s30] =	ssyncset.done $0x0  }
0x41: {  	[sflag:s30] =	ssyncadd.s32 $0xFFFFC000  }
0x42: {  	[spmem:s13] =	stream.linear.scatter [tilespmem:s29], [sflag:$0x5], $0x4000, $0x38;
	[tilespmem:$0x1C200] =	vst v63  }
0x43: {  	_ =	swait.ge [sflag:s30], $0x4000  }
0x44: {  	[sflag:s30] =	ssyncset.done $0x0  }
0x45: {  	[sflag:s30] =	ssyncadd.s32 $0xFFFFC000  }
0x46: {  	[spmem:s14] =	stream.linear.scatter [tilespmem:s29], [sflag:$0x5], $0x4000, $0x38;
	[tilespmem:$0x1C200] =	vst v63  }
0x47: {  	_ =	swait.ge [sflag:s30], $0x4000  }
0x48: {  	[sflag:s30] =	ssyncset.done $0x0  }
0x49: {  	[sflag:s30] =	ssyncadd.s32 $0xFFFFC000  }
0x4a: {  	[spmem:s15] =	stream.linear.scatter [tilespmem:s29], [sflag:$0x5], $0x4000, $0x38;
	[tilespmem:$0x1C200] =	vst v63  }
0x4b: {  	_ =	swait.ge [sflag:s30], $0x4000  }
0x4c: {  	[sflag:s30] =	ssyncset.done $0x0  }
0x4d: {  	[sflag:s30] =	ssyncadd.s32 $0xFFFFC000  }
0x4e: {  	[bflag:$0x0] =	sbarrier.arrive $0xFFFF  }
0x4f: {  	_ =	swait.ge [sflag:s31], $0x80  }
0x50: {  	[sflag:s31] =	ssyncset.done $0x0  }
0x51: {  	[sflag:s31] =	ssyncadd.s32 $0xFFFFFF80  }
0x52: {  	_ =	swait.ge [sflag:s31], $0x80  }
0x53: {  	[sflag:s31] =	ssyncset.done $0x0  }
0x54: {  	[sflag:s31] =	ssyncadd.s32 $0xFFFFFF80  }
0x55: {  	[tilespmem:s29], [sflag:$0x2] =	stream.indirect.gather [hbm4b:s1+s24], $0x80, s24, s24, $0xb8;
	[tilespmem:$0x1C200] =	vst v63  }
0x56: {  	_ =	swait.ge [sflag:s0], $0x4000  }
0x57: {  	s16 =	sadd.s32 $0x30, s22;
	[sflag:s0] =	ssyncset.done $0x0  }
0x58: {  	s9 =	simm.s32 $0x20;
	s10 =	sadd.s32 $0xFFFFFFF0, s16;
	[sflag:s0] =	ssyncadd.s32 $0xFFFFC000  }
0x59: {  	[spmem:s3] =	stream.indirect.scatter.add.f32 [tilespmem:s28], [sflag:$0x5], $0x80, s23, s24, $0xb8;
	[tilespmem:$0x1C200] =	vst v63  }
0x5a: {  	s9 =	sand.u32 $0x60, s9;
	s10 =	sand.u32 $0xFFFFF80, s10;
	_ =	swait.ge [sflag:s30], $0x4000  }
0x5b: {  	s9 =	sor.u32 s9, s10;
	[sflag:s30] =	ssyncset.done $0x0  }
0x5c: {  	s10 =	sadd.s32 s5, s9;
	[sflag:s30] =	ssyncadd.s32 $0xFFFFC000  }
0x5d: {  	[tilespmem:s4], [sflag:$0x3] =	stream.linear.gather [hbm4b:s10+s4], $0x80, $0x38;
	[tilespmem:$0x1C200] =	vst v63  }
0x5e: {  	s9 =	sadd.s32 s6, s9  }
0x5f: {  	[tilespmem:s23], [sflag:$0x3] =	stream.linear.gather [hbm4b:s9+s4], $0x80, $0x38;
	[tilespmem:$0x1C200] =	vst v63  }
0x60: {  	_ =	swait.ge [sflag:s26], $0x80  }
0x61: {  	[sflag:s26] =	ssyncset.done $0x0  }
0x62: {  	[sflag:s26] =	ssyncadd.s32 $0xFFFFFF80  }
0x63: {  	_ =	swait.ge [sflag:s26], $0x80  }
0x64: {  	[sflag:s26] =	ssyncset.done $0x0  }
0x65: {  	[sflag:s26] =	ssyncadd.s32 $0xFFFFFF80  }
0x66: {  	[tilespmem:s28], [sflag:$0x1] =	stream.indirect.gather [hbm4b:s1+s24], $0x80, s4, s24, $0xb8;
	[tilespmem:$0x1C200] =	vst v63  }
0x67: {  	_ =	swait.ge [sflag:s2], $0x4000  }
0x68: {  	[sflag:s2] =	ssyncset.done $0x0  }
0x69: {  	s17 =	simm.s32 $0x30;
	[sflag:s2] =	ssyncadd.s32 $0xFFFFC000  }
0x6a: {  	[spmem:s3] =	stream.indirect.scatter.add.f32 [tilespmem:s29], [sflag:$0x5], $0x80, s25, s24, $0xb8;
	[tilespmem:$0x1C200] =	vst v63  }
0x6b: {  	s8 =	sand.u32 $0xFFFFF80, s16;
	s9 =	sand.u32 $0x70, s17;
	_ =	swait.ge [sflag:s30], $0x4000  }
0x6c: {  	s9 =	sor.u32 s9, s8;
	[sflag:s30] =	ssyncset.done $0x0  }
0x6d: {  	s8 =	sadd.s32 s5, s9;
	[sflag:s30] =	ssyncadd.s32 $0xFFFFC000  }
0x6e: {  	[tilespmem:s24], [sflag:$0x4] =	stream.linear.gather [hbm4b:s8+s4], $0x80, $0x38;
	[tilespmem:$0x1C200] =	vst v63  }
0x6f: {  	s9 =	sadd.s32 s6, s9;
	s8 =	simm.s32 $0x50  }
.LBB2_4:
0x70: {  	p0 =	sne.s32 s8, $0x4F0;
	s10 =	smov.u32 s8;
	s8 =	sadd.s32 $0x20, s8  }
0x71: {  	[tilespmem:s25], [sflag:$0x4] =	stream.linear.gather [hbm4b:s9+s4], $0x80, $0x38;
	[tilespmem:$0x1C200] =	vst v63  }
0x72: {  	_ =	swait.ge [sflag:s31], $0x80  }
0x73: {  	[sflag:s31] =	ssyncset.done $0x0  }
0x74: {  	[sflag:s31] =	ssyncadd.s32 $0xFFFFFF80  }
0x75: {  	_ =	swait.ge [sflag:s31], $0x80  }
0x76: {  	[sflag:s31] =	ssyncset.done $0x0  }
0x77: {  	[sflag:s31] =	ssyncadd.s32 $0xFFFFFF80  }
0x78: {  	[tilespmem:s29], [sflag:$0x2] =	stream.indirect.gather [hbm4b:s1+s24], $0x80, s24, s24, $0xb8;
	[tilespmem:$0x1C200] =	vst v63  }
0x79: {  	_ =	swait.ge [sflag:s0], $0x4000  }
0x7a: {  	s9 =	sand.u32 $0x70, s10;
	[sflag:s0] =	ssyncset.done $0x0  }
0x7b: {  	s16 =	sadd.s32 s10, s22;
	s10 =	sadd.s32 $0xFFFFFFF0, s10;
	[sflag:s0] =	ssyncadd.s32 $0xFFFFC000  }
0x7c: {  	[spmem:s3] =	stream.indirect.scatter.add.f32 [tilespmem:s28], [sflag:$0x5], $0x80, s23, s24, $0xb8;
	[tilespmem:$0x1C200] =	vst v63  }
0x7d: {  	s17 =	sadd.s32 $0xFFFFFFF0, s16;
	s10 =	sand.u32 $0x60, s10;
	_ =	swait.ge [sflag:s30], $0x4000  }
0x7e: {  	s16 =	sand.u32 $0xFFFFF80, s16;
	s17 =	sand.u32 $0xFFFFF80, s17;
	[sflag:s30] =	ssyncset.done $0x0  }
0x7f: {  	s9 =	sor.u32 s9, s16;
	s10 =	sor.u32 s10, s17;
	[sflag:s30] =	ssyncadd.s32 $0xFFFFC000  }
0x80: {  	s16 =	sadd.s32 s5, s10;
	s10 =	sadd.s32 s6, s10  }
0x81: {  	[tilespmem:s4], [sflag:$0x3] =	stream.linear.gather [hbm4b:s16+s4], $0x80, $0x38;
	[tilespmem:$0x1C200] =	vst v63  }
0x82: {  	_ = 	snop  }
0x83: {  	[tilespmem:s23], [sflag:$0x3] =	stream.linear.gather [hbm4b:s10+s4], $0x80, $0x38;
	[tilespmem:$0x1C200] =	vst v63  }
0x84: {  	_ =	swait.ge [sflag:s26], $0x80  }
0x85: {  	[sflag:s26] =	ssyncset.done $0x0  }
0x86: {  	[sflag:s26] =	ssyncadd.s32 $0xFFFFFF80  }
0x87: {  	_ =	swait.ge [sflag:s26], $0x80  }
0x88: {  	[sflag:s26] =	ssyncset.done $0x0  }
0x89: {  	[sflag:s26] =	ssyncadd.s32 $0xFFFFFF80  }
0x8a: {  	[tilespmem:s28], [sflag:$0x1] =	stream.indirect.gather [hbm4b:s1+s24], $0x80, s4, s24, $0xb8;
	[tilespmem:$0x1C200] =	vst v63  }
0x8b: {  	_ =	swait.ge [sflag:s2], $0x4000  }
0x8c: {  	[sflag:s2] =	ssyncset.done $0x0  }
0x8d: {  	[sflag:s2] =	ssyncadd.s32 $0xFFFFC000  }
0x8e: {  	[spmem:s3] =	stream.indirect.scatter.add.f32 [tilespmem:s29], [sflag:$0x5], $0x80, s25, s24, $0xb8;
	[tilespmem:$0x1C200] =	vst v63  }
.Ltmp1:
0x8f: {  	_ = 	snop;
	(pc) =	sbr.rel @p0 .LBB2_4-.Ltmp1, $4  }
0x90: {  	_ =	swait.ge [sflag:s30], $0x4000  }
0x91: {  	s10 =	sadd.s32 s5, s9;
	[sflag:s30] =	ssyncset.done $0x0  }
0x92: {  	s9 =	sadd.s32 s6, s9;
	[sflag:s30] =	ssyncadd.s32 $0xFFFFC000  }
0x93: {  	[tilespmem:s24], [sflag:$0x4] =	stream.linear.gather [hbm4b:s10+s4], $0x80, $0x38;
	[tilespmem:$0x1C200] =	vst v63  }
0x94: {  	[tilespmem:s25], [sflag:$0x4] =	stream.linear.gather [hbm4b:s9+s4], $0x80, $0x38;
	[tilespmem:$0x1C200] =	vst v63  }
0x95: {  	_ =	swait.ge [sflag:s31], $0x80  }
0x96: {  	[sflag:s31] =	ssyncset.done $0x0  }
0x97: {  	[sflag:s31] =	ssyncadd.s32 $0xFFFFFF80  }
0x98: {  	_ =	swait.ge [sflag:s31], $0x80  }
0x99: {  	[sflag:s31] =	ssyncset.done $0x0  }
0x9a: {  	[sflag:s31] =	ssyncadd.s32 $0xFFFFFF80  }
0x9b: {  	[tilespmem:s29], [sflag:$0x2] =	stream.indirect.gather [hbm4b:s1+s24], $0x80, s24, s24, $0xb8;
	[tilespmem:$0x1C200] =	vst v63  }
0x9c: {  	_ =	swait.ge [sflag:s0], $0x4000  }
0x9d: {  	[sflag:s0] =	ssyncset.done $0x0  }
0x9e: {  	[sflag:s0] =	ssyncadd.s32 $0xFFFFC000  }
0x9f: {  	[spmem:s3] =	stream.indirect.scatter.add.f32 [tilespmem:s28], [sflag:$0x5], $0x80, s23, s24, $0xb8;
	[tilespmem:$0x1C200] =	vst v63  }
0xa0: {  	_ =	swait.ge [sflag:s30], $0x4000  }
0xa1: {  	[sflag:s30] =	ssyncset.done $0x0  }
0xa2: {  	[sflag:s30] =	ssyncadd.s32 $0xFFFFC000  }
0xa3: {  	_ =	swait.ge [sflag:s2], $0x4000  }
0xa4: {  	[sflag:s2] =	ssyncset.done $0x0  }
0xa5: {  	[sflag:s2] =	ssyncadd.s32 $0xFFFFC000  }
0xa6: {  	[spmem:s3] =	stream.indirect.scatter.add.f32 [tilespmem:s29], [sflag:$0x5], $0x80, s25, s24, $0xb8;
	[tilespmem:$0x1C200] =	vst v63  }
0xa7: {  	_ =	swait.ge [sflag:s30], $0x4000  }
0xa8: {  	[sflag:s30] =	ssyncset.done $0x0  }
0xa9: {  	[sflag:s30] =	ssyncadd.s32 $0xFFFFC000  }
0xaa: {  	[bflag:$0x0] =	sbarrier.arrive $0xFFFF  }
0xab: {  	[tilespmem:s28], [sflag:$0x5] =	stream.linear.gather [spmem:s11], $0x4000, $0x38;
	[tilespmem:$0x1C200] =	vst v63  }
0xac: {  	_ =	swait.ge [sflag:s30], $0x4000  }
0xad: {  	[sflag:s30] =	ssyncset.done $0x0  }
0xae: {  	s8 =	rddreg [dreg:$0x8];
	[sflag:s30] =	ssyncadd.s32 $0xFFFFC000  }
0xaf: {  	[hbm4b:s8+s4] =	stream.linear.scatter [tilespmem:s28], [sflag:$0x1], $0x4000, $0x38;
	[tilespmem:$0x1C200] =	vst v63  }
0xb0: {  	_ = 	snop  }
0xb1: {  	[tilespmem:s29], [sflag:$0x5] =	stream.linear.gather [spmem:s12], $0x4000, $0x38;
	[tilespmem:$0x1C200] =	vst v63  }
0xb2: {  	_ =	swait.ge [sflag:s30], $0x4000  }
0xb3: {  	[sflag:s30] =	ssyncset.done $0x0  }
0xb4: {  	s17 =	rddreg [dreg:$0x9];
	[sflag:s30] =	ssyncadd.s32 $0xFFFFC000  }
0xb5: {  	[hbm4b:s17+s4] =	stream.linear.scatter [tilespmem:s29], [sflag:$0x2], $0x4000, $0x38;
	[tilespmem:$0x1C200] =	vst v63  }
0xb6: {  	_ =	swait.ge [sflag:s0], $0x4000  }
0xb7: {  	[sflag:s0] =	ssyncset.done $0x0  }
0xb8: {  	[sflag:s0] =	ssyncadd.s32 $0xFFFFC000  }
0xb9: {  	[tilespmem:s28], [sflag:$0x5] =	stream.linear.gather [spmem:s13], $0x4000, $0x38;
	[tilespmem:$0x1C200] =	vst v63  }
0xba: {  	_ =	swait.ge [sflag:s30], $0x4000  }
0xbb: {  	[sflag:s30] =	ssyncset.done $0x0  }
0xbc: {  	[sflag:s30] =	ssyncadd.s32 $0xFFFFC000  }
0xbd: {  	[hbm4b:s18+s4] =	stream.linear.scatter [tilespmem:s28], [sflag:$0x1], $0x4000, $0x38;
	[tilespmem:$0x1C200] =	vst v63  }
0xbe: {  	_ =	swait.ge [sflag:s2], $0x4000  }
0xbf: {  	[sflag:s2] =	ssyncset.done $0x0  }
0xc0: {  	[sflag:s2] =	ssyncadd.s32 $0xFFFFC000  }
0xc1: {  	[tilespmem:s29], [sflag:$0x5] =	stream.linear.gather [spmem:s14], $0x4000, $0x38;
	[tilespmem:$0x1C200] =	vst v63  }
0xc2: {  	_ =	swait.ge [sflag:s30], $0x4000  }
0xc3: {  	[sflag:s30] =	ssyncset.done $0x0  }
0xc4: {  	[sflag:s30] =	ssyncadd.s32 $0xFFFFC000  }
0xc5: {  	[hbm4b:s19+s4] =	stream.linear.scatter [tilespmem:s29], [sflag:$0x2], $0x4000, $0x38;
	[tilespmem:$0x1C200] =	vst v63  }
0xc6: {  	_ =	swait.ge [sflag:s0], $0x4000  }
0xc7: {  	[sflag:s0] =	ssyncset.done $0x0  }
0xc8: {  	[sflag:s0] =	ssyncadd.s32 $0xFFFFC000  }
0xc9: {  	[tilespmem:s28], [sflag:$0x5] =	stream.linear.gather [spmem:s15], $0x4000, $0x38;
	[tilespmem:$0x1C200] =	vst v63  }
0xca: {  	_ =	swait.ge [sflag:s30], $0x4000  }
0xcb: {  	[sflag:s30] =	ssyncset.done $0x0  }
0xcc: {  	s7 =	sadd.s32 $0x1, s7;
	[sflag:s30] =	ssyncadd.s32 $0xFFFFC000  }
0xcd: {  	[hbm4b:s20+s4] =	stream.linear.scatter [tilespmem:s28], [sflag:$0x1], $0x4000, $0x38;
	[tilespmem:$0x1C200] =	vst v63  }
0xce: {  	p0 =	sne.s32 s7, s21;
	_ =	swait.ge [sflag:s0], $0x4000  }
.Ltmp2:
0xcf: {  	[sflag:s0] =	ssyncset.done $0x0;
	(pc) =	sbr.rel @p0 .LBB2_1-.Ltmp2, $4  }
0xd0: {  	[sflag:s0] =	ssyncadd.s32 $0xFFFFC000  }
0xd1: {  	_ =	swait.ge [sflag:s2], $0x4000  }
0xd2: {  	[sflag:s2] =	ssyncset.done $0x0  }
0xd3: {  	[sflag:s2] =	ssyncadd.s32 $0xFFFFC000  }
0xd4: {  	_ =	sfence.sel $0x180000  }
0xd5: {  	[bflag:$0x0] =	sbarrier.arrive $0xFFFF  }
0xd6: {  	_ =	strace $0x90000047  }
0xd7: {  	s0 =	stileid.u32;
	[bflag:$0x2] =	sbarrier.arrive $0xFFFF  }
0xd8: {  	p0 =	sne.s32 s0, $0x0;
	s0 =	rddreg [dreg:$0x3]  }
0xd9: {  	s0 =	sadd.s32 @!p0 $0x100000, s0  }
0xda: {  	[sflag:s0] =	ssyncadd.tile.s32 @!p0 $0x1;
	_ =	shalt  }
.Lfunc_end2:
_tile_overlayer_lowered:
.L_overlay_start_2:
0xdb: {  	(tag) =	ssettag $0x2  }
0xdc: {  	s0 =	rddreg [dreg:$0x0];
	s2 =	stileid.u32  }
0xdd: {  	s1 =	rddreg [dreg:$0x1];
	p0 =	sne.s32 s2, $0x0  }
0xde: {  	s3 =	rddreg [dreg:$0x2];
	[bflag:$0x3] =	sbarrier.arrive $0xFFFF;
	s2 =	simm.s32 @!p0 $0x1C05  }
0xdf: {  	[timem:s3], [sflag:s2] =	dma.local @!p0 [hbm:s0], s1  }
0xe0: {  	s0 =	simm.s32 @!p0 $0x5  }
0xe1: {  	_ =	swait.ge @!p0 [sflag:s0], s1  }
0xe2: {  	s1 =	ssub.s32 @!p0 $0x0, s1;
	[sflag:s0] =	ssyncset.done @!p0 $0x0  }
0xe3: {  	[sflag:s0] =	ssyncadd.s32 @!p0 s1  }
0xe4: {  	[bflag:$0x3] =	sbarrier.arrive $0xFFFF  }
0xe5: {  	_ =	shalt  }

// kernel: kernel.9.cloned.1.call-start
scs
__scs_entry_jumppad:
0x0: {  	(pc) =	sbr.rel $0x88, $3  }
0x1: {  	(tag) =	ssettag $0x0;
	lr =	simm.s32 $0x1  }
0x2: {  	[smem:$0x3F97] =	sst lr;
	_ =	strace $0xD0000000  }
0x3: {  	_ = 	snop  }
0x4: {  	_ = 	snop  }
0x5: {  	_ = 	snop  }
0x6: {  	_ = 	snop  }
0x7: {  	_ = 	snop  }
__scs_overlays_trampoline_lowered:
0x8: {  	[smem:$0x3FA6] =	sst s0  }
0x9: {  	[smem:$0x3FA7] =	sst s1  }
0xa: {  	[smem:$0x3FA8] =	sst s2  }
0xb: {  	[smem:$0x3FA9] =	sst s3  }
0xc: {  	[smem:$0x3FAA] =	sst s4  }
0xd: {  	[smem:$0x3FAB] =	sst s5  }
0xe: {  	[smem:$0x3FAC] =	sst s6  }
0xf: {  	[smem:$0x3FAD] =	sst s7  }
0x10: {  	[smem:$0x3FAE] =	sst s8  }
0x11: {  	[smem:$0x3FAF] =	sst s9;
	s0 =	simm.s32 @!p0 $0x0  }
0x12: {  	s1 =	sld [smem:$0x3F95];
	s0 =	simm.s32 @p0 $0x1  }
0x13: {  	[smem:$0x3FB0] =	sst s0;
	s0 =	simm.s32 @!p1 $0x0  }
0x14: {  	s2 =	sld [smem:$0x3F94];
	s0 =	simm.s32 @p1 $0x1  }
0x15: {  	[smem:$0x3FB1] =	sst s0;
	s0 =	simm.s32 @!p2 $0x0  }
0x16: {  	s3 =	sld [smem:$0x3FDB];
	s0 =	simm.s32 @p2 $0x1  }
0x17: {  	s4 =	simm.s32 $0x1BF5;
	[smem:$0x3FB3] =	sst s0  }
0x18: {  	s0 =	sld [smem:$0x3F96];
	_ =	swait.ge [sflag:s4], $0x0  }
0x19: {  	s7 =	sld [smem:$0x3F97]  }
0x1a: {  	s8 =	sadd.s32 $0xFFFFE003, lr  }
0x1b: {  	s9 =	sadd.s32 $0xFFFFFEF7, lr;
	s5 =	simm.s32 $0xFFFFFFFF;
	p2 =	slt.u32 s8, $0xFFFFF086  }
0x1c: {  	p1 =	slt.u32 s9, $0xF7A;
	s5 =	simm.s32 @!p2 $0x0  }
0x1d: {  	s5 =	simm.s32 @p1 $0x1;
	p0 =	seq.s32 s7, s2  }
0x1e: {  	s7 =	smul.u32 @!p0 $0xF7A, s2;
	p2 =	seq.s32 @!p0 s5, $0x0  }
0x1f: {  	s9 =	smul.u32 $0xF7A, s1;
	s8 =	simm.s32 @!p0 $0x1BF5;
	p2 =	por !p2, p0  }
0x20: {  	[sflag:s8] =	ssyncset.s32 @!p0 $0xFFFFF086;
	s6 =	sadd.s32 @!p0 s3, s7;
	s7 =	simm.s32 @!p0 $0x108  }
0x21: {  	s3 =	sadd.s32 s3, s9;
	s6 =	sadd.s32 @!p0 $0x88, s6;
	s7 =	simm.s32 @p2 $0x1082  }
0x22: {  	[simem:s7], [sflag:s8] =	dma.local @!p0 [hbm:s6], $0xF7A  }
0x23: {  	s9 =	sor.u32 $0xD0000000, s2;
	s6 =	simm.s32 $0x108;
	_ =	swait.ge @!p0 [sflag:s8], $0x0  }
0x24: {  	s3 =	sadd.s32 $0x88, s3;
	s6 =	simm.s32 @!p1 $0x1082;
	[sflag:s4] =	ssyncset.s32 $0xFFFFF086  }
0x25: {  	[simem:s6], [sflag:s4] =	dma.local [hbm:s3], $0xF7A  }
0x26: {  	[smem:$0x3F97] =	sst s1;
	(tag) =	ssettag s2;
	_ =	strace s9  }
0x27: {  	s1 =	sld [smem:$0x3FA7]  }
0x28: {  	s2 =	sld [smem:$0x3FA8]  }
0x29: {  	s4 =	sld [smem:$0x3FAA]  }
0x2a: {  	p0 =	seq.s32 s5, $0x0;
	s5 =	sld [smem:$0x3FAB]  }
0x2b: {  	s6 =	sld [smem:$0x3FAC]  }
0x2c: {  	s7 =	sld [smem:$0x3FAD]  }
0x2d: {  	s3 =	simm.s32 $0x108;
	s8 =	sld [smem:$0x3FAE]  }
0x2e: {  	s3 =	simm.s32 @!p0 $0x1082;
	s9 =	sld [smem:$0x3FAF]  }
0x2f: {  	lr =	sadd.s32 s0, s3;
	s0 =	sld [smem:$0x3FA6]  }
0x30: {  	s3 =	sld [smem:$0x3FA9]  }
0x31: {  	[smem:$0x3FB2] =	sst s10  }
0x32: {  	s10 =	sld [smem:$0x3FB0];
	_ =	sdelay $0x3  }
0x33: {  	p0 =	seq.s32 s10, $0x1;
	s10 =	sld [smem:$0x3FB2];
	_ =	sdelay $0x3  }
0x34: {  	[smem:$0x3FB2] =	sst s10  }
0x35: {  	s10 =	sld [smem:$0x3FB1];
	_ =	sdelay $0x3  }
0x36: {  	p1 =	seq.s32 s10, $0x1;
	s10 =	sld [smem:$0x3FB2];
	_ =	sdelay $0x3  }
0x37: {  	[smem:$0x3FB2] =	sst s10  }
0x38: {  	s10 =	sld [smem:$0x3FB3]  }
0x39: {  	_ = 	snop;
	(pc) =	sbr.ind lr, $3  }
0x3a: {  	_ = 	snop  }
0x3b: {  	_ = 	snop  }
0x3c: {  	p2 =	seq.s32 s10, $0x1;
	s10 =	sld [smem:$0x3FB2]  }
0x3d: {  	_ =	shalt  }
0x3e: {  	_ =	shalt  }
0x3f: {  	_ =	shalt  }
0x40: {  	_ =	shalt  }
0x41: {  	_ =	shalt  }
0x42: {  	_ =	shalt  }
0x43: {  	_ =	shalt  }
0x44: {  	_ =	shalt  }
0x45: {  	_ =	shalt  }
0x46: {  	_ =	shalt  }
0x47: {  	_ =	shalt  }
0x48: {  	_ =	shalt  }
0x49: {  	_ =	shalt  }
0x4a: {  	_ =	shalt  }
0x4b: {  	_ =	shalt  }
0x4c: {  	_ =	shalt  }
0x4d: {  	_ =	shalt  }
0x4e: {  	_ =	shalt  }
0x4f: {  	_ =	shalt  }
0x50: {  	_ =	shalt  }
0x51: {  	_ =	shalt  }
0x52: {  	_ =	shalt  }
0x53: {  	_ =	shalt  }
0x54: {  	_ =	shalt  }
0x55: {  	_ =	shalt  }
0x56: {  	_ =	shalt  }
0x57: {  	_ =	shalt  }
0x58: {  	_ =	shalt  }
0x59: {  	_ =	shalt  }
0x5a: {  	_ =	shalt  }
0x5b: {  	_ =	shalt  }
0x5c: {  	_ =	shalt  }
0x5d: {  	_ =	shalt  }
0x5e: {  	_ =	shalt  }
0x5f: {  	_ =	shalt  }
0x60: {  	_ =	shalt  }
0x61: {  	_ =	shalt  }
0x62: {  	_ =	shalt  }
0x63: {  	_ =	shalt  }
0x64: {  	_ =	shalt  }
0x65: {  	_ =	shalt  }
0x66: {  	_ =	shalt  }
0x67: {  	_ =	shalt  }
0x68: {  	_ =	shalt  }
0x69: {  	_ =	shalt  }
0x6a: {  	_ =	shalt  }
0x6b: {  	_ =	shalt  }
0x6c: {  	_ =	shalt  }
0x6d: {  	_ =	shalt  }
0x6e: {  	_ =	shalt  }
0x6f: {  	_ =	shalt  }
0x70: {  	_ =	shalt  }
0x71: {  	_ =	shalt  }
0x72: {  	_ =	shalt  }
0x73: {  	_ =	shalt  }
0x74: {  	_ =	shalt  }
0x75: {  	_ =	shalt  }
0x76: {  	_ =	shalt  }
0x77: {  	_ =	shalt  }
0x78: {  	_ =	shalt  }
0x79: {  	_ =	shalt  }
0x7a: {  	_ =	shalt  }
0x7b: {  	_ =	shalt  }
0x7c: {  	_ =	shalt  }
0x7d: {  	_ =	shalt  }
0x7e: {  	_ =	shalt  }
0x7f: {  	_ =	shalt  }
0x80: {  	_ =	shalt  }
0x81: {  	_ =	shalt  }
0x82: {  	_ =	shalt  }
0x83: {  	_ =	shalt  }
0x84: {  	_ =	shalt  }
0x85: {  	_ =	shalt  }
0x86: {  	_ =	shalt  }
0x87: {  	_ =	shalt  }
.Lfunc_end0:
.L_simem_size_0:
called_computation.1_lowered:
.L_overlay_start_0:
0x88: {  	s2 =	sld [smem:$0x3FD9]  }
0x89: {  	s3 =	sld [smem:$0x3FFE];
	_ =	sdelay $0x1  }
0x8a: {  	s1 =	srdreg.scid  }
0x8b: {  	s0 =	sand.u32 $0x1, s1  }
0x8c: {  	s16 =	sshll.u32 s0, $0xA;
	s2 =	sadd.s32 s3, s2  }
0x8d: {  	s2 =	sadd.s32 s2, s16  }
0x8e: {  	[smem:$0x3FBE] =	sst s2  }
0x8f: {  	_ = 	snop  }
0x90: {  	(tm) =	ssettm $0x1  }
0x91: {  	s17 =	sld [smem:$0x3FFB];
	_ =	sdelay $0x3  }
0x92: {  	_ =	strace s17  }
0x93: {  	s2 =	sld [smem:$0x3FFC];
	_ =	sdelay $0x3  }
0x94: {  	_ =	strace s2  }
0x95: {  	s2 =	sld [smem:$0x3FFD];
	_ =	sdelay $0x3  }
0x96: {  	_ =	strace s2  }
0x97: {  	_ =	strace $0x8FFFFFFF  }
0x98: {  	s18 =	sld [smem:$0x3FDB];
	_ =	sdelay $0x1  }
0x99: {  	s19 =	simm.s32 $_scs_section_size  }
0x9a: {  	s4 =	simm.s32 $_size__tile_overlayer_lowered;
	s5 =	simm.s32 $_tile_overlayer_lowered  }
0x9b: {  	s22 =	simm.s32 $0x1BFF;
	s21 =	sshll.u32 s5, $0x1;
	s2 =	sadd.s32 s19, s18  }
0x9c: {  	s6 =	simm.s32 $0x0;
	s20 =	sshll.u32 s4, $0x1;
	s4 =	sadd.s32 s21, s2  }
0x9d: {  	[timem:s6], [sflag:s22] =	dma.local [hbm:s4], s20  }
0x9e: {  	_ =	swait.ge [sflag:s22], s20  }
0x9f: {  	s3 =	ssub.s32 $0x0, s20;
	[sflag:s22] =	ssyncset.done $0x0  }
0xa0: {  	[sflag:s22] =	ssyncadd.s32 s3;
	_ =	sdelay $0x1  }
0xa1: {  	s23 =	simm.s32 $0x1B8B  }
0xa2: {  	_ =	swait.ge [sflag:s23], $0x1  }
0xa3: {  	[sflag:s23] =	ssyncset.done $0x0  }
0xa4: {  	s25 =	simm.s32 $0x1B8E;
	s24 =	sld [smem:$0x3FFE];
	[sflag:s23] =	ssyncadd.s32 $0xFFFFFFFF  }
0xa5: {  	s26 =	simm.s32 $execute0_lowered;
	[smem:$0x3FD2] =	sst s25  }
0xa6: {  	s4 =	sshll.u32 s26, $0x1;
	_ =	strace $0x80000049;
	[dreg:$0x1] =	wrdreg $0xFFFFFFFF  }
0xa7: {  	s28 =	simm.s32 $_size_execute0_lowered;
	s2 =	sadd.s32 s2, s4;
	[dreg:$0x0] =	wrdreg $0x0  }
0xa8: {  	s4 =	sshll.u32 s28, $0x1;
	[dreg:$0x2] =	wrdreg s2  }
0xa9: {  	[dreg:$0x3] =	wrdreg s4  }
0xaa: {  	[dreg:$0x4] =	wrdreg $0xC0  }
0xab: {  	_ =	task [dreg:s6], $0x5FFFF  }
0xac: {  	[dreg:$0x1] =	wrdreg $0xFFFFFFFF  }
0xad: {  	[dreg:$0x0] =	wrdreg $0x60  }
0xae: {  	[dreg:$0x2] =	wrdreg s24  }
0xaf: {  	[dreg:$0x3] =	wrdreg $0x82000  }
0xb0: {  	[dreg:$0x4] =	wrdreg $0x9  }
0xb1: {  	_ =	task.clear_ibuf [dreg:s6], $0x5FFFF;
	_ =	strace $0x90000049  }
0xb2: {  	s29 =	simm.s32 $0x9;
	_ =	strace $0x8000004B  }
0xb3: {  	_ =	swait.ge [sflag:s29], $0x1  }
0xb4: {  	[sflag:s29] =	ssyncadd.s32 $0xFFFFFFFF  }
0xb5: {  	_ =	strace $0x9000004B  }
0xb6: {  	_ =	sfence  }
0xb7: {  	s30 =	sld [smem:$0x0];
	_ =	sdelay $0x2  }
0xb8: {  	s31 =	sshll.u32 s1, $0xD;
	s1 =	sshrl.u32 s1, $0x2  }
0xb9: {  	s3 =	sand.u32 $0x4000, s31;
	s1 =	sadd.s32 s1, s30  }
0xba: {  	s0 =	sor.u32 s3, s0;
	s1 =	sshll.u32 s1, $0x11  }
0xbb: {  	s0 =	sor.u32 s1, s0  }
0xbc: {  	s0 =	sadd.s32 $0x8F2B, s0  }
0xbd: {  	[sflag:s0] =	ssyncadd.remote.s32 $0x1  }
0xbe: {  	_ =	sfence.sel $0xFFFF  }
0xbf: {  	[dreg:$0x0] =	wrdreg $0xFFFFFFFF;
	(pc) =	sbr.abs _section_cstart, $3  }
0xc0: {  	[dreg:$0x1] =	wrdreg $0xFFFFFFFF  }
0xc1: {  	_ =	task.clear_ibuf [dreg:s6], $0x2FFFF;
	_ =	strace $0x9FFFFFFF  }
0xc2: {  	(tm) =	ssettm $0x7FFFFFFF  }
0xc3: {  	_ =	shalt  }
tec
execute0_lowered:
.L_overlay_start_1:
0x0: {  	(tag) =	ssettag $0x1  }
0x1: {  	s0 =	rddreg [dreg:$0x0]  }
0x2: {  	s1 =	rddreg [dreg:$0x1];
	s3 =	simm.s32 $0x0  }
0x3: {  	s2 =	srdreg.scid;
	s10 =	stileid.u32;
	s28 =	simm.s32 $0x200  }
0x4: {  	s29 =	simm.s32 $0x4200;
	s30 =	simm.s32 $0x5;
	s31 =	simm.s32 $0x4  }
0x5: {  	[smem:$0x7FF] =	sst s3;
	s2 =	sand.u32 $0x1, s2;
	s6 =	sshll.u32 s10, $0x1  }
0x6: {  	s4 =	sadd.s32 $0x15600, s0;
	s5 =	sadd.s32 $0x1600, s0;
	s11 =	smul.u32 $0x50000, s10  }
0x7: {  	s16 =	smul.u32 $0x14000, s10;
	_ =	strace $0x8000004A;
	s7 =	sor.u32 s2, s6  }
0x8: {  	s6 =	sadd.s32 $0xB600, s0;
	s8 =	ssub.s32 $0x2, s2;
	s0 =	sadd.s32 $0x3C800, s0  }
0x9: {  	s7 =	smul.u32 $0x500, s7;
	s9 =	sshrl.u32 s8, $0x1;
	s22 =	sshrl.u32 s11, $0x2  }
0xa: {  	s23 =	sadd.s32 $0x4000, s16;
	s24 =	sadd.s32 $0x8000, s16;
	s8 =	ssub.s32 s8, s9  }
0xb: {  	s11 =	sadd.s32 s22, s1;
	s13 =	sadd.s32 s24, s1;
	s12 =	sadd.s32 s5, s7  }
0xc: {  	s19 =	sor.u32 $0x10, s7;
	s7 =	sadd.s32 s6, s7;
	[dreg:$0x3] =	wrdreg s12  }
0xd: {  	s22 =	smul.u32 $0xA00, s10;
	[dreg:$0x4] =	wrdreg s7;
	s20 =	sadd.s32 s5, s19  }
0xe: {  	s21 =	sadd.s32 s6, s19;
	s12 =	sadd.s32 s23, s1;
	[dreg:$0x5] =	wrdreg s20  }
0xf: {  	s19 =	sadd.s32 $0xC000, s16;
	[dreg:$0x6] =	wrdreg s21;
	s21 =	smul.u32 $0x140000, s2  }
0x10: {  	s20 =	sadd.s32 $0x10000, s16;
	s14 =	sadd.s32 s19, s1;
	s2 =	smul.u32 $0x500, s2  }
0x11: {  	s15 =	sadd.s32 s20, s1;
	s16 =	sadd.s32 s16, s21;
	s9 =	sadd.s32 s21, s23  }
0x12: {  	s7 =	sadd.s32 s21, s24;
	s25 =	sadd.s32 s21, s19;
	s26 =	sadd.s32 s21, s20  }
0x13: {  	s21 =	smax.u32 s8, $0x1;
	s22 =	sadd.s32 s2, s22;
	s23 =	simm.s32 $0x100  }
0x14: {  	s24 =	simm.s32 $0x80;
	s2 =	simm.s32 $0x2;
	s16 =	sshrl.u32 s16, $0x3  }
0x15: {  	s9 =	sshrl.u32 s9, $0x3;
	s7 =	sshrl.u32 s7, $0x3;
	s16 =	sadd.s32 s0, s16  }
0x16: {  	s9 =	sadd.s32 s0, s9;
	s18 =	sadd.s32 s0, s7;
	[dreg:$0x7] =	wrdreg s16  }
0x17: {  	s7 =	sshrl.u32 s25, $0x3;
	s25 =	simm.s32 $0x180;
	[dreg:$0x8] =	wrdreg s9  }
0x18: {  	s9 =	sshrl.u32 s26, $0x3;
	s19 =	sadd.s32 s0, s7;
	s26 =	simm.s32 $0x3  }
0x19: {  	v0 =	vimm.f32 $0.0e+00;
	s7 =	simm.s32 $0x0;
	s20 =	sadd.s32 s0, s9;
	s0 =	simm.s32 $0x1  }
.LBB2_1:
0x1a: {  	s8 =	rddreg [dreg:$0x3]  }
0x1b: {  	[tilespmem:s3], [sflag:$0x3] =	stream.linear.gather [hbm4b:s8+s3], $0x80, $0x38;
	[tilespmem:$0x1C200] =	vst v63  }
0x1c: {  	s10 =	rddreg [dreg:$0x4]  }
0x1d: {  	[tilespmem:s23], [sflag:$0x3] =	stream.linear.gather [hbm4b:s10+s3], $0x80, $0x38;
	[tilespmem:$0x1C200] =	vst v63  }
0x1e: {  	s16 =	rddreg [dreg:$0x5]  }
0x1f: {  	[tilespmem:s24], [sflag:$0x4] =	stream.linear.gather [hbm4b:s16+s3], $0x80, $0x38;
	[tilespmem:$0x1C200] =	vst v63  }
0x20: {  	s17 =	rddreg [dreg:$0x6]  }
0x21: {  	[tilespmem:s25], [sflag:$0x4] =	stream.linear.gather [hbm4b:s17+s3], $0x80, $0x38;
	[tilespmem:$0x1C200] =	vst v63  }
0x22: {  	_ =	swait.ge [sflag:s26], $0x80  }
0x23: {  	[sflag:s26] =	ssyncset.done $0x0  }
0x24: {  	[sflag:s26] =	ssyncadd.s32 $0xFFFFFF80  }
0x25: {  	_ =	swait.ge [sflag:s26], $0x80  }
0x26: {  	[sflag:s26] =	ssyncset.done $0x0  }
0x27: {  	s9 =	simm.s32 $0x200;
	s8 =	simm.s32 $0x0;
	[sflag:s26] =	ssyncadd.s32 $0xFFFFFF80  }
0x28: {  	[tilespmem:s28], [sflag:$0x1] =	stream.indirect.gather [hbm4b:s4+s24], $0x80, s3, s24, $0xb8;
	[tilespmem:$0x1C200] =	vst v63  }
.LBB2_2:
0x29: {  	p0 =	sne.s32 s9, $0xFE00;
	[tilespmem:s8+$0x4270] =	vst v0  }
0x2a: {  	[tilespmem:s8+$0x4200] =	vst v0  }
0x2b: {  	[tilespmem:s8+$0x4210] =	vst v0  }
.Ltmp0:
0x2c: {  	[tilespmem:s8+$0x4220] =	vst v0;
	(pc) =	sbr.rel @p0 .LBB2_2-.Ltmp0, $4  }
0x2d: {  	[tilespmem:s8+$0x4230] =	vst v0  }
0x2e: {  	[tilespmem:s8+$0x4240] =	vst v0  }
0x2f: {  	[tilespmem:s8+$0x4250] =	vst v0  }
0x30: {  	[tilespmem:s8+$0x4260] =	vst v0;
	s8 =	sshra.s32 s9, $0x2;
	s9 =	sadd.s32 $0x200, s9  }
0x31: {  	[tilespmem:s8+$0x4270] =	vst v0  }
0x32: {  	[tilespmem:s8+$0x4200] =	vst v0  }
0x33: {  	[tilespmem:s8+$0x4210] =	vst v0  }
0x34: {  	[tilespmem:s8+$0x4220] =	vst v0  }
0x35: {  	[tilespmem:s8+$0x4230] =	vst v0  }
0x36: {  	[tilespmem:s8+$0x4240] =	vst v0  }
0x37: {  	[tilespmem:s8+$0x4250] =	vst v0  }
0x38: {  	[tilespmem:s8+$0x4260] =	vst v0  }
0x39: {  	[spmem:s11] =	stream.linear.scatter [tilespmem:s29], [sflag:$0x5], $0x4000, $0x38;
	[tilespmem:$0x1C200] =	vst v63  }
0x3a: {  	_ =	swait.ge [sflag:s30], $0x4000  }
0x3b: {  	[sflag:s30] =	ssyncset.done $0x0  }
0x3c: {  	[sflag:s30] =	ssyncadd.s32 $0xFFFFC000  }
0x3d: {  	[spmem:s12] =	stream.linear.scatter [tilespmem:s29], [sflag:$0x5], $0x4000, $0x38;
	[tilespmem:$0x1C200] =	vst v63  }
0x3e: {  	_ =	swait.ge [sflag:s30], $0x4000  }
0x3f: {  	[sflag:s30] =	ssyncset.done $0x0  }
0x40: {  	[sflag:s30] =	ssyncadd.s32 $0xFFFFC000  }
0x41: {  	[spmem:s13] =	stream.linear.scatter [tilespmem:s29], [sflag:$0x5], $0x4000, $0x38;
	[tilespmem:$0x1C200] =	vst v63  }
0x42: {  	_ =	swait.ge [sflag:s30], $0x4000  }
0x43: {  	[sflag:s30] =	ssyncset.done $0x0  }
0x44: {  	[sflag:s30] =	ssyncadd.s32 $0xFFFFC000  }
0x45: {  	[spmem:s14] =	stream.linear.scatter [tilespmem:s29], [sflag:$0x5], $0x4000, $0x38;
	[tilespmem:$0x1C200] =	vst v63  }
0x46: {  	_ =	swait.ge [sflag:s30], $0x4000  }
0x47: {  	[sflag:s30] =	ssyncset.done $0x0  }
0x48: {  	[sflag:s30] =	ssyncadd.s32 $0xFFFFC000  }
0x49: {  	[spmem:s15] =	stream.linear.scatter [tilespmem:s29], [sflag:$0x5], $0x4000, $0x38;
	[tilespmem:$0x1C200] =	vst v63  }
0x4a: {  	_ =	swait.ge [sflag:s30], $0x4000  }
0x4b: {  	[sflag:s30] =	ssyncset.done $0x0  }
0x4c: {  	[sflag:s30] =	ssyncadd.s32 $0xFFFFC000  }
0x4d: {  	[bflag:$0x0] =	sbarrier.arrive $0xFFFF  }
0x4e: {  	_ =	swait.ge [sflag:s31], $0x80  }
0x4f: {  	[sflag:s31] =	ssyncset.done $0x0  }
0x50: {  	[sflag:s31] =	ssyncadd.s32 $0xFFFFFF80  }
0x51: {  	_ =	swait.ge [sflag:s31], $0x80  }
0x52: {  	[sflag:s31] =	ssyncset.done $0x0  }
0x53: {  	[sflag:s31] =	ssyncadd.s32 $0xFFFFFF80  }
0x54: {  	[tilespmem:s29], [sflag:$0x2] =	stream.indirect.gather [hbm4b:s4+s24], $0x80, s24, s24, $0xb8;
	[tilespmem:$0x1C200] =	vst v63  }
0x55: {  	_ =	swait.ge [sflag:s0], $0x4000  }
0x56: {  	s16 =	sadd.s32 $0x30, s22;
	[sflag:s0] =	ssyncset.done $0x0  }
0x57: {  	s9 =	simm.s32 $0x20;
	s10 =	sadd.s32 $0xFFFFFFF0, s16;
	[sflag:s0] =	ssyncadd.s32 $0xFFFFC000  }
0x58: {  	[spmem:s1] =	stream.indirect.scatter.add.f32 [tilespmem:s28], [sflag:$0x5], $0x80, s23, s24, $0xb8;
	[tilespmem:$0x1C200] =	vst v63  }
0x59: {  	s9 =	sand.u32 $0x60, s9;
	s10 =	sand.u32 $0xFFFFF80, s10;
	_ =	swait.ge [sflag:s30], $0x4000  }
0x5a: {  	s9 =	sor.u32 s9, s10;
	[sflag:s30] =	ssyncset.done $0x0  }
0x5b: {  	s10 =	sadd.s32 s5, s9;
	[sflag:s30] =	ssyncadd.s32 $0xFFFFC000  }
0x5c: {  	[tilespmem:s3], [sflag:$0x3] =	stream.linear.gather [hbm4b:s10+s3], $0x80, $0x38;
	[tilespmem:$0x1C200] =	vst v63  }
0x5d: {  	s9 =	sadd.s32 s6, s9  }
0x5e: {  	[tilespmem:s23], [sflag:$0x3] =	stream.linear.gather [hbm4b:s9+s3], $0x80, $0x38;
	[tilespmem:$0x1C200] =	vst v63  }
0x5f: {  	_ =	swait.ge [sflag:s26], $0x80  }
0x60: {  	[sflag:s26] =	ssyncset.done $0x0  }
0x61: {  	[sflag:s26] =	ssyncadd.s32 $0xFFFFFF80  }
0x62: {  	_ =	swait.ge [sflag:s26], $0x80  }
0x63: {  	[sflag:s26] =	ssyncset.done $0x0  }
0x64: {  	[sflag:s26] =	ssyncadd.s32 $0xFFFFFF80  }
0x65: {  	[tilespmem:s28], [sflag:$0x1] =	stream.indirect.gather [hbm4b:s4+s24], $0x80, s3, s24, $0xb8;
	[tilespmem:$0x1C200] =	vst v63  }
0x66: {  	_ =	swait.ge [sflag:s2], $0x4000  }
0x67: {  	[sflag:s2] =	ssyncset.done $0x0  }
0x68: {  	s17 =	simm.s32 $0x30;
	[sflag:s2] =	ssyncadd.s32 $0xFFFFC000  }
0x69: {  	[spmem:s1] =	stream.indirect.scatter.add.f32 [tilespmem:s29], [sflag:$0x5], $0x80, s25, s24, $0xb8;
	[tilespmem:$0x1C200] =	vst v63  }
0x6a: {  	s8 =	sand.u32 $0xFFFFF80, s16;
	s9 =	sand.u32 $0x70, s17;
	_ =	swait.ge [sflag:s30], $0x4000  }
0x6b: {  	s9 =	sor.u32 s9, s8;
	[sflag:s30] =	ssyncset.done $0x0  }
0x6c: {  	s8 =	sadd.s32 s5, s9;
	[sflag:s30] =	ssyncadd.s32 $0xFFFFC000  }
0x6d: {  	[tilespmem:s24], [sflag:$0x4] =	stream.linear.gather [hbm4b:s8+s3], $0x80, $0x38;
	[tilespmem:$0x1C200] =	vst v63  }
0x6e: {  	s9 =	sadd.s32 s6, s9;
	s8 =	simm.s32 $0x50  }
.LBB2_4:
0x6f: {  	p0 =	sne.s32 s8, $0x4F0;
	s10 =	smov.u32 s8;
	s8 =	sadd.s32 $0x20, s8  }
0x70: {  	[tilespmem:s25], [sflag:$0x4] =	stream.linear.gather [hbm4b:s9+s3], $0x80, $0x38;
	[tilespmem:$0x1C200] =	vst v63  }
0x71: {  	_ =	swait.ge [sflag:s31], $0x80  }
0x72: {  	[sflag:s31] =	ssyncset.done $0x0  }
0x73: {  	[sflag:s31] =	ssyncadd.s32 $0xFFFFFF80  }
0x74: {  	_ =	swait.ge [sflag:s31], $0x80  }
0x75: {  	[sflag:s31] =	ssyncset.done $0x0  }
0x76: {  	[sflag:s31] =	ssyncadd.s32 $0xFFFFFF80  }
0x77: {  	[tilespmem:s29], [sflag:$0x2] =	stream.indirect.gather [hbm4b:s4+s24], $0x80, s24, s24, $0xb8;
	[tilespmem:$0x1C200] =	vst v63  }
0x78: {  	_ =	swait.ge [sflag:s0], $0x4000  }
0x79: {  	s9 =	sand.u32 $0x70, s10;
	[sflag:s0] =	ssyncset.done $0x0  }
0x7a: {  	s16 =	sadd.s32 s10, s22;
	s10 =	sadd.s32 $0xFFFFFFF0, s10;
	[sflag:s0] =	ssyncadd.s32 $0xFFFFC000  }
0x7b: {  	[spmem:s1] =	stream.indirect.scatter.add.f32 [tilespmem:s28], [sflag:$0x5], $0x80, s23, s24, $0xb8;
	[tilespmem:$0x1C200] =	vst v63  }
0x7c: {  	s17 =	sadd.s32 $0xFFFFFFF0, s16;
	s10 =	sand.u32 $0x60, s10;
	_ =	swait.ge [sflag:s30], $0x4000  }
0x7d: {  	s16 =	sand.u32 $0xFFFFF80, s16;
	s17 =	sand.u32 $0xFFFFF80, s17;
	[sflag:s30] =	ssyncset.done $0x0  }
0x7e: {  	s9 =	sor.u32 s9, s16;
	s10 =	sor.u32 s10, s17;
	[sflag:s30] =	ssyncadd.s32 $0xFFFFC000  }
0x7f: {  	s16 =	sadd.s32 s5, s10;
	s10 =	sadd.s32 s6, s10  }
0x80: {  	[tilespmem:s3], [sflag:$0x3] =	stream.linear.gather [hbm4b:s16+s3], $0x80, $0x38;
	[tilespmem:$0x1C200] =	vst v63  }
0x81: {  	_ = 	snop  }
0x82: {  	[tilespmem:s23], [sflag:$0x3] =	stream.linear.gather [hbm4b:s10+s3], $0x80, $0x38;
	[tilespmem:$0x1C200] =	vst v63  }
0x83: {  	_ =	swait.ge [sflag:s26], $0x80  }
0x84: {  	[sflag:s26] =	ssyncset.done $0x0  }
0x85: {  	[sflag:s26] =	ssyncadd.s32 $0xFFFFFF80  }
0x86: {  	_ =	swait.ge [sflag:s26], $0x80  }
0x87: {  	[sflag:s26] =	ssyncset.done $0x0  }
0x88: {  	[sflag:s26] =	ssyncadd.s32 $0xFFFFFF80  }
0x89: {  	[tilespmem:s28], [sflag:$0x1] =	stream.indirect.gather [hbm4b:s4+s24], $0x80, s3, s24, $0xb8;
	[tilespmem:$0x1C200] =	vst v63  }
0x8a: {  	_ =	swait.ge [sflag:s2], $0x4000  }
0x8b: {  	[sflag:s2] =	ssyncset.done $0x0  }
0x8c: {  	[sflag:s2] =	ssyncadd.s32 $0xFFFFC000  }
0x8d: {  	[spmem:s1] =	stream.indirect.scatter.add.f32 [tilespmem:s29], [sflag:$0x5], $0x80, s25, s24, $0xb8;
	[tilespmem:$0x1C200] =	vst v63  }
.Ltmp1:
0x8e: {  	_ = 	snop;
	(pc) =	sbr.rel @p0 .LBB2_4-.Ltmp1, $4  }
0x8f: {  	_ =	swait.ge [sflag:s30], $0x4000  }
0x90: {  	s10 =	sadd.s32 s5, s9;
	[sflag:s30] =	ssyncset.done $0x0  }
0x91: {  	s9 =	sadd.s32 s6, s9;
	[sflag:s30] =	ssyncadd.s32 $0xFFFFC000  }
0x92: {  	[tilespmem:s24], [sflag:$0x4] =	stream.linear.gather [hbm4b:s10+s3], $0x80, $0x38;
	[tilespmem:$0x1C200] =	vst v63  }
0x93: {  	[tilespmem:s25], [sflag:$0x4] =	stream.linear.gather [hbm4b:s9+s3], $0x80, $0x38;
	[tilespmem:$0x1C200] =	vst v63  }
0x94: {  	_ =	swait.ge [sflag:s31], $0x80  }
0x95: {  	[sflag:s31] =	ssyncset.done $0x0  }
0x96: {  	[sflag:s31] =	ssyncadd.s32 $0xFFFFFF80  }
0x97: {  	_ =	swait.ge [sflag:s31], $0x80  }
0x98: {  	[sflag:s31] =	ssyncset.done $0x0  }
0x99: {  	[sflag:s31] =	ssyncadd.s32 $0xFFFFFF80  }
0x9a: {  	[tilespmem:s29], [sflag:$0x2] =	stream.indirect.gather [hbm4b:s4+s24], $0x80, s24, s24, $0xb8;
	[tilespmem:$0x1C200] =	vst v63  }
0x9b: {  	_ =	swait.ge [sflag:s0], $0x4000  }
0x9c: {  	[sflag:s0] =	ssyncset.done $0x0  }
0x9d: {  	[sflag:s0] =	ssyncadd.s32 $0xFFFFC000  }
0x9e: {  	[spmem:s1] =	stream.indirect.scatter.add.f32 [tilespmem:s28], [sflag:$0x5], $0x80, s23, s24, $0xb8;
	[tilespmem:$0x1C200] =	vst v63  }
0x9f: {  	_ =	swait.ge [sflag:s30], $0x4000  }
0xa0: {  	[sflag:s30] =	ssyncset.done $0x0  }
0xa1: {  	[sflag:s30] =	ssyncadd.s32 $0xFFFFC000  }
0xa2: {  	_ =	swait.ge [sflag:s2], $0x4000  }
0xa3: {  	[sflag:s2] =	ssyncset.done $0x0  }
0xa4: {  	[sflag:s2] =	ssyncadd.s32 $0xFFFFC000  }
0xa5: {  	[spmem:s1] =	stream.indirect.scatter.add.f32 [tilespmem:s29], [sflag:$0x5], $0x80, s25, s24, $0xb8;
	[tilespmem:$0x1C200] =	vst v63  }
0xa6: {  	_ =	swait.ge [sflag:s30], $0x4000  }
0xa7: {  	[sflag:s30] =	ssyncset.done $0x0  }
0xa8: {  	[sflag:s30] =	ssyncadd.s32 $0xFFFFC000  }
0xa9: {  	[bflag:$0x0] =	sbarrier.arrive $0xFFFF  }
0xaa: {  	[tilespmem:s28], [sflag:$0x5] =	stream.linear.gather [spmem:s11], $0x4000, $0x38;
	[tilespmem:$0x1C200] =	vst v63  }
0xab: {  	_ =	swait.ge [sflag:s30], $0x4000  }
0xac: {  	[sflag:s30] =	ssyncset.done $0x0  }
0xad: {  	s8 =	rddreg [dreg:$0x7];
	[sflag:s30] =	ssyncadd.s32 $0xFFFFC000  }
0xae: {  	[hbm4b:s8+s3] =	stream.linear.scatter [tilespmem:s28], [sflag:$0x1], $0x4000, $0x38;
	[tilespmem:$0x1C200] =	vst v63  }
0xaf: {  	_ = 	snop  }
0xb0: {  	[tilespmem:s29], [sflag:$0x5] =	stream.linear.gather [spmem:s12], $0x4000, $0x38;
	[tilespmem:$0x1C200] =	vst v63  }
0xb1: {  	_ =	swait.ge [sflag:s30], $0x4000  }
0xb2: {  	[sflag:s30] =	ssyncset.done $0x0  }
0xb3: {  	s17 =	rddreg [dreg:$0x8];
	[sflag:s30] =	ssyncadd.s32 $0xFFFFC000  }
0xb4: {  	[hbm4b:s17+s3] =	stream.linear.scatter [tilespmem:s29], [sflag:$0x2], $0x4000, $0x38;
	[tilespmem:$0x1C200] =	vst v63  }
0xb5: {  	_ =	swait.ge [sflag:s0], $0x4000  }
0xb6: {  	[sflag:s0] =	ssyncset.done $0x0  }
0xb7: {  	[sflag:s0] =	ssyncadd.s32 $0xFFFFC000  }
0xb8: {  	[tilespmem:s28], [sflag:$0x5] =	stream.linear.gather [spmem:s13], $0x4000, $0x38;
	[tilespmem:$0x1C200] =	vst v63  }
0xb9: {  	_ =	swait.ge [sflag:s30], $0x4000  }
0xba: {  	[sflag:s30] =	ssyncset.done $0x0  }
0xbb: {  	[sflag:s30] =	ssyncadd.s32 $0xFFFFC000  }
0xbc: {  	[hbm4b:s18+s3] =	stream.linear.scatter [tilespmem:s28], [sflag:$0x1], $0x4000, $0x38;
	[tilespmem:$0x1C200] =	vst v63  }
0xbd: {  	_ =	swait.ge [sflag:s2], $0x4000  }
0xbe: {  	[sflag:s2] =	ssyncset.done $0x0  }
0xbf: {  	[sflag:s2] =	ssyncadd.s32 $0xFFFFC000  }
0xc0: {  	[tilespmem:s29], [sflag:$0x5] =	stream.linear.gather [spmem:s14], $0x4000, $0x38;
	[tilespmem:$0x1C200] =	vst v63  }
0xc1: {  	_ =	swait.ge [sflag:s30], $0x4000  }
0xc2: {  	[sflag:s30] =	ssyncset.done $0x0  }
0xc3: {  	[sflag:s30] =	ssyncadd.s32 $0xFFFFC000  }
0xc4: {  	[hbm4b:s19+s3] =	stream.linear.scatter [tilespmem:s29], [sflag:$0x2], $0x4000, $0x38;
	[tilespmem:$0x1C200] =	vst v63  }
0xc5: {  	_ =	swait.ge [sflag:s0], $0x4000  }
0xc6: {  	[sflag:s0] =	ssyncset.done $0x0  }
0xc7: {  	[sflag:s0] =	ssyncadd.s32 $0xFFFFC000  }
0xc8: {  	[tilespmem:s28], [sflag:$0x5] =	stream.linear.gather [spmem:s15], $0x4000, $0x38;
	[tilespmem:$0x1C200] =	vst v63  }
0xc9: {  	_ =	swait.ge [sflag:s30], $0x4000  }
0xca: {  	[sflag:s30] =	ssyncset.done $0x0  }
0xcb: {  	s7 =	sadd.s32 $0x1, s7;
	[sflag:s30] =	ssyncadd.s32 $0xFFFFC000  }
0xcc: {  	[hbm4b:s20+s3] =	stream.linear.scatter [tilespmem:s28], [sflag:$0x1], $0x4000, $0x38;
	[tilespmem:$0x1C200] =	vst v63  }
0xcd: {  	p0 =	sne.s32 s7, s21;
	_ =	swait.ge [sflag:s0], $0x4000  }
.Ltmp2:
0xce: {  	[sflag:s0] =	ssyncset.done $0x0;
	(pc) =	sbr.rel @p0 .LBB2_1-.Ltmp2, $4  }
0xcf: {  	[sflag:s0] =	ssyncadd.s32 $0xFFFFC000  }
0xd0: {  	_ =	swait.ge [sflag:s2], $0x4000  }
0xd1: {  	[sflag:s2] =	ssyncset.done $0x0  }
0xd2: {  	[sflag:s2] =	ssyncadd.s32 $0xFFFFC000  }
0xd3: {  	_ =	sfence.sel $0x180000  }
0xd4: {  	[bflag:$0x0] =	sbarrier.arrive $0xFFFF  }
0xd5: {  	_ =	strace $0x9000004A  }
0xd6: {  	s0 =	stileid.u32;
	[bflag:$0x2] =	sbarrier.arrive $0xFFFF  }
0xd7: {  	p0 =	sne.s32 s0, $0x0;
	s0 =	rddreg [dreg:$0x2]  }
0xd8: {  	s0 =	sadd.s32 @!p0 $0x100000, s0  }
0xd9: {  	[sflag:s0] =	ssyncadd.tile.s32 @!p0 $0x1;
	_ =	shalt  }
.Lfunc_end2:
_tile_overlayer_lowered:
.L_overlay_start_2:
0xda: {  	(tag) =	ssettag $0x2  }
0xdb: {  	s0 =	rddreg [dreg:$0x0];
	s2 =	stileid.u32  }
0xdc: {  	s1 =	rddreg [dreg:$0x1];
	p0 =	sne.s32 s2, $0x0  }
0xdd: {  	s3 =	rddreg [dreg:$0x2];
	[bflag:$0x3] =	sbarrier.arrive $0xFFFF;
	s2 =	simm.s32 @!p0 $0x1C05  }
0xde: {  	[timem:s3], [sflag:s2] =	dma.local @!p0 [hbm:s0], s1  }
0xdf: {  	s0 =	simm.s32 @!p0 $0x5  }
0xe0: {  	_ =	swait.ge @!p0 [sflag:s0], s1  }
0xe1: {  	s1 =	ssub.s32 @!p0 $0x0, s1;
	[sflag:s0] =	ssyncset.done @!p0 $0x0  }
0xe2: {  	[sflag:s0] =	ssyncadd.s32 @!p0 s1  }
0xe3: {  	[bflag:$0x3] =	sbarrier.arrive $0xFFFF  }
0xe4: {  	_ =	shalt  }

</sc_bundles>
